<compile_context>
chip_gen: v7x
topology: tpu7x:2x2x1
jax: 0.10.2.dev20260603
libtpu: 0.0.44.dev20260713+nightly
codegen_flags: <defaults>
</compile_context>

<pallas_src>
import functools

import jax
import jax.numpy as jnp
from jax import lax
from jax.experimental import pallas as pl
from jax.experimental.pallas import tpu as pltpu
from jax.experimental.pallas import tpu_sc as plsc

B = 4096
D = 64
H = 50
NC = 2
NS = 16
NW = NC * NS
PB = B // NW
NCHAIN = 4
LANES = 16
F32 = jnp.float32

_mesh = plsc.VectorSubcoreMesh(core_axis_name="c", subcore_axis_name="s")


@functools.partial(
    pl.kernel,
    out_type=jax.ShapeDtypeStruct((B, 3 * D), F32),
    mesh=_mesh,
    compiler_params=pltpu.CompilerParams(use_tc_tiling_on_sc=False,
                                         needs_layout_passes=False),
    scratch_types=[
        pltpu.VMEM((H, PB), jnp.int32),
        pltpu.VMEM((PB,), jnp.int32),
        pltpu.VMEM((PB,), jnp.int32),
        pltpu.VMEM((PB, D), F32),
        pltpu.VMEM((PB, D), F32),
        pltpu.VMEM((NCHAIN, PB, D), F32),
        pltpu.VMEM((PB, D), F32),
        pltpu.VMEM((PB,), F32),
        pltpu.SemaphoreType.DMA,
        pltpu.SemaphoreType.DMA,
        pltpu.SemaphoreType.DMA,
        pltpu.SemaphoreType.DMA,
        pltpu.SemaphoreType.DMA,
        pltpu.SemaphoreType.DMA,
        pltpu.SemaphoreType.DMA,
    ],
)
def _sc_embed(histT_hbm, uid_hbm, iid_hbm, utab_hbm, itab_hbm, out_hbm,
              hidx, uidx, iidx, urows, irows, acc, pooled, cnt,
              sem_u, sem_i, sem_x, sem_h0, sem_h1, sem_h2, sem_h3):
  sems_h = [sem_h0, sem_h1, sem_h2, sem_h3]
  c = lax.axis_index("c")
  s = lax.axis_index("s")
  wid = s * NC + c
  base = wid * PB

  cp_u = pltpu.async_copy(uid_hbm.at[pl.ds(base, PB)], uidx, sem_u)
  cp_i = pltpu.async_copy(iid_hbm.at[pl.ds(base, PB)], iidx, sem_i)
  cp_h = pltpu.async_copy(histT_hbm.at[:, pl.ds(base, PB)], hidx, sem_x)
  cp_u.wait()
  cp_i.wait()

  g_u = pltpu.async_copy(utab_hbm.at[uidx], urows, sem_u)
  g_i = pltpu.async_copy(itab_hbm.at[iidx], irows, sem_i)
  cp_h.wait()

  pending = [None] * NCHAIN
  for l in range(H):
    k = l % NCHAIN
    if pending[k] is not None:
      pending[k].wait()
    pending[k] = pltpu.async_copy(
        itab_hbm.at[hidx.at[l]], acc.at[k], sems_h[k], add=(l >= NCHAIN))

  def cbody(l, carry):
    out = []
    for j in range(PB // LANES):
      v = hidx[l, pl.ds(j * LANES, LANES)]
      out.append(carry[j] + jnp.where(v != 0, 1.0, 0.0).astype(F32))
    return tuple(out)

  counts = lax.fori_loop(
      0, H, cbody, tuple(jnp.zeros((LANES,), F32) for _ in range(PB // LANES)))
  for j in range(PB // LANES):
    cnt[pl.ds(j * LANES, LANES)] = counts[j]

  for k in range(NCHAIN):
    pending[k].wait()

  def fbody(r, carry):
    denom = plsc.load_gather(cnt, [jnp.full((LANES,), r, jnp.int32)]) + 1e-9
    recip = 1.0 / denom
    for j in range(D // LANES):
      dsj = pl.ds(j * LANES, LANES)
      v = acc[0, r, dsj] + acc[1, r, dsj] + acc[2, r, dsj] + acc[3, r, dsj]
      pooled[r, dsj] = v * recip
    return carry

  lax.fori_loop(0, PB, fbody, 0)

  g_u.wait()
  g_i.wait()

  pltpu.sync_copy(urows, out_hbm.at[pl.ds(base, PB), pl.ds(0, D)])
  pltpu.sync_copy(pooled, out_hbm.at[pl.ds(base, PB), pl.ds(D, D)])
  pltpu.sync_copy(irows, out_hbm.at[pl.ds(base, PB), pl.ds(2 * D, D)])


def kernel(user_id, history, item_id, user_tab, item_tab):
  histT = jnp.transpose(history.astype(jnp.int32))
  return _sc_embed(histT, user_id.astype(jnp.int32),
                   item_id.astype(jnp.int32), user_tab, item_tab)

# --- scband reference (transcript-rebuilt; emitter-appended) ---
"""Pipeline reference for scband-base-model-3530463117537 (READ-ONLY COPY).

The authoritative reference and input builder live on the scoring server;
editing this copy changes nothing except your own understanding.
"""

import jax, jax.numpy as jnp
import numpy as np

VOCAB = 1000000
DIM = 64
BATCH = 4096
HIST = 50


def setup_inputs(seed: int = 0) -> dict:
    key = jax.random.key(seed)
    k1, k2, k3, k4, k5 = jax.random.split(key, 5)
    user_id = jax.random.randint(k1, (BATCH,), 0, VOCAB)
    history = jax.random.randint(k2, (BATCH, HIST), 0, VOCAB)
    item_id = jax.random.randint(k3, (BATCH,), 0, VOCAB)
    user_tab = jax.random.normal(k4, (VOCAB, DIM), dtype=jnp.float32) * 0.02
    item_tab = jax.random.normal(k5, (VOCAB, DIM), dtype=jnp.float32) * 0.02
    # padding_idx=0: zero out row 0 as nn.Embedding(padding_idx=0) does
    user_tab = user_tab.at[0].set(0.0)
    item_tab = item_tab.at[0].set(0.0)
    return {"user_id": user_id, "history": history, "item_id": item_id,
            "user_tab": user_tab, "item_tab": item_tab}


def reference(user_id, history, item_id, user_tab, item_tab):
    # embed_input_fields for fields: user_id, history_item_id (mean-pooled), item_id
    user_emb = jnp.take(user_tab, user_id, axis=0)            # [B, D]
    hist_emb = jnp.take(item_tab, history, axis=0)            # [B, L, D]
    # mean_pooling: mask out padding id == 0
    mask = (history != 0)
    pooled = jnp.sum(hist_emb * mask[..., None].astype(hist_emb.dtype), axis=1)
    pooled = pooled / (jnp.sum(mask, axis=1, keepdims=True).astype(hist_emb.dtype) + 1e-09)
    item_emb = jnp.take(item_tab, item_id, axis=0)            # [B, D]
    return jnp.concatenate([user_emb, pooled, item_emb], axis=-1)  # [B, 3*D]

if __name__ == "__main__":
    import jax
    _d = setup_inputs()
    print(jax.jit(kernel)(*tuple(_d.values())))

</pallas_src>

<mosaic_0001>
#map = affine_map<(d0, d1) -> (0, 0)>
#map1 = affine_map<(d0, d1) -> (0)>
module attributes {stable_mosaic.version = 14 : i64} {
  func.func @_sc_embed(%arg0: i32, %arg1: i32, %arg2: memref<50x4096xi32, #tpu.memory_space<hbm>>, %arg3: memref<4096xi32, #tpu.memory_space<hbm>>, %arg4: memref<4096xi32, #tpu.memory_space<hbm>>, %arg5: memref<1000000x64xf32, #tpu.memory_space<hbm>>, %arg6: memref<1000000x64xf32, #tpu.memory_space<hbm>>, %arg7: memref<4096x192xf32, #tpu.memory_space<hbm>>, %arg8: memref<50x128xi32, #tpu.memory_space<vmem>>, %arg9: memref<128xi32, #tpu.memory_space<vmem>>, %arg10: memref<128xi32, #tpu.memory_space<vmem>>, %arg11: memref<128x64xf32, #tpu.memory_space<vmem>>, %arg12: memref<128x64xf32, #tpu.memory_space<vmem>>, %arg13: memref<4x128x64xf32, #tpu.memory_space<vmem>>, %arg14: memref<128x64xf32, #tpu.memory_space<vmem>>, %arg15: memref<128xf32, #tpu.memory_space<vmem>>, %arg16: memref<!tpu.dma_semaphore, #tpu.memory_space<semaphore_mem>>, %arg17: memref<!tpu.dma_semaphore, #tpu.memory_space<semaphore_mem>>, %arg18: memref<!tpu.dma_semaphore, #tpu.memory_space<semaphore_mem>>, %arg19: memref<!tpu.dma_semaphore, #tpu.memory_space<semaphore_mem>>, %arg20: memref<!tpu.dma_semaphore, #tpu.memory_space<semaphore_mem>>, %arg21: memref<!tpu.dma_semaphore, #tpu.memory_space<semaphore_mem>>, %arg22: memref<!tpu.dma_semaphore, #tpu.memory_space<semaphore_mem>>) attributes {dimension_semantics = [#tpu.dimension_semantics<core_parallel>, #tpu.dimension_semantics<subcore_parallel>], iteration_bounds = array<i64: 2, 16>, scalar_prefetch = 0 : i64, scratch_operands = 15 : i64, tpu.core_type = #tpu.core_type<sc_vector_subcore>, window_params = [{transform_indices = #map}, {transform_indices = #map1}, {transform_indices = #map1}, {transform_indices = #map}, {transform_indices = #map}, {transform_indices = #map}]} {
    %mul3A = arith.constant 2 : i32
    %mul3A_0 = arith.muli %arg1, %mul3A : i32
    %add3A = arith.addi %mul3A_0, %arg0 : i32
    %mul3A_1 = arith.constant 128 : i32
    %mul3A_2 = arith.muli %add3A, %mul3A_1 : i32
    %dma_start3A = tpu.memref_slice %arg3[%mul3A_2] : memref<4096xi32, #tpu.memory_space<hbm>> -> memref<128xi32, #tpu.memory_space<hbm>>
    %dma_start3A_3 = tpu.memref_slice %arg3[%mul3A_2] : memref<4096xi32, #tpu.memory_space<hbm>> -> memref<128xi32, #tpu.memory_space<hbm>>
    tpu.enqueue_dma source(%dma_start3A_3 : memref<128xi32, #tpu.memory_space<hbm>>) target(%arg9 : memref<128xi32, #tpu.memory_space<vmem>>) target_semaphore(%arg16 : memref<!tpu.dma_semaphore, #tpu.memory_space<semaphore_mem>>)
    %dma_start3A_4 = tpu.memref_slice %arg4[%mul3A_2] : memref<4096xi32, #tpu.memory_space<hbm>> -> memref<128xi32, #tpu.memory_space<hbm>>
    %dma_start3A_5 = tpu.memref_slice %arg4[%mul3A_2] : memref<4096xi32, #tpu.memory_space<hbm>> -> memref<128xi32, #tpu.memory_space<hbm>>
    tpu.enqueue_dma source(%dma_start3A_5 : memref<128xi32, #tpu.memory_space<hbm>>) target(%arg10 : memref<128xi32, #tpu.memory_space<vmem>>) target_semaphore(%arg17 : memref<!tpu.dma_semaphore, #tpu.memory_space<semaphore_mem>>)
    %dma_start3A_6 = arith.constant 0 : i32
    %dma_start3A_7 = tpu.memref_slice %arg2[%dma_start3A_6, %mul3A_2] : memref<50x4096xi32, #tpu.memory_space<hbm>> -> memref<50x128xi32, #tpu.memory_space<hbm>>
    %dma_start3A_8 = arith.constant 0 : i32
    %dma_start3A_9 = tpu.memref_slice %arg2[%dma_start3A_8, %mul3A_2] : memref<50x4096xi32, #tpu.memory_space<hbm>> -> memref<50x128xi32, #tpu.memory_space<hbm>>
    tpu.enqueue_dma source(%dma_start3A_9 : memref<50x128xi32, #tpu.memory_space<hbm>>) target(%arg8 : memref<50x128xi32, #tpu.memory_space<vmem>>) target_semaphore(%arg18 : memref<!tpu.dma_semaphore, #tpu.memory_space<semaphore_mem>>)
    %dma_wait3A = tpu.memref_slice %arg3[%mul3A_2] : memref<4096xi32, #tpu.memory_space<hbm>> -> memref<128xi32, #tpu.memory_space<hbm>>
    %dma_wait3A_10 = tpu.memref_slice %arg3[%mul3A_2] : memref<4096xi32, #tpu.memory_space<hbm>> -> memref<128xi32, #tpu.memory_space<hbm>>
    tpu.wait_dma2 semaphore(%arg16 : memref<!tpu.dma_semaphore, #tpu.memory_space<semaphore_mem>>) src(%dma_wait3A_10 : memref<128xi32, #tpu.memory_space<hbm>>) dst(%arg9 : memref<128xi32, #tpu.memory_space<vmem>>)
    %dma_wait3A_11 = tpu.memref_slice %arg4[%mul3A_2] : memref<4096xi32, #tpu.memory_space<hbm>> -> memref<128xi32, #tpu.memory_space<hbm>>
    %dma_wait3A_12 = tpu.memref_slice %arg4[%mul3A_2] : memref<4096xi32, #tpu.memory_space<hbm>> -> memref<128xi32, #tpu.memory_space<hbm>>
    tpu.wait_dma2 semaphore(%arg17 : memref<!tpu.dma_semaphore, #tpu.memory_space<semaphore_mem>>) src(%dma_wait3A_12 : memref<128xi32, #tpu.memory_space<hbm>>) dst(%arg10 : memref<128xi32, #tpu.memory_space<vmem>>)
    %dma_start3A_13 = arith.constant 0 : i32
    %dma_start3A_14 = arith.constant 0 : i32
    %dma_start3A_15 = tpu.memref_slice %arg5[%dma_start3A_13, %dma_start3A_14] : memref<1000000x64xf32, #tpu.memory_space<hbm>> -> memref<1000000x64xf32, #tpu.memory_space<hbm>>
    tpu.enqueue_indirect_dma source(%dma_start3A_15 : memref<1000000x64xf32, #tpu.memory_space<hbm>>) target(%arg11 : memref<128x64xf32, #tpu.memory_space<vmem>>) offsets(%arg9 : memref<128xi32, #tpu.memory_space<vmem>>) semaphore(%arg16 : memref<!tpu.dma_semaphore, #tpu.memory_space<semaphore_mem>>)
    %dma_start3A_16 = arith.constant 0 : i32
    %dma_start3A_17 = arith.constant 0 : i32
    %dma_start3A_18 = tpu.memref_slice %arg6[%dma_start3A_16, %dma_start3A_17] : memref<1000000x64xf32, #tpu.memory_space<hbm>> -> memref<1000000x64xf32, #tpu.memory_space<hbm>>
    tpu.enqueue_indirect_dma source(%dma_start3A_18 : memref<1000000x64xf32, #tpu.memory_space<hbm>>) target(%arg12 : memref<128x64xf32, #tpu.memory_space<vmem>>) offsets(%arg10 : memref<128xi32, #tpu.memory_space<vmem>>) semaphore(%arg17 : memref<!tpu.dma_semaphore, #tpu.memory_space<semaphore_mem>>)
    %dma_wait3A_19 = arith.constant 0 : i32
    %dma_wait3A_20 = tpu.memref_slice %arg2[%dma_wait3A_19, %mul3A_2] : memref<50x4096xi32, #tpu.memory_space<hbm>> -> memref<50x128xi32, #tpu.memory_space<hbm>>
    %dma_wait3A_21 = arith.constant 0 : i32
    %dma_wait3A_22 = tpu.memref_slice %arg2[%dma_wait3A_21, %mul3A_2] : memref<50x4096xi32, #tpu.memory_space<hbm>> -> memref<50x128xi32, #tpu.memory_space<hbm>>
    tpu.wait_dma2 semaphore(%arg18 : memref<!tpu.dma_semaphore, #tpu.memory_space<semaphore_mem>>) src(%dma_wait3A_22 : memref<50x128xi32, #tpu.memory_space<hbm>>) dst(%arg8 : memref<50x128xi32, #tpu.memory_space<vmem>>)
    %dma_start3A_23 = arith.constant 0 : i32
    %dma_start3A_24 = arith.constant 0 : i32
    %dma_start3A_25 = arith.constant 0 : i32
    %dma_start3A_26 = arith.constant 0 : i32
    %dma_start3A_27 = tpu.memref_slice %arg13[%dma_start3A_24, %dma_start3A_25, %dma_start3A_26] : memref<4x128x64xf32, #tpu.memory_space<vmem>> -> memref<1x128x64xf32, #tpu.memory_space<vmem>>
    %dma_start3A_28 = tpu.memref_squeeze %dma_start3A_27 : memref<1x128x64xf32, #tpu.memory_space<vmem>> -> memref<128x64xf32, #tpu.memory_space<vmem>>
    %dma_start3A_29 = arith.constant 0 : i32
    %dma_start3A_30 = tpu.memref_slice %arg8[%dma_start3A_23, %dma_start3A_29] : memref<50x128xi32, #tpu.memory_space<vmem>> -> memref<1x128xi32, #tpu.memory_space<vmem>>
    %dma_start3A_31 = tpu.memref_squeeze %dma_start3A_30 : memref<1x128xi32, #tpu.memory_space<vmem>> -> memref<128xi32, #tpu.memory_space<vmem>>
    %dma_start3A_32 = arith.constant 0 : i32
    %dma_start3A_33 = arith.constant 0 : i32
    %dma_start3A_34 = tpu.memref_slice %arg6[%dma_start3A_32, %dma_start3A_33] : memref<1000000x64xf32, #tpu.memory_space<hbm>> -> memref<1000000x64xf32, #tpu.memory_space<hbm>>
    tpu.enqueue_indirect_dma source(%dma_start3A_34 : memref<1000000x64xf32, #tpu.memory_space<hbm>>) target(%dma_start3A_28 : memref<128x64xf32, #tpu.memory_space<vmem>>) offsets(%dma_start3A_31 : memref<128xi32, #tpu.memory_space<vmem>>) semaphore(%arg19 : memref<!tpu.dma_semaphore, #tpu.memory_space<semaphore_mem>>)
    %dma_start3A_35 = arith.constant 1 : i32
    %dma_start3A_36 = arith.constant 1 : i32
    %dma_start3A_37 = arith.constant 0 : i32
    %dma_start3A_38 = arith.constant 0 : i32
    %dma_start3A_39 = tpu.memref_slice %arg13[%dma_start3A_36, %dma_start3A_37, %dma_start3A_38] : memref<4x128x64xf32, #tpu.memory_space<vmem>> -> memref<1x128x64xf32, #tpu.memory_space<vmem>>
    %dma_start3A_40 = tpu.memref_squeeze %dma_start3A_39 : memref<1x128x64xf32, #tpu.memory_space<vmem>> -> memref<128x64xf32, #tpu.memory_space<vmem>>
    %dma_start3A_41 = arith.constant 0 : i32
    %dma_start3A_42 = tpu.memref_slice %arg8[%dma_start3A_35, %dma_start3A_41] : memref<50x128xi32, #tpu.memory_space<vmem>> -> memref<1x128xi32, #tpu.memory_space<vmem>>
    %dma_start3A_43 = tpu.memref_squeeze %dma_start3A_42 : memref<1x128xi32, #tpu.memory_space<vmem>> -> memref<128xi32, #tpu.memory_space<vmem>>
    %dma_start3A_44 = arith.constant 0 : i32
    %dma_start3A_45 = arith.constant 0 : i32
    %dma_start3A_46 = tpu.memref_slice %arg6[%dma_start3A_44, %dma_start3A_45] : memref<1000000x64xf32, #tpu.memory_space<hbm>> -> memref<1000000x64xf32, #tpu.memory_space<hbm>>
    tpu.enqueue_indirect_dma source(%dma_start3A_46 : memref<1000000x64xf32, #tpu.memory_space<hbm>>) target(%dma_start3A_40 : memref<128x64xf32, #tpu.memory_space<vmem>>) offsets(%dma_start3A_43 : memref<128xi32, #tpu.memory_space<vmem>>) semaphore(%arg20 : memref<!tpu.dma_semaphore, #tpu.memory_space<semaphore_mem>>)
    %dma_start3A_47 = arith.constant 2 : i32
    %dma_start3A_48 = arith.constant 2 : i32
    %dma_start3A_49 = arith.constant 0 : i32
    %dma_start3A_50 = arith.constant 0 : i32
    %dma_start3A_51 = tpu.memref_slice %arg13[%dma_start3A_48, %dma_start3A_49, %dma_start3A_50] : memref<4x128x64xf32, #tpu.memory_space<vmem>> -> memref<1x128x64xf32, #tpu.memory_space<vmem>>
    %dma_start3A_52 = tpu.memref_squeeze %dma_start3A_51 : memref<1x128x64xf32, #tpu.memory_space<vmem>> -> memref<128x64xf32, #tpu.memory_space<vmem>>
    %dma_start3A_53 = arith.constant 0 : i32
    %dma_start3A_54 = tpu.memref_slice %arg8[%dma_start3A_47, %dma_start3A_53] : memref<50x128xi32, #tpu.memory_space<vmem>> -> memref<1x128xi32, #tpu.memory_space<vmem>>
    %dma_start3A_55 = tpu.memref_squeeze %dma_start3A_54 : memref<1x128xi32, #tpu.memory_space<vmem>> -> memref<128xi32, #tpu.memory_space<vmem>>
    %dma_start3A_56 = arith.constant 0 : i32
    %dma_start3A_57 = arith.constant 0 : i32
    %dma_start3A_58 = tpu.memref_slice %arg6[%dma_start3A_56, %dma_start3A_57] : memref<1000000x64xf32, #tpu.memory_space<hbm>> -> memref<1000000x64xf32, #tpu.memory_space<hbm>>
    tpu.enqueue_indirect_dma source(%dma_start3A_58 : memref<1000000x64xf32, #tpu.memory_space<hbm>>) target(%dma_start3A_52 : memref<128x64xf32, #tpu.memory_space<vmem>>) offsets(%dma_start3A_55 : memref<128xi32, #tpu.memory_space<vmem>>) semaphore(%arg21 : memref<!tpu.dma_semaphore, #tpu.memory_space<semaphore_mem>>)
    %dma_start3A_59 = arith.constant 3 : i32
    %dma_start3A_60 = arith.constant 3 : i32
    %dma_start3A_61 = arith.constant 0 : i32
    %dma_start3A_62 = arith.constant 0 : i32
    %dma_start3A_63 = tpu.memref_slice %arg13[%dma_start3A_60, %dma_start3A_61, %dma_start3A_62] : memref<4x128x64xf32, #tpu.memory_space<vmem>> -> memref<1x128x64xf32, #tpu.memory_space<vmem>>
    %dma_start3A_64 = tpu.memref_squeeze %dma_start3A_63 : memref<1x128x64xf32, #tpu.memory_space<vmem>> -> memref<128x64xf32, #tpu.memory_space<vmem>>
    %dma_start3A_65 = arith.constant 0 : i32
    %dma_start3A_66 = tpu.memref_slice %arg8[%dma_start3A_59, %dma_start3A_65] : memref<50x128xi32, #tpu.memory_space<vmem>> -> memref<1x128xi32, #tpu.memory_space<vmem>>
    %dma_start3A_67 = tpu.memref_squeeze %dma_start3A_66 : memref<1x128xi32, #tpu.memory_space<vmem>> -> memref<128xi32, #tpu.memory_space<vmem>>
    %dma_start3A_68 = arith.constant 0 : i32
    %dma_start3A_69 = arith.constant 0 : i32
    %dma_start3A_70 = tpu.memref_slice %arg6[%dma_start3A_68, %dma_start3A_69] : memref<1000000x64xf32, #tpu.memory_space<hbm>> -> memref<1000000x64xf32, #tpu.memory_space<hbm>>
    tpu.enqueue_indirect_dma source(%dma_start3A_70 : memref<1000000x64xf32, #tpu.memory_space<hbm>>) target(%dma_start3A_64 : memref<128x64xf32, #tpu.memory_space<vmem>>) offsets(%dma_start3A_67 : memref<128xi32, #tpu.memory_space<vmem>>) semaphore(%arg22 : memref<!tpu.dma_semaphore, #tpu.memory_space<semaphore_mem>>)
    %dma_wait3A_71 = arith.constant 0 : i32
    %dma_wait3A_72 = arith.constant 0 : i32
    %dma_wait3A_73 = arith.constant 0 : i32
    %dma_wait3A_74 = arith.constant 0 : i32
    %dma_wait3A_75 = tpu.memref_slice %arg13[%dma_wait3A_72, %dma_wait3A_73, %dma_wait3A_74] : memref<4x128x64xf32, #tpu.memory_space<vmem>> -> memref<1x128x64xf32, #tpu.memory_space<vmem>>
    %dma_wait3A_76 = tpu.memref_squeeze %dma_wait3A_75 : memref<1x128x64xf32, #tpu.memory_space<vmem>> -> memref<128x64xf32, #tpu.memory_space<vmem>>
    %dma_wait3A_77 = arith.constant 0 : i32
    %dma_wait3A_78 = tpu.memref_slice %arg8[%dma_wait3A_71, %dma_wait3A_77] : memref<50x128xi32, #tpu.memory_space<vmem>> -> memref<1x128xi32, #tpu.memory_space<vmem>>
    %dma_wait3A_79 = tpu.memref_squeeze %dma_wait3A_78 : memref<1x128xi32, #tpu.memory_space<vmem>> -> memref<128xi32, #tpu.memory_space<vmem>>
    %dma_wait3A_80 = arith.constant 0 : i32
    %dma_wait3A_81 = arith.constant 0 : i32
    %dma_wait3A_82 = tpu.memref_slice %arg6[%dma_wait3A_80, %dma_wait3A_81] : memref<1000000x64xf32, #tpu.memory_space<hbm>> -> memref<1000000x64xf32, #tpu.memory_space<hbm>>
    tpu.wait_indirect_dma semaphore(%arg19 : memref<!tpu.dma_semaphore, #tpu.memory_space<semaphore_mem>>) src(%dma_wait3A_82 : memref<1000000x64xf32, #tpu.memory_space<hbm>>) dst(%dma_wait3A_76 : memref<128x64xf32, #tpu.memory_space<vmem>>)
    %dma_start3A_83 = arith.constant 4 : i32
    %dma_start3A_84 = arith.constant 0 : i32
    %dma_start3A_85 = arith.constant 0 : i32
    %dma_start3A_86 = arith.constant 0 : i32
    %dma_start3A_87 = tpu.memref_slice %arg13[%dma_start3A_84, %dma_start3A_85, %dma_start3A_86] : memref<4x128x64xf32, #tpu.memory_space<vmem>> -> memref<1x128x64xf32, #tpu.memory_space<vmem>>
    %dma_start3A_88 = tpu.memref_squeeze %dma_start3A_87 : memref<1x128x64xf32, #tpu.memory_space<vmem>> -> memref<128x64xf32, #tpu.memory_space<vmem>>
    %dma_start3A_89 = arith.constant 0 : i32
    %dma_start3A_90 = tpu.memref_slice %arg8[%dma_start3A_83, %dma_start3A_89] : memref<50x128xi32, #tpu.memory_space<vmem>> -> memref<1x128xi32, #tpu.memory_space<vmem>>
    %dma_start3A_91 = tpu.memref_squeeze %dma_start3A_90 : memref<1x128xi32, #tpu.memory_space<vmem>> -> memref<128xi32, #tpu.memory_space<vmem>>
    %dma_start3A_92 = arith.constant 0 : i32
    %dma_start3A_93 = arith.constant 0 : i32
    %dma_start3A_94 = tpu.memref_slice %arg6[%dma_start3A_92, %dma_start3A_93] : memref<1000000x64xf32, #tpu.memory_space<hbm>> -> memref<1000000x64xf32, #tpu.memory_space<hbm>>
    tpu.enqueue_indirect_dma source(%dma_start3A_94 : memref<1000000x64xf32, #tpu.memory_space<hbm>>) target(%dma_start3A_88 : memref<128x64xf32, #tpu.memory_space<vmem>>) offsets(%dma_start3A_91 : memref<128xi32, #tpu.memory_space<vmem>>) semaphore(%arg19 : memref<!tpu.dma_semaphore, #tpu.memory_space<semaphore_mem>>) {add = true}
    %dma_wait3A_95 = arith.constant 1 : i32
    %dma_wait3A_96 = arith.constant 1 : i32
    %dma_wait3A_97 = arith.constant 0 : i32
    %dma_wait3A_98 = arith.constant 0 : i32
    %dma_wait3A_99 = tpu.memref_slice %arg13[%dma_wait3A_96, %dma_wait3A_97, %dma_wait3A_98] : memref<4x128x64xf32, #tpu.memory_space<vmem>> -> memref<1x128x64xf32, #tpu.memory_space<vmem>>
    %dma_wait3A_100 = tpu.memref_squeeze %dma_wait3A_99 : memref<1x128x64xf32, #tpu.memory_space<vmem>> -> memref<128x64xf32, #tpu.memory_space<vmem>>
    %dma_wait3A_101 = arith.constant 0 : i32
    %dma_wait3A_102 = tpu.memref_slice %arg8[%dma_wait3A_95, %dma_wait3A_101] : memref<50x128xi32, #tpu.memory_space<vmem>> -> memref<1x128xi32, #tpu.memory_space<vmem>>
    %dma_wait3A_103 = tpu.memref_squeeze %dma_wait3A_102 : memref<1x128xi32, #tpu.memory_space<vmem>> -> memref<128xi32, #tpu.memory_space<vmem>>
    %dma_wait3A_104 = arith.constant 0 : i32
    %dma_wait3A_105 = arith.constant 0 : i32
    %dma_wait3A_106 = tpu.memref_slice %arg6[%dma_wait3A_104, %dma_wait3A_105] : memref<1000000x64xf32, #tpu.memory_space<hbm>> -> memref<1000000x64xf32, #tpu.memory_space<hbm>>
    tpu.wait_indirect_dma semaphore(%arg20 : memref<!tpu.dma_semaphore, #tpu.memory_space<semaphore_mem>>) src(%dma_wait3A_106 : memref<1000000x64xf32, #tpu.memory_space<hbm>>) dst(%dma_wait3A_100 : memref<128x64xf32, #tpu.memory_space<vmem>>)
    %dma_start3A_107 = arith.constant 5 : i32
    %dma_start3A_108 = arith.constant 1 : i32
    %dma_start3A_109 = arith.constant 0 : i32
    %dma_start3A_110 = arith.constant 0 : i32
    %dma_start3A_111 = tpu.memref_slice %arg13[%dma_start3A_108, %dma_start3A_109, %dma_start3A_110] : memref<4x128x64xf32, #tpu.memory_space<vmem>> -> memref<1x128x64xf32, #tpu.memory_space<vmem>>
    %dma_start3A_112 = tpu.memref_squeeze %dma_start3A_111 : memref<1x128x64xf32, #tpu.memory_space<vmem>> -> memref<128x64xf32, #tpu.memory_space<vmem>>
    %dma_start3A_113 = arith.constant 0 : i32
    %dma_start3A_114 = tpu.memref_slice %arg8[%dma_start3A_107, %dma_start3A_113] : memref<50x128xi32, #tpu.memory_space<vmem>> -> memref<1x128xi32, #tpu.memory_space<vmem>>
    %dma_start3A_115 = tpu.memref_squeeze %dma_start3A_114 : memref<1x128xi32, #tpu.memory_space<vmem>> -> memref<128xi32, #tpu.memory_space<vmem>>
    %dma_start3A_116 = arith.constant 0 : i32
    %dma_start3A_117 = arith.constant 0 : i32
    %dma_start3A_118 = tpu.memref_slice %arg6[%dma_start3A_116, %dma_start3A_117] : memref<1000000x64xf32, #tpu.memory_space<hbm>> -> memref<1000000x64xf32, #tpu.memory_space<hbm>>
    tpu.enqueue_indirect_dma source(%dma_start3A_118 : memref<1000000x64xf32, #tpu.memory_space<hbm>>) target(%dma_start3A_112 : memref<128x64xf32, #tpu.memory_space<vmem>>) offsets(%dma_start3A_115 : memref<128xi32, #tpu.memory_space<vmem>>) semaphore(%arg20 : memref<!tpu.dma_semaphore, #tpu.memory_space<semaphore_mem>>) {add = true}
    %dma_wait3A_119 = arith.constant 2 : i32
    %dma_wait3A_120 = arith.constant 2 : i32
    %dma_wait3A_121 = arith.constant 0 : i32
    %dma_wait3A_122 = arith.constant 0 : i32
    %dma_wait3A_123 = tpu.memref_slice %arg13[%dma_wait3A_120, %dma_wait3A_121, %dma_wait3A_122] : memref<4x128x64xf32, #tpu.memory_space<vmem>> -> memref<1x128x64xf32, #tpu.memory_space<vmem>>
    %dma_wait3A_124 = tpu.memref_squeeze %dma_wait3A_123 : memref<1x128x64xf32, #tpu.memory_space<vmem>> -> memref<128x64xf32, #tpu.memory_space<vmem>>
    %dma_wait3A_125 = arith.constant 0 : i32
    %dma_wait3A_126 = tpu.memref_slice %arg8[%dma_wait3A_119, %dma_wait3A_125] : memref<50x128xi32, #tpu.memory_space<vmem>> -> memref<1x128xi32, #tpu.memory_space<vmem>>
    %dma_wait3A_127 = tpu.memref_squeeze %dma_wait3A_126 : memref<1x128xi32, #tpu.memory_space<vmem>> -> memref<128xi32, #tpu.memory_space<vmem>>
    %dma_wait3A_128 = arith.constant 0 : i32
    %dma_wait3A_129 = arith.constant 0 : i32
    %dma_wait3A_130 = tpu.memref_slice %arg6[%dma_wait3A_128, %dma_wait3A_129] : memref<1000000x64xf32, #tpu.memory_space<hbm>> -> memref<1000000x64xf32, #tpu.memory_space<hbm>>
    tpu.wait_indirect_dma semaphore(%arg21 : memref<!tpu.dma_semaphore, #tpu.memory_space<semaphore_mem>>) src(%dma_wait3A_130 : memref<1000000x64xf32, #tpu.memory_space<hbm>>) dst(%dma_wait3A_124 : memref<128x64xf32, #tpu.memory_space<vmem>>)
    %dma_start3A_131 = arith.constant 6 : i32
    %dma_start3A_132 = arith.constant 2 : i32
    %dma_start3A_133 = arith.constant 0 : i32
    %dma_start3A_134 = arith.constant 0 : i32
    %dma_start3A_135 = tpu.memref_slice %arg13[%dma_start3A_132, %dma_start3A_133, %dma_start3A_134] : memref<4x128x64xf32, #tpu.memory_space<vmem>> -> memref<1x128x64xf32, #tpu.memory_space<vmem>>
    %dma_start3A_136 = tpu.memref_squeeze %dma_start3A_135 : memref<1x128x64xf32, #tpu.memory_space<vmem>> -> memref<128x64xf32, #tpu.memory_space<vmem>>
    %dma_start3A_137 = arith.constant 0 : i32
    %dma_start3A_138 = tpu.memref_slice %arg8[%dma_start3A_131, %dma_start3A_137] : memref<50x128xi32, #tpu.memory_space<vmem>> -> memref<1x128xi32, #tpu.memory_space<vmem>>
    %dma_start3A_139 = tpu.memref_squeeze %dma_start3A_138 : memref<1x128xi32, #tpu.memory_space<vmem>> -> memref<128xi32, #tpu.memory_space<vmem>>
    %dma_start3A_140 = arith.constant 0 : i32
    %dma_start3A_141 = arith.constant 0 : i32
    %dma_start3A_142 = tpu.memref_slice %arg6[%dma_start3A_140, %dma_start3A_141] : memref<1000000x64xf32, #tpu.memory_space<hbm>> -> memref<1000000x64xf32, #tpu.memory_space<hbm>>
    tpu.enqueue_indirect_dma source(%dma_start3A_142 : memref<1000000x64xf32, #tpu.memory_space<hbm>>) target(%dma_start3A_136 : memref<128x64xf32, #tpu.memory_space<vmem>>) offsets(%dma_start3A_139 : memref<128xi32, #tpu.memory_space<vmem>>) semaphore(%arg21 : memref<!tpu.dma_semaphore, #tpu.memory_space<semaphore_mem>>) {add = true}
    %dma_wait3A_143 = arith.constant 3 : i32
    %dma_wait3A_144 = arith.constant 3 : i32
    %dma_wait3A_145 = arith.constant 0 : i32
    %dma_wait3A_146 = arith.constant 0 : i32
    %dma_wait3A_147 = tpu.memref_slice %arg13[%dma_wait3A_144, %dma_wait3A_145, %dma_wait3A_146] : memref<4x128x64xf32, #tpu.memory_space<vmem>> -> memref<1x128x64xf32, #tpu.memory_space<vmem>>
    %dma_wait3A_148 = tpu.memref_squeeze %dma_wait3A_147 : memref<1x128x64xf32, #tpu.memory_space<vmem>> -> memref<128x64xf32, #tpu.memory_space<vmem>>
    %dma_wait3A_149 = arith.constant 0 : i32
    %dma_wait3A_150 = tpu.memref_slice %arg8[%dma_wait3A_143, %dma_wait3A_149] : memref<50x128xi32, #tpu.memory_space<vmem>> -> memref<1x128xi32, #tpu.memory_space<vmem>>
    %dma_wait3A_151 = tpu.memref_squeeze %dma_wait3A_150 : memref<1x128xi32, #tpu.memory_space<vmem>> -> memref<128xi32, #tpu.memory_space<vmem>>
    %dma_wait3A_152 = arith.constant 0 : i32
    %dma_wait3A_153 = arith.constant 0 : i32
    %dma_wait3A_154 = tpu.memref_slice %arg6[%dma_wait3A_152, %dma_wait3A_153] : memref<1000000x64xf32, #tpu.memory_space<hbm>> -> memref<1000000x64xf32, #tpu.memory_space<hbm>>
    tpu.wait_indirect_dma semaphore(%arg22 : memref<!tpu.dma_semaphore, #tpu.memory_space<semaphore_mem>>) src(%dma_wait3A_154 : memref<1000000x64xf32, #tpu.memory_space<hbm>>) dst(%dma_wait3A_148 : memref<128x64xf32, #tpu.memory_space<vmem>>)
    %dma_start3A_155 = arith.constant 7 : i32
    %dma_start3A_156 = arith.constant 3 : i32
    %dma_start3A_157 = arith.constant 0 : i32
    %dma_start3A_158 = arith.constant 0 : i32
    %dma_start3A_159 = tpu.memref_slice %arg13[%dma_start3A_156, %dma_start3A_157, %dma_start3A_158] : memref<4x128x64xf32, #tpu.memory_space<vmem>> -> memref<1x128x64xf32, #tpu.memory_space<vmem>>
    %dma_start3A_160 = tpu.memref_squeeze %dma_start3A_159 : memref<1x128x64xf32, #tpu.memory_space<vmem>> -> memref<128x64xf32, #tpu.memory_space<vmem>>
    %dma_start3A_161 = arith.constant 0 : i32
    %dma_start3A_162 = tpu.memref_slice %arg8[%dma_start3A_155, %dma_start3A_161] : memref<50x128xi32, #tpu.memory_space<vmem>> -> memref<1x128xi32, #tpu.memory_space<vmem>>
    %dma_start3A_163 = tpu.memref_squeeze %dma_start3A_162 : memref<1x128xi32, #tpu.memory_space<vmem>> -> memref<128xi32, #tpu.memory_space<vmem>>
    %dma_start3A_164 = arith.constant 0 : i32
    %dma_start3A_165 = arith.constant 0 : i32
    %dma_start3A_166 = tpu.memref_slice %arg6[%dma_start3A_164, %dma_start3A_165] : memref<1000000x64xf32, #tpu.memory_space<hbm>> -> memref<1000000x64xf32, #tpu.memory_space<hbm>>
    tpu.enqueue_indirect_dma source(%dma_start3A_166 : memref<1000000x64xf32, #tpu.memory_space<hbm>>) target(%dma_start3A_160 : memref<128x64xf32, #tpu.memory_space<vmem>>) offsets(%dma_start3A_163 : memref<128xi32, #tpu.memory_space<vmem>>) semaphore(%arg22 : memref<!tpu.dma_semaphore, #tpu.memory_space<semaphore_mem>>) {add = true}
    %dma_wait3A_167 = arith.constant 4 : i32
    %dma_wait3A_168 = arith.constant 0 : i32
    %dma_wait3A_169 = arith.constant 0 : i32
    %dma_wait3A_170 = arith.constant 0 : i32
    %dma_wait3A_171 = tpu.memref_slice %arg13[%dma_wait3A_168, %dma_wait3A_169, %dma_wait3A_170] : memref<4x128x64xf32, #tpu.memory_space<vmem>> -> memref<1x128x64xf32, #tpu.memory_space<vmem>>
    %dma_wait3A_172 = tpu.memref_squeeze %dma_wait3A_171 : memref<1x128x64xf32, #tpu.memory_space<vmem>> -> memref<128x64xf32, #tpu.memory_space<vmem>>
    %dma_wait3A_173 = arith.constant 0 : i32
    %dma_wait3A_174 = tpu.memref_slice %arg8[%dma_wait3A_167, %dma_wait3A_173] : memref<50x128xi32, #tpu.memory_space<vmem>> -> memref<1x128xi32, #tpu.memory_space<vmem>>
    %dma_wait3A_175 = tpu.memref_squeeze %dma_wait3A_174 : memref<1x128xi32, #tpu.memory_space<vmem>> -> memref<128xi32, #tpu.memory_space<vmem>>
    %dma_wait3A_176 = arith.constant 0 : i32
    %dma_wait3A_177 = arith.constant 0 : i32
    %dma_wait3A_178 = tpu.memref_slice %arg6[%dma_wait3A_176, %dma_wait3A_177] : memref<1000000x64xf32, #tpu.memory_space<hbm>> -> memref<1000000x64xf32, #tpu.memory_space<hbm>>
    tpu.wait_indirect_dma semaphore(%arg19 : memref<!tpu.dma_semaphore, #tpu.memory_space<semaphore_mem>>) src(%dma_wait3A_178 : memref<1000000x64xf32, #tpu.memory_space<hbm>>) dst(%dma_wait3A_172 : memref<128x64xf32, #tpu.memory_space<vmem>>)
    %dma_start3A_179 = arith.constant 8 : i32
    %dma_start3A_180 = arith.constant 0 : i32
    %dma_start3A_181 = arith.constant 0 : i32
    %dma_start3A_182 = arith.constant 0 : i32
    %dma_start3A_183 = tpu.memref_slice %arg13[%dma_start3A_180, %dma_start3A_181, %dma_start3A_182] : memref<4x128x64xf32, #tpu.memory_space<vmem>> -> memref<1x128x64xf32, #tpu.memory_space<vmem>>
    %dma_start3A_184 = tpu.memref_squeeze %dma_start3A_183 : memref<1x128x64xf32, #tpu.memory_space<vmem>> -> memref<128x64xf32, #tpu.memory_space<vmem>>
    %dma_start3A_185 = arith.constant 0 : i32
    %dma_start3A_186 = tpu.memref_slice %arg8[%dma_start3A_179, %dma_start3A_185] : memref<50x128xi32, #tpu.memory_space<vmem>> -> memref<1x128xi32, #tpu.memory_space<vmem>>
    %dma_start3A_187 = tpu.memref_squeeze %dma_start3A_186 : memref<1x128xi32, #tpu.memory_space<vmem>> -> memref<128xi32, #tpu.memory_space<vmem>>
    %dma_start3A_188 = arith.constant 0 : i32
    %dma_start3A_189 = arith.constant 0 : i32
    %dma_start3A_190 = tpu.memref_slice %arg6[%dma_start3A_188, %dma_start3A_189] : memref<1000000x64xf32, #tpu.memory_space<hbm>> -> memref<1000000x64xf32, #tpu.memory_space<hbm>>
    tpu.enqueue_indirect_dma source(%dma_start3A_190 : memref<1000000x64xf32, #tpu.memory_space<hbm>>) target(%dma_start3A_184 : memref<128x64xf32, #tpu.memory_space<vmem>>) offsets(%dma_start3A_187 : memref<128xi32, #tpu.memory_space<vmem>>) semaphore(%arg19 : memref<!tpu.dma_semaphore, #tpu.memory_space<semaphore_mem>>) {add = true}
    %dma_wait3A_191 = arith.constant 5 : i32
    %dma_wait3A_192 = arith.constant 1 : i32
    %dma_wait3A_193 = arith.constant 0 : i32
    %dma_wait3A_194 = arith.constant 0 : i32
    %dma_wait3A_195 = tpu.memref_slice %arg13[%dma_wait3A_192, %dma_wait3A_193, %dma_wait3A_194] : memref<4x128x64xf32, #tpu.memory_space<vmem>> -> memref<1x128x64xf32, #tpu.memory_space<vmem>>
    %dma_wait3A_196 = tpu.memref_squeeze %dma_wait3A_195 : memref<1x128x64xf32, #tpu.memory_space<vmem>> -> memref<128x64xf32, #tpu.memory_space<vmem>>
    %dma_wait3A_197 = arith.constant 0 : i32
    %dma_wait3A_198 = tpu.memref_slice %arg8[%dma_wait3A_191, %dma_wait3A_197] : memref<50x128xi32, #tpu.memory_space<vmem>> -> memref<1x128xi32, #tpu.memory_space<vmem>>
    %dma_wait3A_199 = tpu.memref_squeeze %dma_wait3A_198 : memref<1x128xi32, #tpu.memory_space<vmem>> -> memref<128xi32, #tpu.memory_space<vmem>>
    %dma_wait3A_200 = arith.constant 0 : i32
    %dma_wait3A_201 = arith.constant 0 : i32
    %dma_wait3A_202 = tpu.memref_slice %arg6[%dma_wait3A_200, %dma_wait3A_201] : memref<1000000x64xf32, #tpu.memory_space<hbm>> -> memref<1000000x64xf32, #tpu.memory_space<hbm>>
    tpu.wait_indirect_dma semaphore(%arg20 : memref<!tpu.dma_semaphore, #tpu.memory_space<semaphore_mem>>) src(%dma_wait3A_202 : memref<1000000x64xf32, #tpu.memory_space<hbm>>) dst(%dma_wait3A_196 : memref<128x64xf32, #tpu.memory_space<vmem>>)
    %dma_start3A_203 = arith.constant 9 : i32
    %dma_start3A_204 = arith.constant 1 : i32
    %dma_start3A_205 = arith.constant 0 : i32
    %dma_start3A_206 = arith.constant 0 : i32
    %dma_start3A_207 = tpu.memref_slice %arg13[%dma_start3A_204, %dma_start3A_205, %dma_start3A_206] : memref<4x128x64xf32, #tpu.memory_space<vmem>> -> memref<1x128x64xf32, #tpu.memory_space<vmem>>
    %dma_start3A_208 = tpu.memref_squeeze %dma_start3A_207 : memref<1x128x64xf32, #tpu.memory_space<vmem>> -> memref<128x64xf32, #tpu.memory_space<vmem>>
    %dma_start3A_209 = arith.constant 0 : i32
    %dma_start3A_210 = tpu.memref_slice %arg8[%dma_start3A_203, %dma_start3A_209] : memref<50x128xi32, #tpu.memory_space<vmem>> -> memref<1x128xi32, #tpu.memory_space<vmem>>
    %dma_start3A_211 = tpu.memref_squeeze %dma_start3A_210 : memref<1x128xi32, #tpu.memory_space<vmem>> -> memref<128xi32, #tpu.memory_space<vmem>>
    %dma_start3A_212 = arith.constant 0 : i32
    %dma_start3A_213 = arith.constant 0 : i32
    %dma_start3A_214 = tpu.memref_slice %arg6[%dma_start3A_212, %dma_start3A_213] : memref<1000000x64xf32, #tpu.memory_space<hbm>> -> memref<1000000x64xf32, #tpu.memory_space<hbm>>
    tpu.enqueue_indirect_dma source(%dma_start3A_214 : memref<1000000x64xf32, #tpu.memory_space<hbm>>) target(%dma_start3A_208 : memref<128x64xf32, #tpu.memory_space<vmem>>) offsets(%dma_start3A_211 : memref<128xi32, #tpu.memory_space<vmem>>) semaphore(%arg20 : memref<!tpu.dma_semaphore, #tpu.memory_space<semaphore_mem>>) {add = true}
    %dma_wait3A_215 = arith.constant 6 : i32
    %dma_wait3A_216 = arith.constant 2 : i32
    %dma_wait3A_217 = arith.constant 0 : i32
    %dma_wait3A_218 = arith.constant 0 : i32
    %dma_wait3A_219 = tpu.memref_slice %arg13[%dma_wait3A_216, %dma_wait3A_217, %dma_wait3A_218] : memref<4x128x64xf32, #tpu.memory_space<vmem>> -> memref<1x128x64xf32, #tpu.memory_space<vmem>>
    %dma_wait3A_220 = tpu.memref_squeeze %dma_wait3A_219 : memref<1x128x64xf32, #tpu.memory_space<vmem>> -> memref<128x64xf32, #tpu.memory_space<vmem>>
    %dma_wait3A_221 = arith.constant 0 : i32
    %dma_wait3A_222 = tpu.memref_slice %arg8[%dma_wait3A_215, %dma_wait3A_221] : memref<50x128xi32, #tpu.memory_space<vmem>> -> memref<1x128xi32, #tpu.memory_space<vmem>>
    %dma_wait3A_223 = tpu.memref_squeeze %dma_wait3A_222 : memref<1x128xi32, #tpu.memory_space<vmem>> -> memref<128xi32, #tpu.memory_space<vmem>>
    %dma_wait3A_224 = arith.constant 0 : i32
    %dma_wait3A_225 = arith.constant 0 : i32
    %dma_wait3A_226 = tpu.memref_slice %arg6[%dma_wait3A_224, %dma_wait3A_225] : memref<1000000x64xf32, #tpu.memory_space<hbm>> -> memref<1000000x64xf32, #tpu.memory_space<hbm>>
    tpu.wait_indirect_dma semaphore(%arg21 : memref<!tpu.dma_semaphore, #tpu.memory_space<semaphore_mem>>) src(%dma_wait3A_226 : memref<1000000x64xf32, #tpu.memory_space<hbm>>) dst(%dma_wait3A_220 : memref<128x64xf32, #tpu.memory_space<vmem>>)
    %dma_start3A_227 = arith.constant 10 : i32
    %dma_start3A_228 = arith.constant 2 : i32
    %dma_start3A_229 = arith.constant 0 : i32
    %dma_start3A_230 = arith.constant 0 : i32
    %dma_start3A_231 = tpu.memref_slice %arg13[%dma_start3A_228, %dma_start3A_229, %dma_start3A_230] : memref<4x128x64xf32, #tpu.memory_space<vmem>> -> memref<1x128x64xf32, #tpu.memory_space<vmem>>
    %dma_start3A_232 = tpu.memref_squeeze %dma_start3A_231 : memref<1x128x64xf32, #tpu.memory_space<vmem>> -> memref<128x64xf32, #tpu.memory_space<vmem>>
    %dma_start3A_233 = arith.constant 0 : i32
    %dma_start3A_234 = tpu.memref_slice %arg8[%dma_start3A_227, %dma_start3A_233] : memref<50x128xi32, #tpu.memory_space<vmem>> -> memref<1x128xi32, #tpu.memory_space<vmem>>
    %dma_start3A_235 = tpu.memref_squeeze %dma_start3A_234 : memref<1x128xi32, #tpu.memory_space<vmem>> -> memref<128xi32, #tpu.memory_space<vmem>>
    %dma_start3A_236 = arith.constant 0 : i32
    %dma_start3A_237 = arith.constant 0 : i32
    %dma_start3A_238 = tpu.memref_slice %arg6[%dma_start3A_236, %dma_start3A_237] : memref<1000000x64xf32, #tpu.memory_space<hbm>> -> memref<1000000x64xf32, #tpu.memory_space<hbm>>
    tpu.enqueue_indirect_dma source(%dma_start3A_238 : memref<1000000x64xf32, #tpu.memory_space<hbm>>) target(%dma_start3A_232 : memref<128x64xf32, #tpu.memory_space<vmem>>) offsets(%dma_start3A_235 : memref<128xi32, #tpu.memory_space<vmem>>) semaphore(%arg21 : memref<!tpu.dma_semaphore, #tpu.memory_space<semaphore_mem>>) {add = true}
    %dma_wait3A_239 = arith.constant 7 : i32
    %dma_wait3A_240 = arith.constant 3 : i32
    %dma_wait3A_241 = arith.constant 0 : i32
    %dma_wait3A_242 = arith.constant 0 : i32
    %dma_wait3A_243 = tpu.memref_slice %arg13[%dma_wait3A_240, %dma_wait3A_241, %dma_wait3A_242] : memref<4x128x64xf32, #tpu.memory_space<vmem>> -> memref<1x128x64xf32, #tpu.memory_space<vmem>>
    %dma_wait3A_244 = tpu.memref_squeeze %dma_wait3A_243 : memref<1x128x64xf32, #tpu.memory_space<vmem>> -> memref<128x64xf32, #tpu.memory_space<vmem>>
    %dma_wait3A_245 = arith.constant 0 : i32
    %dma_wait3A_246 = tpu.memref_slice %arg8[%dma_wait3A_239, %dma_wait3A_245] : memref<50x128xi32, #tpu.memory_space<vmem>> -> memref<1x128xi32, #tpu.memory_space<vmem>>
    %dma_wait3A_247 = tpu.memref_squeeze %dma_wait3A_246 : memref<1x128xi32, #tpu.memory_space<vmem>> -> memref<128xi32, #tpu.memory_space<vmem>>
    %dma_wait3A_248 = arith.constant 0 : i32
    %dma_wait3A_249 = arith.constant 0 : i32
    %dma_wait3A_250 = tpu.memref_slice %arg6[%dma_wait3A_248, %dma_wait3A_249] : memref<1000000x64xf32, #tpu.memory_space<hbm>> -> memref<1000000x64xf32, #tpu.memory_space<hbm>>
    tpu.wait_indirect_dma semaphore(%arg22 : memref<!tpu.dma_semaphore, #tpu.memory_space<semaphore_mem>>) src(%dma_wait3A_250 : memref<1000000x64xf32, #tpu.memory_space<hbm>>) dst(%dma_wait3A_244 : memref<128x64xf32, #tpu.memory_space<vmem>>)
    %dma_start3A_251 = arith.constant 11 : i32
    %dma_start3A_252 = arith.constant 3 : i32
    %dma_start3A_253 = arith.constant 0 : i32
    %dma_start3A_254 = arith.constant 0 : i32
    %dma_start3A_255 = tpu.memref_slice %arg13[%dma_start3A_252, %dma_start3A_253, %dma_start3A_254] : memref<4x128x64xf32, #tpu.memory_space<vmem>> -> memref<1x128x64xf32, #tpu.memory_space<vmem>>
    %dma_start3A_256 = tpu.memref_squeeze %dma_start3A_255 : memref<1x128x64xf32, #tpu.memory_space<vmem>> -> memref<128x64xf32, #tpu.memory_space<vmem>>
    %dma_start3A_257 = arith.constant 0 : i32
    %dma_start3A_258 = tpu.memref_slice %arg8[%dma_start3A_251, %dma_start3A_257] : memref<50x128xi32, #tpu.memory_space<vmem>> -> memref<1x128xi32, #tpu.memory_space<vmem>>
    %dma_start3A_259 = tpu.memref_squeeze %dma_start3A_258 : memref<1x128xi32, #tpu.memory_space<vmem>> -> memref<128xi32, #tpu.memory_space<vmem>>
    %dma_start3A_260 = arith.constant 0 : i32
    %dma_start3A_261 = arith.constant 0 : i32
    %dma_start3A_262 = tpu.memref_slice %arg6[%dma_start3A_260, %dma_start3A_261] : memref<1000000x64xf32, #tpu.memory_space<hbm>> -> memref<1000000x64xf32, #tpu.memory_space<hbm>>
    tpu.enqueue_indirect_dma source(%dma_start3A_262 : memref<1000000x64xf32, #tpu.memory_space<hbm>>) target(%dma_start3A_256 : memref<128x64xf32, #tpu.memory_space<vmem>>) offsets(%dma_start3A_259 : memref<128xi32, #tpu.memory_space<vmem>>) semaphore(%arg22 : memref<!tpu.dma_semaphore, #tpu.memory_space<semaphore_mem>>) {add = true}
    %dma_wait3A_263 = arith.constant 8 : i32
    %dma_wait3A_264 = arith.constant 0 : i32
    %dma_wait3A_265 = arith.constant 0 : i32
    %dma_wait3A_266 = arith.constant 0 : i32
    %dma_wait3A_267 = tpu.memref_slice %arg13[%dma_wait3A_264, %dma_wait3A_265, %dma_wait3A_266] : memref<4x128x64xf32, #tpu.memory_space<vmem>> -> memref<1x128x64xf32, #tpu.memory_space<vmem>>
    %dma_wait3A_268 = tpu.memref_squeeze %dma_wait3A_267 : memref<1x128x64xf32, #tpu.memory_space<vmem>> -> memref<128x64xf32, #tpu.memory_space<vmem>>
    %dma_wait3A_269 = arith.constant 0 : i32
    %dma_wait3A_270 = tpu.memref_slice %arg8[%dma_wait3A_263, %dma_wait3A_269] : memref<50x128xi32, #tpu.memory_space<vmem>> -> memref<1x128xi32, #tpu.memory_space<vmem>>
    %dma_wait3A_271 = tpu.memref_squeeze %dma_wait3A_270 : memref<1x128xi32, #tpu.memory_space<vmem>> -> memref<128xi32, #tpu.memory_space<vmem>>
    %dma_wait3A_272 = arith.constant 0 : i32
    %dma_wait3A_273 = arith.constant 0 : i32
    %dma_wait3A_274 = tpu.memref_slice %arg6[%dma_wait3A_272, %dma_wait3A_273] : memref<1000000x64xf32, #tpu.memory_space<hbm>> -> memref<1000000x64xf32, #tpu.memory_space<hbm>>
    tpu.wait_indirect_dma semaphore(%arg19 : memref<!tpu.dma_semaphore, #tpu.memory_space<semaphore_mem>>) src(%dma_wait3A_274 : memref<1000000x64xf32, #tpu.memory_space<hbm>>) dst(%dma_wait3A_268 : memref<128x64xf32, #tpu.memory_space<vmem>>)
    %dma_start3A_275 = arith.constant 12 : i32
    %dma_start3A_276 = arith.constant 0 : i32
    %dma_start3A_277 = arith.constant 0 : i32
    %dma_start3A_278 = arith.constant 0 : i32
    %dma_start3A_279 = tpu.memref_slice %arg13[%dma_start3A_276, %dma_start3A_277, %dma_start3A_278] : memref<4x128x64xf32, #tpu.memory_space<vmem>> -> memref<1x128x64xf32, #tpu.memory_space<vmem>>
    %dma_start3A_280 = tpu.memref_squeeze %dma_start3A_279 : memref<1x128x64xf32, #tpu.memory_space<vmem>> -> memref<128x64xf32, #tpu.memory_space<vmem>>
    %dma_start3A_281 = arith.constant 0 : i32
    %dma_start3A_282 = tpu.memref_slice %arg8[%dma_start3A_275, %dma_start3A_281] : memref<50x128xi32, #tpu.memory_space<vmem>> -> memref<1x128xi32, #tpu.memory_space<vmem>>
    %dma_start3A_283 = tpu.memref_squeeze %dma_start3A_282 : memref<1x128xi32, #tpu.memory_space<vmem>> -> memref<128xi32, #tpu.memory_space<vmem>>
    %dma_start3A_284 = arith.constant 0 : i32
    %dma_start3A_285 = arith.constant 0 : i32
    %dma_start3A_286 = tpu.memref_slice %arg6[%dma_start3A_284, %dma_start3A_285] : memref<1000000x64xf32, #tpu.memory_space<hbm>> -> memref<1000000x64xf32, #tpu.memory_space<hbm>>
    tpu.enqueue_indirect_dma source(%dma_start3A_286 : memref<1000000x64xf32, #tpu.memory_space<hbm>>) target(%dma_start3A_280 : memref<128x64xf32, #tpu.memory_space<vmem>>) offsets(%dma_start3A_283 : memref<128xi32, #tpu.memory_space<vmem>>) semaphore(%arg19 : memref<!tpu.dma_semaphore, #tpu.memory_space<semaphore_mem>>) {add = true}
    %dma_wait3A_287 = arith.constant 9 : i32
    %dma_wait3A_288 = arith.constant 1 : i32
    %dma_wait3A_289 = arith.constant 0 : i32
    %dma_wait3A_290 = arith.constant 0 : i32
    %dma_wait3A_291 = tpu.memref_slice %arg13[%dma_wait3A_288, %dma_wait3A_289, %dma_wait3A_290] : memref<4x128x64xf32, #tpu.memory_space<vmem>> -> memref<1x128x64xf32, #tpu.memory_space<vmem>>
    %dma_wait3A_292 = tpu.memref_squeeze %dma_wait3A_291 : memref<1x128x64xf32, #tpu.memory_space<vmem>> -> memref<128x64xf32, #tpu.memory_space<vmem>>
    %dma_wait3A_293 = arith.constant 0 : i32
    %dma_wait3A_294 = tpu.memref_slice %arg8[%dma_wait3A_287, %dma_wait3A_293] : memref<50x128xi32, #tpu.memory_space<vmem>> -> memref<1x128xi32, #tpu.memory_space<vmem>>
    %dma_wait3A_295 = tpu.memref_squeeze %dma_wait3A_294 : memref<1x128xi32, #tpu.memory_space<vmem>> -> memref<128xi32, #tpu.memory_space<vmem>>
    %dma_wait3A_296 = arith.constant 0 : i32
    %dma_wait3A_297 = arith.constant 0 : i32
    %dma_wait3A_298 = tpu.memref_slice %arg6[%dma_wait3A_296, %dma_wait3A_297] : memref<1000000x64xf32, #tpu.memory_space<hbm>> -> memref<1000000x64xf32, #tpu.memory_space<hbm>>
    tpu.wait_indirect_dma semaphore(%arg20 : memref<!tpu.dma_semaphore, #tpu.memory_space<semaphore_mem>>) src(%dma_wait3A_298 : memref<1000000x64xf32, #tpu.memory_space<hbm>>) dst(%dma_wait3A_292 : memref<128x64xf32, #tpu.memory_space<vmem>>)
    %dma_start3A_299 = arith.constant 13 : i32
    %dma_start3A_300 = arith.constant 1 : i32
    %dma_start3A_301 = arith.constant 0 : i32
    %dma_start3A_302 = arith.constant 0 : i32
    %dma_start3A_303 = tpu.memref_slice %arg13[%dma_start3A_300, %dma_start3A_301, %dma_start3A_302] : memref<4x128x64xf32, #tpu.memory_space<vmem>> -> memref<1x128x64xf32, #tpu.memory_space<vmem>>
    %dma_start3A_304 = tpu.memref_squeeze %dma_start3A_303 : memref<1x128x64xf32, #tpu.memory_space<vmem>> -> memref<128x64xf32, #tpu.memory_space<vmem>>
    %dma_start3A_305 = arith.constant 0 : i32
    %dma_start3A_306 = tpu.memref_slice %arg8[%dma_start3A_299, %dma_start3A_305] : memref<50x128xi32, #tpu.memory_space<vmem>> -> memref<1x128xi32, #tpu.memory_space<vmem>>
    %dma_start3A_307 = tpu.memref_squeeze %dma_start3A_306 : memref<1x128xi32, #tpu.memory_space<vmem>> -> memref<128xi32, #tpu.memory_space<vmem>>
    %dma_start3A_308 = arith.constant 0 : i32
    %dma_start3A_309 = arith.constant 0 : i32
    %dma_start3A_310 = tpu.memref_slice %arg6[%dma_start3A_308, %dma_start3A_309] : memref<1000000x64xf32, #tpu.memory_space<hbm>> -> memref<1000000x64xf32, #tpu.memory_space<hbm>>
    tpu.enqueue_indirect_dma source(%dma_start3A_310 : memref<1000000x64xf32, #tpu.memory_space<hbm>>) target(%dma_start3A_304 : memref<128x64xf32, #tpu.memory_space<vmem>>) offsets(%dma_start3A_307 : memref<128xi32, #tpu.memory_space<vmem>>) semaphore(%arg20 : memref<!tpu.dma_semaphore, #tpu.memory_space<semaphore_mem>>) {add = true}
    %dma_wait3A_311 = arith.constant 10 : i32
    %dma_wait3A_312 = arith.constant 2 : i32
    %dma_wait3A_313 = arith.constant 0 : i32
    %dma_wait3A_314 = arith.constant 0 : i32
    %dma_wait3A_315 = tpu.memref_slice %arg13[%dma_wait3A_312, %dma_wait3A_313, %dma_wait3A_314] : memref<4x128x64xf32, #tpu.memory_space<vmem>> -> memref<1x128x64xf32, #tpu.memory_space<vmem>>
    %dma_wait3A_316 = tpu.memref_squeeze %dma_wait3A_315 : memref<1x128x64xf32, #tpu.memory_space<vmem>> -> memref<128x64xf32, #tpu.memory_space<vmem>>
    %dma_wait3A_317 = arith.constant 0 : i32
    %dma_wait3A_318 = tpu.memref_slice %arg8[%dma_wait3A_311, %dma_wait3A_317] : memref<50x128xi32, #tpu.memory_space<vmem>> -> memref<1x128xi32, #tpu.memory_space<vmem>>
    %dma_wait3A_319 = tpu.memref_squeeze %dma_wait3A_318 : memref<1x128xi32, #tpu.memory_space<vmem>> -> memref<128xi32, #tpu.memory_space<vmem>>
    %dma_wait3A_320 = arith.constant 0 : i32
    %dma_wait3A_321 = arith.constant 0 : i32
    %dma_wait3A_322 = tpu.memref_slice %arg6[%dma_wait3A_320, %dma_wait3A_321] : memref<1000000x64xf32, #tpu.memory_space<hbm>> -> memref<1000000x64xf32, #tpu.memory_space<hbm>>
    tpu.wait_indirect_dma semaphore(%arg21 : memref<!tpu.dma_semaphore, #tpu.memory_space<semaphore_mem>>) src(%dma_wait3A_322 : memref<1000000x64xf32, #tpu.memory_space<hbm>>) dst(%dma_wait3A_316 : memref<128x64xf32, #tpu.memory_space<vmem>>)
    %dma_start3A_323 = arith.constant 14 : i32
    %dma_start3A_324 = arith.constant 2 : i32
    %dma_start3A_325 = arith.constant 0 : i32
    %dma_start3A_326 = arith.constant 0 : i32
    %dma_start3A_327 = tpu.memref_slice %arg13[%dma_start3A_324, %dma_start3A_325, %dma_start3A_326] : memref<4x128x64xf32, #tpu.memory_space<vmem>> -> memref<1x128x64xf32, #tpu.memory_space<vmem>>
    %dma_start3A_328 = tpu.memref_squeeze %dma_start3A_327 : memref<1x128x64xf32, #tpu.memory_space<vmem>> -> memref<128x64xf32, #tpu.memory_space<vmem>>
    %dma_start3A_329 = arith.constant 0 : i32
    %dma_start3A_330 = tpu.memref_slice %arg8[%dma_start3A_323, %dma_start3A_329] : memref<50x128xi32, #tpu.memory_space<vmem>> -> memref<1x128xi32, #tpu.memory_space<vmem>>
    %dma_start3A_331 = tpu.memref_squeeze %dma_start3A_330 : memref<1x128xi32, #tpu.memory_space<vmem>> -> memref<128xi32, #tpu.memory_space<vmem>>
    %dma_start3A_332 = arith.constant 0 : i32
    %dma_start3A_333 = arith.constant 0 : i32
    %dma_start3A_334 = tpu.memref_slice %arg6[%dma_start3A_332, %dma_start3A_333] : memref<1000000x64xf32, #tpu.memory_space<hbm>> -> memref<1000000x64xf32, #tpu.memory_space<hbm>>
    tpu.enqueue_indirect_dma source(%dma_start3A_334 : memref<1000000x64xf32, #tpu.memory_space<hbm>>) target(%dma_start3A_328 : memref<128x64xf32, #tpu.memory_space<vmem>>) offsets(%dma_start3A_331 : memref<128xi32, #tpu.memory_space<vmem>>) semaphore(%arg21 : memref<!tpu.dma_semaphore, #tpu.memory_space<semaphore_mem>>) {add = true}
    %dma_wait3A_335 = arith.constant 11 : i32
    %dma_wait3A_336 = arith.constant 3 : i32
    %dma_wait3A_337 = arith.constant 0 : i32
    %dma_wait3A_338 = arith.constant 0 : i32
    %dma_wait3A_339 = tpu.memref_slice %arg13[%dma_wait3A_336, %dma_wait3A_337, %dma_wait3A_338] : memref<4x128x64xf32, #tpu.memory_space<vmem>> -> memref<1x128x64xf32, #tpu.memory_space<vmem>>
    %dma_wait3A_340 = tpu.memref_squeeze %dma_wait3A_339 : memref<1x128x64xf32, #tpu.memory_space<vmem>> -> memref<128x64xf32, #tpu.memory_space<vmem>>
    %dma_wait3A_341 = arith.constant 0 : i32
    %dma_wait3A_342 = tpu.memref_slice %arg8[%dma_wait3A_335, %dma_wait3A_341] : memref<50x128xi32, #tpu.memory_space<vmem>> -> memref<1x128xi32, #tpu.memory_space<vmem>>
    %dma_wait3A_343 = tpu.memref_squeeze %dma_wait3A_342 : memref<1x128xi32, #tpu.memory_space<vmem>> -> memref<128xi32, #tpu.memory_space<vmem>>
    %dma_wait3A_344 = arith.constant 0 : i32
    %dma_wait3A_345 = arith.constant 0 : i32
    %dma_wait3A_346 = tpu.memref_slice %arg6[%dma_wait3A_344, %dma_wait3A_345] : memref<1000000x64xf32, #tpu.memory_space<hbm>> -> memref<1000000x64xf32, #tpu.memory_space<hbm>>
    tpu.wait_indirect_dma semaphore(%arg22 : memref<!tpu.dma_semaphore, #tpu.memory_space<semaphore_mem>>) src(%dma_wait3A_346 : memref<1000000x64xf32, #tpu.memory_space<hbm>>) dst(%dma_wait3A_340 : memref<128x64xf32, #tpu.memory_space<vmem>>)
    %dma_start3A_347 = arith.constant 15 : i32
    %dma_start3A_348 = arith.constant 3 : i32
    %dma_start3A_349 = arith.constant 0 : i32
    %dma_start3A_350 = arith.constant 0 : i32
    %dma_start3A_351 = tpu.memref_slice %arg13[%dma_start3A_348, %dma_start3A_349, %dma_start3A_350] : memref<4x128x64xf32, #tpu.memory_space<vmem>> -> memref<1x128x64xf32, #tpu.memory_space<vmem>>
    %dma_start3A_352 = tpu.memref_squeeze %dma_start3A_351 : memref<1x128x64xf32, #tpu.memory_space<vmem>> -> memref<128x64xf32, #tpu.memory_space<vmem>>
    %dma_start3A_353 = arith.constant 0 : i32
    %dma_start3A_354 = tpu.memref_slice %arg8[%dma_start3A_347, %dma_start3A_353] : memref<50x128xi32, #tpu.memory_space<vmem>> -> memref<1x128xi32, #tpu.memory_space<vmem>>
    %dma_start3A_355 = tpu.memref_squeeze %dma_start3A_354 : memref<1x128xi32, #tpu.memory_space<vmem>> -> memref<128xi32, #tpu.memory_space<vmem>>
    %dma_start3A_356 = arith.constant 0 : i32
    %dma_start3A_357 = arith.constant 0 : i32
    %dma_start3A_358 = tpu.memref_slice %arg6[%dma_start3A_356, %dma_start3A_357] : memref<1000000x64xf32, #tpu.memory_space<hbm>> -> memref<1000000x64xf32, #tpu.memory_space<hbm>>
    tpu.enqueue_indirect_dma source(%dma_start3A_358 : memref<1000000x64xf32, #tpu.memory_space<hbm>>) target(%dma_start3A_352 : memref<128x64xf32, #tpu.memory_space<vmem>>) offsets(%dma_start3A_355 : memref<128xi32, #tpu.memory_space<vmem>>) semaphore(%arg22 : memref<!tpu.dma_semaphore, #tpu.memory_space<semaphore_mem>>) {add = true}
    %dma_wait3A_359 = arith.constant 12 : i32
    %dma_wait3A_360 = arith.constant 0 : i32
    %dma_wait3A_361 = arith.constant 0 : i32
    %dma_wait3A_362 = arith.constant 0 : i32
    %dma_wait3A_363 = tpu.memref_slice %arg13[%dma_wait3A_360, %dma_wait3A_361, %dma_wait3A_362] : memref<4x128x64xf32, #tpu.memory_space<vmem>> -> memref<1x128x64xf32, #tpu.memory_space<vmem>>
    %dma_wait3A_364 = tpu.memref_squeeze %dma_wait3A_363 : memref<1x128x64xf32, #tpu.memory_space<vmem>> -> memref<128x64xf32, #tpu.memory_space<vmem>>
    %dma_wait3A_365 = arith.constant 0 : i32
    %dma_wait3A_366 = tpu.memref_slice %arg8[%dma_wait3A_359, %dma_wait3A_365] : memref<50x128xi32, #tpu.memory_space<vmem>> -> memref<1x128xi32, #tpu.memory_space<vmem>>
    %dma_wait3A_367 = tpu.memref_squeeze %dma_wait3A_366 : memref<1x128xi32, #tpu.memory_space<vmem>> -> memref<128xi32, #tpu.memory_space<vmem>>
    %dma_wait3A_368 = arith.constant 0 : i32
    %dma_wait3A_369 = arith.constant 0 : i32
    %dma_wait3A_370 = tpu.memref_slice %arg6[%dma_wait3A_368, %dma_wait3A_369] : memref<1000000x64xf32, #tpu.memory_space<hbm>> -> memref<1000000x64xf32, #tpu.memory_space<hbm>>
    tpu.wait_indirect_dma semaphore(%arg19 : memref<!tpu.dma_semaphore, #tpu.memory_space<semaphore_mem>>) src(%dma_wait3A_370 : memref<1000000x64xf32, #tpu.memory_space<hbm>>) dst(%dma_wait3A_364 : memref<128x64xf32, #tpu.memory_space<vmem>>)
    %dma_start3A_371 = arith.constant 16 : i32
    %dma_start3A_372 = arith.constant 0 : i32
    %dma_start3A_373 = arith.constant 0 : i32
    %dma_start3A_374 = arith.constant 0 : i32
    %dma_start3A_375 = tpu.memref_slice %arg13[%dma_start3A_372, %dma_start3A_373, %dma_start3A_374] : memref<4x128x64xf32, #tpu.memory_space<vmem>> -> memref<1x128x64xf32, #tpu.memory_space<vmem>>
    %dma_start3A_376 = tpu.memref_squeeze %dma_start3A_375 : memref<1x128x64xf32, #tpu.memory_space<vmem>> -> memref<128x64xf32, #tpu.memory_space<vmem>>
    %dma_start3A_377 = arith.constant 0 : i32
    %dma_start3A_378 = tpu.memref_slice %arg8[%dma_start3A_371, %dma_start3A_377] : memref<50x128xi32, #tpu.memory_space<vmem>> -> memref<1x128xi32, #tpu.memory_space<vmem>>
    %dma_start3A_379 = tpu.memref_squeeze %dma_start3A_378 : memref<1x128xi32, #tpu.memory_space<vmem>> -> memref<128xi32, #tpu.memory_space<vmem>>
    %dma_start3A_380 = arith.constant 0 : i32
    %dma_start3A_381 = arith.constant 0 : i32
    %dma_start3A_382 = tpu.memref_slice %arg6[%dma_start3A_380, %dma_start3A_381] : memref<1000000x64xf32, #tpu.memory_space<hbm>> -> memref<1000000x64xf32, #tpu.memory_space<hbm>>
    tpu.enqueue_indirect_dma source(%dma_start3A_382 : memref<1000000x64xf32, #tpu.memory_space<hbm>>) target(%dma_start3A_376 : memref<128x64xf32, #tpu.memory_space<vmem>>) offsets(%dma_start3A_379 : memref<128xi32, #tpu.memory_space<vmem>>) semaphore(%arg19 : memref<!tpu.dma_semaphore, #tpu.memory_space<semaphore_mem>>) {add = true}
    %dma_wait3A_383 = arith.constant 13 : i32
    %dma_wait3A_384 = arith.constant 1 : i32
    %dma_wait3A_385 = arith.constant 0 : i32
    %dma_wait3A_386 = arith.constant 0 : i32
    %dma_wait3A_387 = tpu.memref_slice %arg13[%dma_wait3A_384, %dma_wait3A_385, %dma_wait3A_386] : memref<4x128x64xf32, #tpu.memory_space<vmem>> -> memref<1x128x64xf32, #tpu.memory_space<vmem>>
    %dma_wait3A_388 = tpu.memref_squeeze %dma_wait3A_387 : memref<1x128x64xf32, #tpu.memory_space<vmem>> -> memref<128x64xf32, #tpu.memory_space<vmem>>
    %dma_wait3A_389 = arith.constant 0 : i32
    %dma_wait3A_390 = tpu.memref_slice %arg8[%dma_wait3A_383, %dma_wait3A_389] : memref<50x128xi32, #tpu.memory_space<vmem>> -> memref<1x128xi32, #tpu.memory_space<vmem>>
    %dma_wait3A_391 = tpu.memref_squeeze %dma_wait3A_390 : memref<1x128xi32, #tpu.memory_space<vmem>> -> memref<128xi32, #tpu.memory_space<vmem>>
    %dma_wait3A_392 = arith.constant 0 : i32
    %dma_wait3A_393 = arith.constant 0 : i32
    %dma_wait3A_394 = tpu.memref_slice %arg6[%dma_wait3A_392, %dma_wait3A_393] : memref<1000000x64xf32, #tpu.memory_space<hbm>> -> memref<1000000x64xf32, #tpu.memory_space<hbm>>
    tpu.wait_indirect_dma semaphore(%arg20 : memref<!tpu.dma_semaphore, #tpu.memory_space<semaphore_mem>>) src(%dma_wait3A_394 : memref<1000000x64xf32, #tpu.memory_space<hbm>>) dst(%dma_wait3A_388 : memref<128x64xf32, #tpu.memory_space<vmem>>)
    %dma_start3A_395 = arith.constant 17 : i32
    %dma_start3A_396 = arith.constant 1 : i32
    %dma_start3A_397 = arith.constant 0 : i32
    %dma_start3A_398 = arith.constant 0 : i32
    %dma_start3A_399 = tpu.memref_slice %arg13[%dma_start3A_396, %dma_start3A_397, %dma_start3A_398] : memref<4x128x64xf32, #tpu.memory_space<vmem>> -> memref<1x128x64xf32, #tpu.memory_space<vmem>>
    %dma_start3A_400 = tpu.memref_squeeze %dma_start3A_399 : memref<1x128x64xf32, #tpu.memory_space<vmem>> -> memref<128x64xf32, #tpu.memory_space<vmem>>
    %dma_start3A_401 = arith.constant 0 : i32
    %dma_start3A_402 = tpu.memref_slice %arg8[%dma_start3A_395, %dma_start3A_401] : memref<50x128xi32, #tpu.memory_space<vmem>> -> memref<1x128xi32, #tpu.memory_space<vmem>>
    %dma_start3A_403 = tpu.memref_squeeze %dma_start3A_402 : memref<1x128xi32, #tpu.memory_space<vmem>> -> memref<128xi32, #tpu.memory_space<vmem>>
    %dma_start3A_404 = arith.constant 0 : i32
    %dma_start3A_405 = arith.constant 0 : i32
    %dma_start3A_406 = tpu.memref_slice %arg6[%dma_start3A_404, %dma_start3A_405] : memref<1000000x64xf32, #tpu.memory_space<hbm>> -> memref<1000000x64xf32, #tpu.memory_space<hbm>>
    tpu.enqueue_indirect_dma source(%dma_start3A_406 : memref<1000000x64xf32, #tpu.memory_space<hbm>>) target(%dma_start3A_400 : memref<128x64xf32, #tpu.memory_space<vmem>>) offsets(%dma_start3A_403 : memref<128xi32, #tpu.memory_space<vmem>>) semaphore(%arg20 : memref<!tpu.dma_semaphore, #tpu.memory_space<semaphore_mem>>) {add = true}
    %dma_wait3A_407 = arith.constant 14 : i32
    %dma_wait3A_408 = arith.constant 2 : i32
    %dma_wait3A_409 = arith.constant 0 : i32
    %dma_wait3A_410 = arith.constant 0 : i32
    %dma_wait3A_411 = tpu.memref_slice %arg13[%dma_wait3A_408, %dma_wait3A_409, %dma_wait3A_410] : memref<4x128x64xf32, #tpu.memory_space<vmem>> -> memref<1x128x64xf32, #tpu.memory_space<vmem>>
    %dma_wait3A_412 = tpu.memref_squeeze %dma_wait3A_411 : memref<1x128x64xf32, #tpu.memory_space<vmem>> -> memref<128x64xf32, #tpu.memory_space<vmem>>
    %dma_wait3A_413 = arith.constant 0 : i32
    %dma_wait3A_414 = tpu.memref_slice %arg8[%dma_wait3A_407, %dma_wait3A_413] : memref<50x128xi32, #tpu.memory_space<vmem>> -> memref<1x128xi32, #tpu.memory_space<vmem>>
    %dma_wait3A_415 = tpu.memref_squeeze %dma_wait3A_414 : memref<1x128xi32, #tpu.memory_space<vmem>> -> memref<128xi32, #tpu.memory_space<vmem>>
    %dma_wait3A_416 = arith.constant 0 : i32
    %dma_wait3A_417 = arith.constant 0 : i32
    %dma_wait3A_418 = tpu.memref_slice %arg6[%dma_wait3A_416, %dma_wait3A_417] : memref<1000000x64xf32, #tpu.memory_space<hbm>> -> memref<1000000x64xf32, #tpu.memory_space<hbm>>
    tpu.wait_indirect_dma semaphore(%arg21 : memref<!tpu.dma_semaphore, #tpu.memory_space<semaphore_mem>>) src(%dma_wait3A_418 : memref<1000000x64xf32, #tpu.memory_space<hbm>>) dst(%dma_wait3A_412 : memref<128x64xf32, #tpu.memory_space<vmem>>)
    %dma_start3A_419 = arith.constant 18 : i32
    %dma_start3A_420 = arith.constant 2 : i32
    %dma_start3A_421 = arith.constant 0 : i32
    %dma_start3A_422 = arith.constant 0 : i32
    %dma_start3A_423 = tpu.memref_slice %arg13[%dma_start3A_420, %dma_start3A_421, %dma_start3A_422] : memref<4x128x64xf32, #tpu.memory_space<vmem>> -> memref<1x128x64xf32, #tpu.memory_space<vmem>>
    %dma_start3A_424 = tpu.memref_squeeze %dma_start3A_423 : memref<1x128x64xf32, #tpu.memory_space<vmem>> -> memref<128x64xf32, #tpu.memory_space<vmem>>
    %dma_start3A_425 = arith.constant 0 : i32
    %dma_start3A_426 = tpu.memref_slice %arg8[%dma_start3A_419, %dma_start3A_425] : memref<50x128xi32, #tpu.memory_space<vmem>> -> memref<1x128xi32, #tpu.memory_space<vmem>>
    %dma_start3A_427 = tpu.memref_squeeze %dma_start3A_426 : memref<1x128xi32, #tpu.memory_space<vmem>> -> memref<128xi32, #tpu.memory_space<vmem>>
    %dma_start3A_428 = arith.constant 0 : i32
    %dma_start3A_429 = arith.constant 0 : i32
    %dma_start3A_430 = tpu.memref_slice %arg6[%dma_start3A_428, %dma_start3A_429] : memref<1000000x64xf32, #tpu.memory_space<hbm>> -> memref<1000000x64xf32, #tpu.memory_space<hbm>>
    tpu.enqueue_indirect_dma source(%dma_start3A_430 : memref<1000000x64xf32, #tpu.memory_space<hbm>>) target(%dma_start3A_424 : memref<128x64xf32, #tpu.memory_space<vmem>>) offsets(%dma_start3A_427 : memref<128xi32, #tpu.memory_space<vmem>>) semaphore(%arg21 : memref<!tpu.dma_semaphore, #tpu.memory_space<semaphore_mem>>) {add = true}
    %dma_wait3A_431 = arith.constant 15 : i32
    %dma_wait3A_432 = arith.constant 3 : i32
    %dma_wait3A_433 = arith.constant 0 : i32
    %dma_wait3A_434 = arith.constant 0 : i32
    %dma_wait3A_435 = tpu.memref_slice %arg13[%dma_wait3A_432, %dma_wait3A_433, %dma_wait3A_434] : memref<4x128x64xf32, #tpu.memory_space<vmem>> -> memref<1x128x64xf32, #tpu.memory_space<vmem>>
    %dma_wait3A_436 = tpu.memref_squeeze %dma_wait3A_435 : memref<1x128x64xf32, #tpu.memory_space<vmem>> -> memref<128x64xf32, #tpu.memory_space<vmem>>
    %dma_wait3A_437 = arith.constant 0 : i32
    %dma_wait3A_438 = tpu.memref_slice %arg8[%dma_wait3A_431, %dma_wait3A_437] : memref<50x128xi32, #tpu.memory_space<vmem>> -> memref<1x128xi32, #tpu.memory_space<vmem>>
    %dma_wait3A_439 = tpu.memref_squeeze %dma_wait3A_438 : memref<1x128xi32, #tpu.memory_space<vmem>> -> memref<128xi32, #tpu.memory_space<vmem>>
    %dma_wait3A_440 = arith.constant 0 : i32
    %dma_wait3A_441 = arith.constant 0 : i32
    %dma_wait3A_442 = tpu.memref_slice %arg6[%dma_wait3A_440, %dma_wait3A_441] : memref<1000000x64xf32, #tpu.memory_space<hbm>> -> memref<1000000x64xf32, #tpu.memory_space<hbm>>
    tpu.wait_indirect_dma semaphore(%arg22 : memref<!tpu.dma_semaphore, #tpu.memory_space<semaphore_mem>>) src(%dma_wait3A_442 : memref<1000000x64xf32, #tpu.memory_space<hbm>>) dst(%dma_wait3A_436 : memref<128x64xf32, #tpu.memory_space<vmem>>)
    %dma_start3A_443 = arith.constant 19 : i32
    %dma_start3A_444 = arith.constant 3 : i32
    %dma_start3A_445 = arith.constant 0 : i32
    %dma_start3A_446 = arith.constant 0 : i32
    %dma_start3A_447 = tpu.memref_slice %arg13[%dma_start3A_444, %dma_start3A_445, %dma_start3A_446] : memref<4x128x64xf32, #tpu.memory_space<vmem>> -> memref<1x128x64xf32, #tpu.memory_space<vmem>>
    %dma_start3A_448 = tpu.memref_squeeze %dma_start3A_447 : memref<1x128x64xf32, #tpu.memory_space<vmem>> -> memref<128x64xf32, #tpu.memory_space<vmem>>
    %dma_start3A_449 = arith.constant 0 : i32
    %dma_start3A_450 = tpu.memref_slice %arg8[%dma_start3A_443, %dma_start3A_449] : memref<50x128xi32, #tpu.memory_space<vmem>> -> memref<1x128xi32, #tpu.memory_space<vmem>>
    %dma_start3A_451 = tpu.memref_squeeze %dma_start3A_450 : memref<1x128xi32, #tpu.memory_space<vmem>> -> memref<128xi32, #tpu.memory_space<vmem>>
    %dma_start3A_452 = arith.constant 0 : i32
    %dma_start3A_453 = arith.constant 0 : i32
    %dma_start3A_454 = tpu.memref_slice %arg6[%dma_start3A_452, %dma_start3A_453] : memref<1000000x64xf32, #tpu.memory_space<hbm>> -> memref<1000000x64xf32, #tpu.memory_space<hbm>>
    tpu.enqueue_indirect_dma source(%dma_start3A_454 : memref<1000000x64xf32, #tpu.memory_space<hbm>>) target(%dma_start3A_448 : memref<128x64xf32, #tpu.memory_space<vmem>>) offsets(%dma_start3A_451 : memref<128xi32, #tpu.memory_space<vmem>>) semaphore(%arg22 : memref<!tpu.dma_semaphore, #tpu.memory_space<semaphore_mem>>) {add = true}
    %dma_wait3A_455 = arith.constant 16 : i32
    %dma_wait3A_456 = arith.constant 0 : i32
    %dma_wait3A_457 = arith.constant 0 : i32
    %dma_wait3A_458 = arith.constant 0 : i32
    %dma_wait3A_459 = tpu.memref_slice %arg13[%dma_wait3A_456, %dma_wait3A_457, %dma_wait3A_458] : memref<4x128x64xf32, #tpu.memory_space<vmem>> -> memref<1x128x64xf32, #tpu.memory_space<vmem>>
    %dma_wait3A_460 = tpu.memref_squeeze %dma_wait3A_459 : memref<1x128x64xf32, #tpu.memory_space<vmem>> -> memref<128x64xf32, #tpu.memory_space<vmem>>
    %dma_wait3A_461 = arith.constant 0 : i32
    %dma_wait3A_462 = tpu.memref_slice %arg8[%dma_wait3A_455, %dma_wait3A_461] : memref<50x128xi32, #tpu.memory_space<vmem>> -> memref<1x128xi32, #tpu.memory_space<vmem>>
    %dma_wait3A_463 = tpu.memref_squeeze %dma_wait3A_462 : memref<1x128xi32, #tpu.memory_space<vmem>> -> memref<128xi32, #tpu.memory_space<vmem>>
    %dma_wait3A_464 = arith.constant 0 : i32
    %dma_wait3A_465 = arith.constant 0 : i32
    %dma_wait3A_466 = tpu.memref_slice %arg6[%dma_wait3A_464, %dma_wait3A_465] : memref<1000000x64xf32, #tpu.memory_space<hbm>> -> memref<1000000x64xf32, #tpu.memory_space<hbm>>
    tpu.wait_indirect_dma semaphore(%arg19 : memref<!tpu.dma_semaphore, #tpu.memory_space<semaphore_mem>>) src(%dma_wait3A_466 : memref<1000000x64xf32, #tpu.memory_space<hbm>>) dst(%dma_wait3A_460 : memref<128x64xf32, #tpu.memory_space<vmem>>)
    %dma_start3A_467 = arith.constant 20 : i32
    %dma_start3A_468 = arith.constant 0 : i32
    %dma_start3A_469 = arith.constant 0 : i32
    %dma_start3A_470 = arith.constant 0 : i32
    %dma_start3A_471 = tpu.memref_slice %arg13[%dma_start3A_468, %dma_start3A_469, %dma_start3A_470] : memref<4x128x64xf32, #tpu.memory_space<vmem>> -> memref<1x128x64xf32, #tpu.memory_space<vmem>>
    %dma_start3A_472 = tpu.memref_squeeze %dma_start3A_471 : memref<1x128x64xf32, #tpu.memory_space<vmem>> -> memref<128x64xf32, #tpu.memory_space<vmem>>
    %dma_start3A_473 = arith.constant 0 : i32
    %dma_start3A_474 = tpu.memref_slice %arg8[%dma_start3A_467, %dma_start3A_473] : memref<50x128xi32, #tpu.memory_space<vmem>> -> memref<1x128xi32, #tpu.memory_space<vmem>>
    %dma_start3A_475 = tpu.memref_squeeze %dma_start3A_474 : memref<1x128xi32, #tpu.memory_space<vmem>> -> memref<128xi32, #tpu.memory_space<vmem>>
    %dma_start3A_476 = arith.constant 0 : i32
    %dma_start3A_477 = arith.constant 0 : i32
    %dma_start3A_478 = tpu.memref_slice %arg6[%dma_start3A_476, %dma_start3A_477] : memref<1000000x64xf32, #tpu.memory_space<hbm>> -> memref<1000000x64xf32, #tpu.memory_space<hbm>>
    tpu.enqueue_indirect_dma source(%dma_start3A_478 : memref<1000000x64xf32, #tpu.memory_space<hbm>>) target(%dma_start3A_472 : memref<128x64xf32, #tpu.memory_space<vmem>>) offsets(%dma_start3A_475 : memref<128xi32, #tpu.memory_space<vmem>>) semaphore(%arg19 : memref<!tpu.dma_semaphore, #tpu.memory_space<semaphore_mem>>) {add = true}
    %dma_wait3A_479 = arith.constant 17 : i32
    %dma_wait3A_480 = arith.constant 1 : i32
    %dma_wait3A_481 = arith.constant 0 : i32
    %dma_wait3A_482 = arith.constant 0 : i32
    %dma_wait3A_483 = tpu.memref_slice %arg13[%dma_wait3A_480, %dma_wait3A_481, %dma_wait3A_482] : memref<4x128x64xf32, #tpu.memory_space<vmem>> -> memref<1x128x64xf32, #tpu.memory_space<vmem>>
    %dma_wait3A_484 = tpu.memref_squeeze %dma_wait3A_483 : memref<1x128x64xf32, #tpu.memory_space<vmem>> -> memref<128x64xf32, #tpu.memory_space<vmem>>
    %dma_wait3A_485 = arith.constant 0 : i32
    %dma_wait3A_486 = tpu.memref_slice %arg8[%dma_wait3A_479, %dma_wait3A_485] : memref<50x128xi32, #tpu.memory_space<vmem>> -> memref<1x128xi32, #tpu.memory_space<vmem>>
    %dma_wait3A_487 = tpu.memref_squeeze %dma_wait3A_486 : memref<1x128xi32, #tpu.memory_space<vmem>> -> memref<128xi32, #tpu.memory_space<vmem>>
    %dma_wait3A_488 = arith.constant 0 : i32
    %dma_wait3A_489 = arith.constant 0 : i32
    %dma_wait3A_490 = tpu.memref_slice %arg6[%dma_wait3A_488, %dma_wait3A_489] : memref<1000000x64xf32, #tpu.memory_space<hbm>> -> memref<1000000x64xf32, #tpu.memory_space<hbm>>
    tpu.wait_indirect_dma semaphore(%arg20 : memref<!tpu.dma_semaphore, #tpu.memory_space<semaphore_mem>>) src(%dma_wait3A_490 : memref<1000000x64xf32, #tpu.memory_space<hbm>>) dst(%dma_wait3A_484 : memref<128x64xf32, #tpu.memory_space<vmem>>)
    %dma_start3A_491 = arith.constant 21 : i32
    %dma_start3A_492 = arith.constant 1 : i32
    %dma_start3A_493 = arith.constant 0 : i32
    %dma_start3A_494 = arith.constant 0 : i32
    %dma_start3A_495 = tpu.memref_slice %arg13[%dma_start3A_492, %dma_start3A_493, %dma_start3A_494] : memref<4x128x64xf32, #tpu.memory_space<vmem>> -> memref<1x128x64xf32, #tpu.memory_space<vmem>>
    %dma_start3A_496 = tpu.memref_squeeze %dma_start3A_495 : memref<1x128x64xf32, #tpu.memory_space<vmem>> -> memref<128x64xf32, #tpu.memory_space<vmem>>
    %dma_start3A_497 = arith.constant 0 : i32
    %dma_start3A_498 = tpu.memref_slice %arg8[%dma_start3A_491, %dma_start3A_497] : memref<50x128xi32, #tpu.memory_space<vmem>> -> memref<1x128xi32, #tpu.memory_space<vmem>>
    %dma_start3A_499 = tpu.memref_squeeze %dma_start3A_498 : memref<1x128xi32, #tpu.memory_space<vmem>> -> memref<128xi32, #tpu.memory_space<vmem>>
    %dma_start3A_500 = arith.constant 0 : i32
    %dma_start3A_501 = arith.constant 0 : i32
    %dma_start3A_502 = tpu.memref_slice %arg6[%dma_start3A_500, %dma_start3A_501] : memref<1000000x64xf32, #tpu.memory_space<hbm>> -> memref<1000000x64xf32, #tpu.memory_space<hbm>>
    tpu.enqueue_indirect_dma source(%dma_start3A_502 : memref<1000000x64xf32, #tpu.memory_space<hbm>>) target(%dma_start3A_496 : memref<128x64xf32, #tpu.memory_space<vmem>>) offsets(%dma_start3A_499 : memref<128xi32, #tpu.memory_space<vmem>>) semaphore(%arg20 : memref<!tpu.dma_semaphore, #tpu.memory_space<semaphore_mem>>) {add = true}
    %dma_wait3A_503 = arith.constant 18 : i32
    %dma_wait3A_504 = arith.constant 2 : i32
    %dma_wait3A_505 = arith.constant 0 : i32
    %dma_wait3A_506 = arith.constant 0 : i32
    %dma_wait3A_507 = tpu.memref_slice %arg13[%dma_wait3A_504, %dma_wait3A_505, %dma_wait3A_506] : memref<4x128x64xf32, #tpu.memory_space<vmem>> -> memref<1x128x64xf32, #tpu.memory_space<vmem>>
    %dma_wait3A_508 = tpu.memref_squeeze %dma_wait3A_507 : memref<1x128x64xf32, #tpu.memory_space<vmem>> -> memref<128x64xf32, #tpu.memory_space<vmem>>
    %dma_wait3A_509 = arith.constant 0 : i32
    %dma_wait3A_510 = tpu.memref_slice %arg8[%dma_wait3A_503, %dma_wait3A_509] : memref<50x128xi32, #tpu.memory_space<vmem>> -> memref<1x128xi32, #tpu.memory_space<vmem>>
    %dma_wait3A_511 = tpu.memref_squeeze %dma_wait3A_510 : memref<1x128xi32, #tpu.memory_space<vmem>> -> memref<128xi32, #tpu.memory_space<vmem>>
    %dma_wait3A_512 = arith.constant 0 : i32
    %dma_wait3A_513 = arith.constant 0 : i32
    %dma_wait3A_514 = tpu.memref_slice %arg6[%dma_wait3A_512, %dma_wait3A_513] : memref<1000000x64xf32, #tpu.memory_space<hbm>> -> memref<1000000x64xf32, #tpu.memory_space<hbm>>
    tpu.wait_indirect_dma semaphore(%arg21 : memref<!tpu.dma_semaphore, #tpu.memory_space<semaphore_mem>>) src(%dma_wait3A_514 : memref<1000000x64xf32, #tpu.memory_space<hbm>>) dst(%dma_wait3A_508 : memref<128x64xf32, #tpu.memory_space<vmem>>)
    %dma_start3A_515 = arith.constant 22 : i32
    %dma_start3A_516 = arith.constant 2 : i32
    %dma_start3A_517 = arith.constant 0 : i32
    %dma_start3A_518 = arith.constant 0 : i32
    %dma_start3A_519 = tpu.memref_slice %arg13[%dma_start3A_516, %dma_start3A_517, %dma_start3A_518] : memref<4x128x64xf32, #tpu.memory_space<vmem>> -> memref<1x128x64xf32, #tpu.memory_space<vmem>>
    %dma_start3A_520 = tpu.memref_squeeze %dma_start3A_519 : memref<1x128x64xf32, #tpu.memory_space<vmem>> -> memref<128x64xf32, #tpu.memory_space<vmem>>
    %dma_start3A_521 = arith.constant 0 : i32
    %dma_start3A_522 = tpu.memref_slice %arg8[%dma_start3A_515, %dma_start3A_521] : memref<50x128xi32, #tpu.memory_space<vmem>> -> memref<1x128xi32, #tpu.memory_space<vmem>>
    %dma_start3A_523 = tpu.memref_squeeze %dma_start3A_522 : memref<1x128xi32, #tpu.memory_space<vmem>> -> memref<128xi32, #tpu.memory_space<vmem>>
    %dma_start3A_524 = arith.constant 0 : i32
    %dma_start3A_525 = arith.constant 0 : i32
    %dma_start3A_526 = tpu.memref_slice %arg6[%dma_start3A_524, %dma_start3A_525] : memref<1000000x64xf32, #tpu.memory_space<hbm>> -> memref<1000000x64xf32, #tpu.memory_space<hbm>>
    tpu.enqueue_indirect_dma source(%dma_start3A_526 : memref<1000000x64xf32, #tpu.memory_space<hbm>>) target(%dma_start3A_520 : memref<128x64xf32, #tpu.memory_space<vmem>>) offsets(%dma_start3A_523 : memref<128xi32, #tpu.memory_space<vmem>>) semaphore(%arg21 : memref<!tpu.dma_semaphore, #tpu.memory_space<semaphore_mem>>) {add = true}
    %dma_wait3A_527 = arith.constant 19 : i32
    %dma_wait3A_528 = arith.constant 3 : i32
    %dma_wait3A_529 = arith.constant 0 : i32
    %dma_wait3A_530 = arith.constant 0 : i32
    %dma_wait3A_531 = tpu.memref_slice %arg13[%dma_wait3A_528, %dma_wait3A_529, %dma_wait3A_530] : memref<4x128x64xf32, #tpu.memory_space<vmem>> -> memref<1x128x64xf32, #tpu.memory_space<vmem>>
    %dma_wait3A_532 = tpu.memref_squeeze %dma_wait3A_531 : memref<1x128x64xf32, #tpu.memory_space<vmem>> -> memref<128x64xf32, #tpu.memory_space<vmem>>
    %dma_wait3A_533 = arith.constant 0 : i32
    %dma_wait3A_534 = tpu.memref_slice %arg8[%dma_wait3A_527, %dma_wait3A_533] : memref<50x128xi32, #tpu.memory_space<vmem>> -> memref<1x128xi32, #tpu.memory_space<vmem>>
    %dma_wait3A_535 = tpu.memref_squeeze %dma_wait3A_534 : memref<1x128xi32, #tpu.memory_space<vmem>> -> memref<128xi32, #tpu.memory_space<vmem>>
    %dma_wait3A_536 = arith.constant 0 : i32
    %dma_wait3A_537 = arith.constant 0 : i32
    %dma_wait3A_538 = tpu.memref_slice %arg6[%dma_wait3A_536, %dma_wait3A_537] : memref<1000000x64xf32, #tpu.memory_space<hbm>> -> memref<1000000x64xf32, #tpu.memory_space<hbm>>
    tpu.wait_indirect_dma semaphore(%arg22 : memref<!tpu.dma_semaphore, #tpu.memory_space<semaphore_mem>>) src(%dma_wait3A_538 : memref<1000000x64xf32, #tpu.memory_space<hbm>>) dst(%dma_wait3A_532 : memref<128x64xf32, #tpu.memory_space<vmem>>)
    %dma_start3A_539 = arith.constant 23 : i32
    %dma_start3A_540 = arith.constant 3 : i32
    %dma_start3A_541 = arith.constant 0 : i32
    %dma_start3A_542 = arith.constant 0 : i32
    %dma_start3A_543 = tpu.memref_slice %arg13[%dma_start3A_540, %dma_start3A_541, %dma_start3A_542] : memref<4x128x64xf32, #tpu.memory_space<vmem>> -> memref<1x128x64xf32, #tpu.memory_space<vmem>>
    %dma_start3A_544 = tpu.memref_squeeze %dma_start3A_543 : memref<1x128x64xf32, #tpu.memory_space<vmem>> -> memref<128x64xf32, #tpu.memory_space<vmem>>
    %dma_start3A_545 = arith.constant 0 : i32
    %dma_start3A_546 = tpu.memref_slice %arg8[%dma_start3A_539, %dma_start3A_545] : memref<50x128xi32, #tpu.memory_space<vmem>> -> memref<1x128xi32, #tpu.memory_space<vmem>>
    %dma_start3A_547 = tpu.memref_squeeze %dma_start3A_546 : memref<1x128xi32, #tpu.memory_space<vmem>> -> memref<128xi32, #tpu.memory_space<vmem>>
    %dma_start3A_548 = arith.constant 0 : i32
    %dma_start3A_549 = arith.constant 0 : i32
    %dma_start3A_550 = tpu.memref_slice %arg6[%dma_start3A_548, %dma_start3A_549] : memref<1000000x64xf32, #tpu.memory_space<hbm>> -> memref<1000000x64xf32, #tpu.memory_space<hbm>>
    tpu.enqueue_indirect_dma source(%dma_start3A_550 : memref<1000000x64xf32, #tpu.memory_space<hbm>>) target(%dma_start3A_544 : memref<128x64xf32, #tpu.memory_space<vmem>>) offsets(%dma_start3A_547 : memref<128xi32, #tpu.memory_space<vmem>>) semaphore(%arg22 : memref<!tpu.dma_semaphore, #tpu.memory_space<semaphore_mem>>) {add = true}
    %dma_wait3A_551 = arith.constant 20 : i32
    %dma_wait3A_552 = arith.constant 0 : i32
    %dma_wait3A_553 = arith.constant 0 : i32
    %dma_wait3A_554 = arith.constant 0 : i32
    %dma_wait3A_555 = tpu.memref_slice %arg13[%dma_wait3A_552, %dma_wait3A_553, %dma_wait3A_554] : memref<4x128x64xf32, #tpu.memory_space<vmem>> -> memref<1x128x64xf32, #tpu.memory_space<vmem>>
    %dma_wait3A_556 = tpu.memref_squeeze %dma_wait3A_555 : memref<1x128x64xf32, #tpu.memory_space<vmem>> -> memref<128x64xf32, #tpu.memory_space<vmem>>
    %dma_wait3A_557 = arith.constant 0 : i32
    %dma_wait3A_558 = tpu.memref_slice %arg8[%dma_wait3A_551, %dma_wait3A_557] : memref<50x128xi32, #tpu.memory_space<vmem>> -> memref<1x128xi32, #tpu.memory_space<vmem>>
    %dma_wait3A_559 = tpu.memref_squeeze %dma_wait3A_558 : memref<1x128xi32, #tpu.memory_space<vmem>> -> memref<128xi32, #tpu.memory_space<vmem>>
    %dma_wait3A_560 = arith.constant 0 : i32
    %dma_wait3A_561 = arith.constant 0 : i32
    %dma_wait3A_562 = tpu.memref_slice %arg6[%dma_wait3A_560, %dma_wait3A_561] : memref<1000000x64xf32, #tpu.memory_space<hbm>> -> memref<1000000x64xf32, #tpu.memory_space<hbm>>
    tpu.wait_indirect_dma semaphore(%arg19 : memref<!tpu.dma_semaphore, #tpu.memory_space<semaphore_mem>>) src(%dma_wait3A_562 : memref<1000000x64xf32, #tpu.memory_space<hbm>>) dst(%dma_wait3A_556 : memref<128x64xf32, #tpu.memory_space<vmem>>)
    %dma_start3A_563 = arith.constant 24 : i32
    %dma_start3A_564 = arith.constant 0 : i32
    %dma_start3A_565 = arith.constant 0 : i32
    %dma_start3A_566 = arith.constant 0 : i32
    %dma_start3A_567 = tpu.memref_slice %arg13[%dma_start3A_564, %dma_start3A_565, %dma_start3A_566] : memref<4x128x64xf32, #tpu.memory_space<vmem>> -> memref<1x128x64xf32, #tpu.memory_space<vmem>>
    %dma_start3A_568 = tpu.memref_squeeze %dma_start3A_567 : memref<1x128x64xf32, #tpu.memory_space<vmem>> -> memref<128x64xf32, #tpu.memory_space<vmem>>
    %dma_start3A_569 = arith.constant 0 : i32
    %dma_start3A_570 = tpu.memref_slice %arg8[%dma_start3A_563, %dma_start3A_569] : memref<50x128xi32, #tpu.memory_space<vmem>> -> memref<1x128xi32, #tpu.memory_space<vmem>>
    %dma_start3A_571 = tpu.memref_squeeze %dma_start3A_570 : memref<1x128xi32, #tpu.memory_space<vmem>> -> memref<128xi32, #tpu.memory_space<vmem>>
    %dma_start3A_572 = arith.constant 0 : i32
    %dma_start3A_573 = arith.constant 0 : i32
    %dma_start3A_574 = tpu.memref_slice %arg6[%dma_start3A_572, %dma_start3A_573] : memref<1000000x64xf32, #tpu.memory_space<hbm>> -> memref<1000000x64xf32, #tpu.memory_space<hbm>>
    tpu.enqueue_indirect_dma source(%dma_start3A_574 : memref<1000000x64xf32, #tpu.memory_space<hbm>>) target(%dma_start3A_568 : memref<128x64xf32, #tpu.memory_space<vmem>>) offsets(%dma_start3A_571 : memref<128xi32, #tpu.memory_space<vmem>>) semaphore(%arg19 : memref<!tpu.dma_semaphore, #tpu.memory_space<semaphore_mem>>) {add = true}
    %dma_wait3A_575 = arith.constant 21 : i32
    %dma_wait3A_576 = arith.constant 1 : i32
    %dma_wait3A_577 = arith.constant 0 : i32
    %dma_wait3A_578 = arith.constant 0 : i32
    %dma_wait3A_579 = tpu.memref_slice %arg13[%dma_wait3A_576, %dma_wait3A_577, %dma_wait3A_578] : memref<4x128x64xf32, #tpu.memory_space<vmem>> -> memref<1x128x64xf32, #tpu.memory_space<vmem>>
    %dma_wait3A_580 = tpu.memref_squeeze %dma_wait3A_579 : memref<1x128x64xf32, #tpu.memory_space<vmem>> -> memref<128x64xf32, #tpu.memory_space<vmem>>
    %dma_wait3A_581 = arith.constant 0 : i32
    %dma_wait3A_582 = tpu.memref_slice %arg8[%dma_wait3A_575, %dma_wait3A_581] : memref<50x128xi32, #tpu.memory_space<vmem>> -> memref<1x128xi32, #tpu.memory_space<vmem>>
    %dma_wait3A_583 = tpu.memref_squeeze %dma_wait3A_582 : memref<1x128xi32, #tpu.memory_space<vmem>> -> memref<128xi32, #tpu.memory_space<vmem>>
    %dma_wait3A_584 = arith.constant 0 : i32
    %dma_wait3A_585 = arith.constant 0 : i32
    %dma_wait3A_586 = tpu.memref_slice %arg6[%dma_wait3A_584, %dma_wait3A_585] : memref<1000000x64xf32, #tpu.memory_space<hbm>> -> memref<1000000x64xf32, #tpu.memory_space<hbm>>
    tpu.wait_indirect_dma semaphore(%arg20 : memref<!tpu.dma_semaphore, #tpu.memory_space<semaphore_mem>>) src(%dma_wait3A_586 : memref<1000000x64xf32, #tpu.memory_space<hbm>>) dst(%dma_wait3A_580 : memref<128x64xf32, #tpu.memory_space<vmem>>)
    %dma_start3A_587 = arith.constant 25 : i32
    %dma_start3A_588 = arith.constant 1 : i32
    %dma_start3A_589 = arith.constant 0 : i32
    %dma_start3A_590 = arith.constant 0 : i32
    %dma_start3A_591 = tpu.memref_slice %arg13[%dma_start3A_588, %dma_start3A_589, %dma_start3A_590] : memref<4x128x64xf32, #tpu.memory_space<vmem>> -> memref<1x128x64xf32, #tpu.memory_space<vmem>>
    %dma_start3A_592 = tpu.memref_squeeze %dma_start3A_591 : memref<1x128x64xf32, #tpu.memory_space<vmem>> -> memref<128x64xf32, #tpu.memory_space<vmem>>
    %dma_start3A_593 = arith.constant 0 : i32
    %dma_start3A_594 = tpu.memref_slice %arg8[%dma_start3A_587, %dma_start3A_593] : memref<50x128xi32, #tpu.memory_space<vmem>> -> memref<1x128xi32, #tpu.memory_space<vmem>>
    %dma_start3A_595 = tpu.memref_squeeze %dma_start3A_594 : memref<1x128xi32, #tpu.memory_space<vmem>> -> memref<128xi32, #tpu.memory_space<vmem>>
    %dma_start3A_596 = arith.constant 0 : i32
    %dma_start3A_597 = arith.constant 0 : i32
    %dma_start3A_598 = tpu.memref_slice %arg6[%dma_start3A_596, %dma_start3A_597] : memref<1000000x64xf32, #tpu.memory_space<hbm>> -> memref<1000000x64xf32, #tpu.memory_space<hbm>>
    tpu.enqueue_indirect_dma source(%dma_start3A_598 : memref<1000000x64xf32, #tpu.memory_space<hbm>>) target(%dma_start3A_592 : memref<128x64xf32, #tpu.memory_space<vmem>>) offsets(%dma_start3A_595 : memref<128xi32, #tpu.memory_space<vmem>>) semaphore(%arg20 : memref<!tpu.dma_semaphore, #tpu.memory_space<semaphore_mem>>) {add = true}
    %dma_wait3A_599 = arith.constant 22 : i32
    %dma_wait3A_600 = arith.constant 2 : i32
    %dma_wait3A_601 = arith.constant 0 : i32
    %dma_wait3A_602 = arith.constant 0 : i32
    %dma_wait3A_603 = tpu.memref_slice %arg13[%dma_wait3A_600, %dma_wait3A_601, %dma_wait3A_602] : memref<4x128x64xf32, #tpu.memory_space<vmem>> -> memref<1x128x64xf32, #tpu.memory_space<vmem>>
    %dma_wait3A_604 = tpu.memref_squeeze %dma_wait3A_603 : memref<1x128x64xf32, #tpu.memory_space<vmem>> -> memref<128x64xf32, #tpu.memory_space<vmem>>
    %dma_wait3A_605 = arith.constant 0 : i32
    %dma_wait3A_606 = tpu.memref_slice %arg8[%dma_wait3A_599, %dma_wait3A_605] : memref<50x128xi32, #tpu.memory_space<vmem>> -> memref<1x128xi32, #tpu.memory_space<vmem>>
    %dma_wait3A_607 = tpu.memref_squeeze %dma_wait3A_606 : memref<1x128xi32, #tpu.memory_space<vmem>> -> memref<128xi32, #tpu.memory_space<vmem>>
    %dma_wait3A_608 = arith.constant 0 : i32
    %dma_wait3A_609 = arith.constant 0 : i32
    %dma_wait3A_610 = tpu.memref_slice %arg6[%dma_wait3A_608, %dma_wait3A_609] : memref<1000000x64xf32, #tpu.memory_space<hbm>> -> memref<1000000x64xf32, #tpu.memory_space<hbm>>
    tpu.wait_indirect_dma semaphore(%arg21 : memref<!tpu.dma_semaphore, #tpu.memory_space<semaphore_mem>>) src(%dma_wait3A_610 : memref<1000000x64xf32, #tpu.memory_space<hbm>>) dst(%dma_wait3A_604 : memref<128x64xf32, #tpu.memory_space<vmem>>)
    %dma_start3A_611 = arith.constant 26 : i32
    %dma_start3A_612 = arith.constant 2 : i32
    %dma_start3A_613 = arith.constant 0 : i32
    %dma_start3A_614 = arith.constant 0 : i32
    %dma_start3A_615 = tpu.memref_slice %arg13[%dma_start3A_612, %dma_start3A_613, %dma_start3A_614] : memref<4x128x64xf32, #tpu.memory_space<vmem>> -> memref<1x128x64xf32, #tpu.memory_space<vmem>>
    %dma_start3A_616 = tpu.memref_squeeze %dma_start3A_615 : memref<1x128x64xf32, #tpu.memory_space<vmem>> -> memref<128x64xf32, #tpu.memory_space<vmem>>
    %dma_start3A_617 = arith.constant 0 : i32
    %dma_start3A_618 = tpu.memref_slice %arg8[%dma_start3A_611, %dma_start3A_617] : memref<50x128xi32, #tpu.memory_space<vmem>> -> memref<1x128xi32, #tpu.memory_space<vmem>>
    %dma_start3A_619 = tpu.memref_squeeze %dma_start3A_618 : memref<1x128xi32, #tpu.memory_space<vmem>> -> memref<128xi32, #tpu.memory_space<vmem>>
    %dma_start3A_620 = arith.constant 0 : i32
    %dma_start3A_621 = arith.constant 0 : i32
    %dma_start3A_622 = tpu.memref_slice %arg6[%dma_start3A_620, %dma_start3A_621] : memref<1000000x64xf32, #tpu.memory_space<hbm>> -> memref<1000000x64xf32, #tpu.memory_space<hbm>>
    tpu.enqueue_indirect_dma source(%dma_start3A_622 : memref<1000000x64xf32, #tpu.memory_space<hbm>>) target(%dma_start3A_616 : memref<128x64xf32, #tpu.memory_space<vmem>>) offsets(%dma_start3A_619 : memref<128xi32, #tpu.memory_space<vmem>>) semaphore(%arg21 : memref<!tpu.dma_semaphore, #tpu.memory_space<semaphore_mem>>) {add = true}
    %dma_wait3A_623 = arith.constant 23 : i32
    %dma_wait3A_624 = arith.constant 3 : i32
    %dma_wait3A_625 = arith.constant 0 : i32
    %dma_wait3A_626 = arith.constant 0 : i32
    %dma_wait3A_627 = tpu.memref_slice %arg13[%dma_wait3A_624, %dma_wait3A_625, %dma_wait3A_626] : memref<4x128x64xf32, #tpu.memory_space<vmem>> -> memref<1x128x64xf32, #tpu.memory_space<vmem>>
    %dma_wait3A_628 = tpu.memref_squeeze %dma_wait3A_627 : memref<1x128x64xf32, #tpu.memory_space<vmem>> -> memref<128x64xf32, #tpu.memory_space<vmem>>
    %dma_wait3A_629 = arith.constant 0 : i32
    %dma_wait3A_630 = tpu.memref_slice %arg8[%dma_wait3A_623, %dma_wait3A_629] : memref<50x128xi32, #tpu.memory_space<vmem>> -> memref<1x128xi32, #tpu.memory_space<vmem>>
    %dma_wait3A_631 = tpu.memref_squeeze %dma_wait3A_630 : memref<1x128xi32, #tpu.memory_space<vmem>> -> memref<128xi32, #tpu.memory_space<vmem>>
    %dma_wait3A_632 = arith.constant 0 : i32
    %dma_wait3A_633 = arith.constant 0 : i32
    %dma_wait3A_634 = tpu.memref_slice %arg6[%dma_wait3A_632, %dma_wait3A_633] : memref<1000000x64xf32, #tpu.memory_space<hbm>> -> memref<1000000x64xf32, #tpu.memory_space<hbm>>
    tpu.wait_indirect_dma semaphore(%arg22 : memref<!tpu.dma_semaphore, #tpu.memory_space<semaphore_mem>>) src(%dma_wait3A_634 : memref<1000000x64xf32, #tpu.memory_space<hbm>>) dst(%dma_wait3A_628 : memref<128x64xf32, #tpu.memory_space<vmem>>)
    %dma_start3A_635 = arith.constant 27 : i32
    %dma_start3A_636 = arith.constant 3 : i32
    %dma_start3A_637 = arith.constant 0 : i32
    %dma_start3A_638 = arith.constant 0 : i32
    %dma_start3A_639 = tpu.memref_slice %arg13[%dma_start3A_636, %dma_start3A_637, %dma_start3A_638] : memref<4x128x64xf32, #tpu.memory_space<vmem>> -> memref<1x128x64xf32, #tpu.memory_space<vmem>>
    %dma_start3A_640 = tpu.memref_squeeze %dma_start3A_639 : memref<1x128x64xf32, #tpu.memory_space<vmem>> -> memref<128x64xf32, #tpu.memory_space<vmem>>
    %dma_start3A_641 = arith.constant 0 : i32
    %dma_start3A_642 = tpu.memref_slice %arg8[%dma_start3A_635, %dma_start3A_641] : memref<50x128xi32, #tpu.memory_space<vmem>> -> memref<1x128xi32, #tpu.memory_space<vmem>>
    %dma_start3A_643 = tpu.memref_squeeze %dma_start3A_642 : memref<1x128xi32, #tpu.memory_space<vmem>> -> memref<128xi32, #tpu.memory_space<vmem>>
    %dma_start3A_644 = arith.constant 0 : i32
    %dma_start3A_645 = arith.constant 0 : i32
    %dma_start3A_646 = tpu.memref_slice %arg6[%dma_start3A_644, %dma_start3A_645] : memref<1000000x64xf32, #tpu.memory_space<hbm>> -> memref<1000000x64xf32, #tpu.memory_space<hbm>>
    tpu.enqueue_indirect_dma source(%dma_start3A_646 : memref<1000000x64xf32, #tpu.memory_space<hbm>>) target(%dma_start3A_640 : memref<128x64xf32, #tpu.memory_space<vmem>>) offsets(%dma_start3A_643 : memref<128xi32, #tpu.memory_space<vmem>>) semaphore(%arg22 : memref<!tpu.dma_semaphore, #tpu.memory_space<semaphore_mem>>) {add = true}
    %dma_wait3A_647 = arith.constant 24 : i32
    %dma_wait3A_648 = arith.constant 0 : i32
    %dma_wait3A_649 = arith.constant 0 : i32
    %dma_wait3A_650 = arith.constant 0 : i32
    %dma_wait3A_651 = tpu.memref_slice %arg13[%dma_wait3A_648, %dma_wait3A_649, %dma_wait3A_650] : memref<4x128x64xf32, #tpu.memory_space<vmem>> -> memref<1x128x64xf32, #tpu.memory_space<vmem>>
    %dma_wait3A_652 = tpu.memref_squeeze %dma_wait3A_651 : memref<1x128x64xf32, #tpu.memory_space<vmem>> -> memref<128x64xf32, #tpu.memory_space<vmem>>
    %dma_wait3A_653 = arith.constant 0 : i32
    %dma_wait3A_654 = tpu.memref_slice %arg8[%dma_wait3A_647, %dma_wait3A_653] : memref<50x128xi32, #tpu.memory_space<vmem>> -> memref<1x128xi32, #tpu.memory_space<vmem>>
    %dma_wait3A_655 = tpu.memref_squeeze %dma_wait3A_654 : memref<1x128xi32, #tpu.memory_space<vmem>> -> memref<128xi32, #tpu.memory_space<vmem>>
    %dma_wait3A_656 = arith.constant 0 : i32
    %dma_wait3A_657 = arith.constant 0 : i32
    %dma_wait3A_658 = tpu.memref_slice %arg6[%dma_wait3A_656, %dma_wait3A_657] : memref<1000000x64xf32, #tpu.memory_space<hbm>> -> memref<1000000x64xf32, #tpu.memory_space<hbm>>
    tpu.wait_indirect_dma semaphore(%arg19 : memref<!tpu.dma_semaphore, #tpu.memory_space<semaphore_mem>>) src(%dma_wait3A_658 : memref<1000000x64xf32, #tpu.memory_space<hbm>>) dst(%dma_wait3A_652 : memref<128x64xf32, #tpu.memory_space<vmem>>)
    %dma_start3A_659 = arith.constant 28 : i32
    %dma_start3A_660 = arith.constant 0 : i32
    %dma_start3A_661 = arith.constant 0 : i32
    %dma_start3A_662 = arith.constant 0 : i32
    %dma_start3A_663 = tpu.memref_slice %arg13[%dma_start3A_660, %dma_start3A_661, %dma_start3A_662] : memref<4x128x64xf32, #tpu.memory_space<vmem>> -> memref<1x128x64xf32, #tpu.memory_space<vmem>>
    %dma_start3A_664 = tpu.memref_squeeze %dma_start3A_663 : memref<1x128x64xf32, #tpu.memory_space<vmem>> -> memref<128x64xf32, #tpu.memory_space<vmem>>
    %dma_start3A_665 = arith.constant 0 : i32
    %dma_start3A_666 = tpu.memref_slice %arg8[%dma_start3A_659, %dma_start3A_665] : memref<50x128xi32, #tpu.memory_space<vmem>> -> memref<1x128xi32, #tpu.memory_space<vmem>>
    %dma_start3A_667 = tpu.memref_squeeze %dma_start3A_666 : memref<1x128xi32, #tpu.memory_space<vmem>> -> memref<128xi32, #tpu.memory_space<vmem>>
    %dma_start3A_668 = arith.constant 0 : i32
    %dma_start3A_669 = arith.constant 0 : i32
    %dma_start3A_670 = tpu.memref_slice %arg6[%dma_start3A_668, %dma_start3A_669] : memref<1000000x64xf32, #tpu.memory_space<hbm>> -> memref<1000000x64xf32, #tpu.memory_space<hbm>>
    tpu.enqueue_indirect_dma source(%dma_start3A_670 : memref<1000000x64xf32, #tpu.memory_space<hbm>>) target(%dma_start3A_664 : memref<128x64xf32, #tpu.memory_space<vmem>>) offsets(%dma_start3A_667 : memref<128xi32, #tpu.memory_space<vmem>>) semaphore(%arg19 : memref<!tpu.dma_semaphore, #tpu.memory_space<semaphore_mem>>) {add = true}
    %dma_wait3A_671 = arith.constant 25 : i32
    %dma_wait3A_672 = arith.constant 1 : i32
    %dma_wait3A_673 = arith.constant 0 : i32
    %dma_wait3A_674 = arith.constant 0 : i32
    %dma_wait3A_675 = tpu.memref_slice %arg13[%dma_wait3A_672, %dma_wait3A_673, %dma_wait3A_674] : memref<4x128x64xf32, #tpu.memory_space<vmem>> -> memref<1x128x64xf32, #tpu.memory_space<vmem>>
    %dma_wait3A_676 = tpu.memref_squeeze %dma_wait3A_675 : memref<1x128x64xf32, #tpu.memory_space<vmem>> -> memref<128x64xf32, #tpu.memory_space<vmem>>
    %dma_wait3A_677 = arith.constant 0 : i32
    %dma_wait3A_678 = tpu.memref_slice %arg8[%dma_wait3A_671, %dma_wait3A_677] : memref<50x128xi32, #tpu.memory_space<vmem>> -> memref<1x128xi32, #tpu.memory_space<vmem>>
    %dma_wait3A_679 = tpu.memref_squeeze %dma_wait3A_678 : memref<1x128xi32, #tpu.memory_space<vmem>> -> memref<128xi32, #tpu.memory_space<vmem>>
    %dma_wait3A_680 = arith.constant 0 : i32
    %dma_wait3A_681 = arith.constant 0 : i32
    %dma_wait3A_682 = tpu.memref_slice %arg6[%dma_wait3A_680, %dma_wait3A_681] : memref<1000000x64xf32, #tpu.memory_space<hbm>> -> memref<1000000x64xf32, #tpu.memory_space<hbm>>
    tpu.wait_indirect_dma semaphore(%arg20 : memref<!tpu.dma_semaphore, #tpu.memory_space<semaphore_mem>>) src(%dma_wait3A_682 : memref<1000000x64xf32, #tpu.memory_space<hbm>>) dst(%dma_wait3A_676 : memref<128x64xf32, #tpu.memory_space<vmem>>)
    %dma_start3A_683 = arith.constant 29 : i32
    %dma_start3A_684 = arith.constant 1 : i32
    %dma_start3A_685 = arith.constant 0 : i32
    %dma_start3A_686 = arith.constant 0 : i32
    %dma_start3A_687 = tpu.memref_slice %arg13[%dma_start3A_684, %dma_start3A_685, %dma_start3A_686] : memref<4x128x64xf32, #tpu.memory_space<vmem>> -> memref<1x128x64xf32, #tpu.memory_space<vmem>>
    %dma_start3A_688 = tpu.memref_squeeze %dma_start3A_687 : memref<1x128x64xf32, #tpu.memory_space<vmem>> -> memref<128x64xf32, #tpu.memory_space<vmem>>
    %dma_start3A_689 = arith.constant 0 : i32
    %dma_start3A_690 = tpu.memref_slice %arg8[%dma_start3A_683, %dma_start3A_689] : memref<50x128xi32, #tpu.memory_space<vmem>> -> memref<1x128xi32, #tpu.memory_space<vmem>>
    %dma_start3A_691 = tpu.memref_squeeze %dma_start3A_690 : memref<1x128xi32, #tpu.memory_space<vmem>> -> memref<128xi32, #tpu.memory_space<vmem>>
    %dma_start3A_692 = arith.constant 0 : i32
    %dma_start3A_693 = arith.constant 0 : i32
    %dma_start3A_694 = tpu.memref_slice %arg6[%dma_start3A_692, %dma_start3A_693] : memref<1000000x64xf32, #tpu.memory_space<hbm>> -> memref<1000000x64xf32, #tpu.memory_space<hbm>>
    tpu.enqueue_indirect_dma source(%dma_start3A_694 : memref<1000000x64xf32, #tpu.memory_space<hbm>>) target(%dma_start3A_688 : memref<128x64xf32, #tpu.memory_space<vmem>>) offsets(%dma_start3A_691 : memref<128xi32, #tpu.memory_space<vmem>>) semaphore(%arg20 : memref<!tpu.dma_semaphore, #tpu.memory_space<semaphore_mem>>) {add = true}
    %dma_wait3A_695 = arith.constant 26 : i32
    %dma_wait3A_696 = arith.constant 2 : i32
    %dma_wait3A_697 = arith.constant 0 : i32
    %dma_wait3A_698 = arith.constant 0 : i32
    %dma_wait3A_699 = tpu.memref_slice %arg13[%dma_wait3A_696, %dma_wait3A_697, %dma_wait3A_698] : memref<4x128x64xf32, #tpu.memory_space<vmem>> -> memref<1x128x64xf32, #tpu.memory_space<vmem>>
    %dma_wait3A_700 = tpu.memref_squeeze %dma_wait3A_699 : memref<1x128x64xf32, #tpu.memory_space<vmem>> -> memref<128x64xf32, #tpu.memory_space<vmem>>
    %dma_wait3A_701 = arith.constant 0 : i32
    %dma_wait3A_702 = tpu.memref_slice %arg8[%dma_wait3A_695, %dma_wait3A_701] : memref<50x128xi32, #tpu.memory_space<vmem>> -> memref<1x128xi32, #tpu.memory_space<vmem>>
    %dma_wait3A_703 = tpu.memref_squeeze %dma_wait3A_702 : memref<1x128xi32, #tpu.memory_space<vmem>> -> memref<128xi32, #tpu.memory_space<vmem>>
    %dma_wait3A_704 = arith.constant 0 : i32
    %dma_wait3A_705 = arith.constant 0 : i32
    %dma_wait3A_706 = tpu.memref_slice %arg6[%dma_wait3A_704, %dma_wait3A_705] : memref<1000000x64xf32, #tpu.memory_space<hbm>> -> memref<1000000x64xf32, #tpu.memory_space<hbm>>
    tpu.wait_indirect_dma semaphore(%arg21 : memref<!tpu.dma_semaphore, #tpu.memory_space<semaphore_mem>>) src(%dma_wait3A_706 : memref<1000000x64xf32, #tpu.memory_space<hbm>>) dst(%dma_wait3A_700 : memref<128x64xf32, #tpu.memory_space<vmem>>)
    %dma_start3A_707 = arith.constant 30 : i32
    %dma_start3A_708 = arith.constant 2 : i32
    %dma_start3A_709 = arith.constant 0 : i32
    %dma_start3A_710 = arith.constant 0 : i32
    %dma_start3A_711 = tpu.memref_slice %arg13[%dma_start3A_708, %dma_start3A_709, %dma_start3A_710] : memref<4x128x64xf32, #tpu.memory_space<vmem>> -> memref<1x128x64xf32, #tpu.memory_space<vmem>>
    %dma_start3A_712 = tpu.memref_squeeze %dma_start3A_711 : memref<1x128x64xf32, #tpu.memory_space<vmem>> -> memref<128x64xf32, #tpu.memory_space<vmem>>
    %dma_start3A_713 = arith.constant 0 : i32
    %dma_start3A_714 = tpu.memref_slice %arg8[%dma_start3A_707, %dma_start3A_713] : memref<50x128xi32, #tpu.memory_space<vmem>> -> memref<1x128xi32, #tpu.memory_space<vmem>>
    %dma_start3A_715 = tpu.memref_squeeze %dma_start3A_714 : memref<1x128xi32, #tpu.memory_space<vmem>> -> memref<128xi32, #tpu.memory_space<vmem>>
    %dma_start3A_716 = arith.constant 0 : i32
    %dma_start3A_717 = arith.constant 0 : i32
    %dma_start3A_718 = tpu.memref_slice %arg6[%dma_start3A_716, %dma_start3A_717] : memref<1000000x64xf32, #tpu.memory_space<hbm>> -> memref<1000000x64xf32, #tpu.memory_space<hbm>>
    tpu.enqueue_indirect_dma source(%dma_start3A_718 : memref<1000000x64xf32, #tpu.memory_space<hbm>>) target(%dma_start3A_712 : memref<128x64xf32, #tpu.memory_space<vmem>>) offsets(%dma_start3A_715 : memref<128xi32, #tpu.memory_space<vmem>>) semaphore(%arg21 : memref<!tpu.dma_semaphore, #tpu.memory_space<semaphore_mem>>) {add = true}
    %dma_wait3A_719 = arith.constant 27 : i32
    %dma_wait3A_720 = arith.constant 3 : i32
    %dma_wait3A_721 = arith.constant 0 : i32
    %dma_wait3A_722 = arith.constant 0 : i32
    %dma_wait3A_723 = tpu.memref_slice %arg13[%dma_wait3A_720, %dma_wait3A_721, %dma_wait3A_722] : memref<4x128x64xf32, #tpu.memory_space<vmem>> -> memref<1x128x64xf32, #tpu.memory_space<vmem>>
    %dma_wait3A_724 = tpu.memref_squeeze %dma_wait3A_723 : memref<1x128x64xf32, #tpu.memory_space<vmem>> -> memref<128x64xf32, #tpu.memory_space<vmem>>
    %dma_wait3A_725 = arith.constant 0 : i32
    %dma_wait3A_726 = tpu.memref_slice %arg8[%dma_wait3A_719, %dma_wait3A_725] : memref<50x128xi32, #tpu.memory_space<vmem>> -> memref<1x128xi32, #tpu.memory_space<vmem>>
    %dma_wait3A_727 = tpu.memref_squeeze %dma_wait3A_726 : memref<1x128xi32, #tpu.memory_space<vmem>> -> memref<128xi32, #tpu.memory_space<vmem>>
    %dma_wait3A_728 = arith.constant 0 : i32
    %dma_wait3A_729 = arith.constant 0 : i32
    %dma_wait3A_730 = tpu.memref_slice %arg6[%dma_wait3A_728, %dma_wait3A_729] : memref<1000000x64xf32, #tpu.memory_space<hbm>> -> memref<1000000x64xf32, #tpu.memory_space<hbm>>
    tpu.wait_indirect_dma semaphore(%arg22 : memref<!tpu.dma_semaphore, #tpu.memory_space<semaphore_mem>>) src(%dma_wait3A_730 : memref<1000000x64xf32, #tpu.memory_space<hbm>>) dst(%dma_wait3A_724 : memref<128x64xf32, #tpu.memory_space<vmem>>)
    %dma_start3A_731 = arith.constant 31 : i32
    %dma_start3A_732 = arith.constant 3 : i32
    %dma_start3A_733 = arith.constant 0 : i32
    %dma_start3A_734 = arith.constant 0 : i32
    %dma_start3A_735 = tpu.memref_slice %arg13[%dma_start3A_732, %dma_start3A_733, %dma_start3A_734] : memref<4x128x64xf32, #tpu.memory_space<vmem>> -> memref<1x128x64xf32, #tpu.memory_space<vmem>>
    %dma_start3A_736 = tpu.memref_squeeze %dma_start3A_735 : memref<1x128x64xf32, #tpu.memory_space<vmem>> -> memref<128x64xf32, #tpu.memory_space<vmem>>
    %dma_start3A_737 = arith.constant 0 : i32
    %dma_start3A_738 = tpu.memref_slice %arg8[%dma_start3A_731, %dma_start3A_737] : memref<50x128xi32, #tpu.memory_space<vmem>> -> memref<1x128xi32, #tpu.memory_space<vmem>>
    %dma_start3A_739 = tpu.memref_squeeze %dma_start3A_738 : memref<1x128xi32, #tpu.memory_space<vmem>> -> memref<128xi32, #tpu.memory_space<vmem>>
    %dma_start3A_740 = arith.constant 0 : i32
    %dma_start3A_741 = arith.constant 0 : i32
    %dma_start3A_742 = tpu.memref_slice %arg6[%dma_start3A_740, %dma_start3A_741] : memref<1000000x64xf32, #tpu.memory_space<hbm>> -> memref<1000000x64xf32, #tpu.memory_space<hbm>>
    tpu.enqueue_indirect_dma source(%dma_start3A_742 : memref<1000000x64xf32, #tpu.memory_space<hbm>>) target(%dma_start3A_736 : memref<128x64xf32, #tpu.memory_space<vmem>>) offsets(%dma_start3A_739 : memref<128xi32, #tpu.memory_space<vmem>>) semaphore(%arg22 : memref<!tpu.dma_semaphore, #tpu.memory_space<semaphore_mem>>) {add = true}
    %dma_wait3A_743 = arith.constant 28 : i32
    %dma_wait3A_744 = arith.constant 0 : i32
    %dma_wait3A_745 = arith.constant 0 : i32
    %dma_wait3A_746 = arith.constant 0 : i32
    %dma_wait3A_747 = tpu.memref_slice %arg13[%dma_wait3A_744, %dma_wait3A_745, %dma_wait3A_746] : memref<4x128x64xf32, #tpu.memory_space<vmem>> -> memref<1x128x64xf32, #tpu.memory_space<vmem>>
    %dma_wait3A_748 = tpu.memref_squeeze %dma_wait3A_747 : memref<1x128x64xf32, #tpu.memory_space<vmem>> -> memref<128x64xf32, #tpu.memory_space<vmem>>
    %dma_wait3A_749 = arith.constant 0 : i32
    %dma_wait3A_750 = tpu.memref_slice %arg8[%dma_wait3A_743, %dma_wait3A_749] : memref<50x128xi32, #tpu.memory_space<vmem>> -> memref<1x128xi32, #tpu.memory_space<vmem>>
    %dma_wait3A_751 = tpu.memref_squeeze %dma_wait3A_750 : memref<1x128xi32, #tpu.memory_space<vmem>> -> memref<128xi32, #tpu.memory_space<vmem>>
    %dma_wait3A_752 = arith.constant 0 : i32
    %dma_wait3A_753 = arith.constant 0 : i32
    %dma_wait3A_754 = tpu.memref_slice %arg6[%dma_wait3A_752, %dma_wait3A_753] : memref<1000000x64xf32, #tpu.memory_space<hbm>> -> memref<1000000x64xf32, #tpu.memory_space<hbm>>
    tpu.wait_indirect_dma semaphore(%arg19 : memref<!tpu.dma_semaphore, #tpu.memory_space<semaphore_mem>>) src(%dma_wait3A_754 : memref<1000000x64xf32, #tpu.memory_space<hbm>>) dst(%dma_wait3A_748 : memref<128x64xf32, #tpu.memory_space<vmem>>)
    %dma_start3A_755 = arith.constant 32 : i32
    %dma_start3A_756 = arith.constant 0 : i32
    %dma_start3A_757 = arith.constant 0 : i32
    %dma_start3A_758 = arith.constant 0 : i32
    %dma_start3A_759 = tpu.memref_slice %arg13[%dma_start3A_756, %dma_start3A_757, %dma_start3A_758] : memref<4x128x64xf32, #tpu.memory_space<vmem>> -> memref<1x128x64xf32, #tpu.memory_space<vmem>>
    %dma_start3A_760 = tpu.memref_squeeze %dma_start3A_759 : memref<1x128x64xf32, #tpu.memory_space<vmem>> -> memref<128x64xf32, #tpu.memory_space<vmem>>
    %dma_start3A_761 = arith.constant 0 : i32
    %dma_start3A_762 = tpu.memref_slice %arg8[%dma_start3A_755, %dma_start3A_761] : memref<50x128xi32, #tpu.memory_space<vmem>> -> memref<1x128xi32, #tpu.memory_space<vmem>>
    %dma_start3A_763 = tpu.memref_squeeze %dma_start3A_762 : memref<1x128xi32, #tpu.memory_space<vmem>> -> memref<128xi32, #tpu.memory_space<vmem>>
    %dma_start3A_764 = arith.constant 0 : i32
    %dma_start3A_765 = arith.constant 0 : i32
    %dma_start3A_766 = tpu.memref_slice %arg6[%dma_start3A_764, %dma_start3A_765] : memref<1000000x64xf32, #tpu.memory_space<hbm>> -> memref<1000000x64xf32, #tpu.memory_space<hbm>>
    tpu.enqueue_indirect_dma source(%dma_start3A_766 : memref<1000000x64xf32, #tpu.memory_space<hbm>>) target(%dma_start3A_760 : memref<128x64xf32, #tpu.memory_space<vmem>>) offsets(%dma_start3A_763 : memref<128xi32, #tpu.memory_space<vmem>>) semaphore(%arg19 : memref<!tpu.dma_semaphore, #tpu.memory_space<semaphore_mem>>) {add = true}
    %dma_wait3A_767 = arith.constant 29 : i32
    %dma_wait3A_768 = arith.constant 1 : i32
    %dma_wait3A_769 = arith.constant 0 : i32
    %dma_wait3A_770 = arith.constant 0 : i32
    %dma_wait3A_771 = tpu.memref_slice %arg13[%dma_wait3A_768, %dma_wait3A_769, %dma_wait3A_770] : memref<4x128x64xf32, #tpu.memory_space<vmem>> -> memref<1x128x64xf32, #tpu.memory_space<vmem>>
    %dma_wait3A_772 = tpu.memref_squeeze %dma_wait3A_771 : memref<1x128x64xf32, #tpu.memory_space<vmem>> -> memref<128x64xf32, #tpu.memory_space<vmem>>
    %dma_wait3A_773 = arith.constant 0 : i32
    %dma_wait3A_774 = tpu.memref_slice %arg8[%dma_wait3A_767, %dma_wait3A_773] : memref<50x128xi32, #tpu.memory_space<vmem>> -> memref<1x128xi32, #tpu.memory_space<vmem>>
    %dma_wait3A_775 = tpu.memref_squeeze %dma_wait3A_774 : memref<1x128xi32, #tpu.memory_space<vmem>> -> memref<128xi32, #tpu.memory_space<vmem>>
    %dma_wait3A_776 = arith.constant 0 : i32
    %dma_wait3A_777 = arith.constant 0 : i32
    %dma_wait3A_778 = tpu.memref_slice %arg6[%dma_wait3A_776, %dma_wait3A_777] : memref<1000000x64xf32, #tpu.memory_space<hbm>> -> memref<1000000x64xf32, #tpu.memory_space<hbm>>
    tpu.wait_indirect_dma semaphore(%arg20 : memref<!tpu.dma_semaphore, #tpu.memory_space<semaphore_mem>>) src(%dma_wait3A_778 : memref<1000000x64xf32, #tpu.memory_space<hbm>>) dst(%dma_wait3A_772 : memref<128x64xf32, #tpu.memory_space<vmem>>)
    %dma_start3A_779 = arith.constant 33 : i32
    %dma_start3A_780 = arith.constant 1 : i32
    %dma_start3A_781 = arith.constant 0 : i32
    %dma_start3A_782 = arith.constant 0 : i32
    %dma_start3A_783 = tpu.memref_slice %arg13[%dma_start3A_780, %dma_start3A_781, %dma_start3A_782] : memref<4x128x64xf32, #tpu.memory_space<vmem>> -> memref<1x128x64xf32, #tpu.memory_space<vmem>>
    %dma_start3A_784 = tpu.memref_squeeze %dma_start3A_783 : memref<1x128x64xf32, #tpu.memory_space<vmem>> -> memref<128x64xf32, #tpu.memory_space<vmem>>
    %dma_start3A_785 = arith.constant 0 : i32
    %dma_start3A_786 = tpu.memref_slice %arg8[%dma_start3A_779, %dma_start3A_785] : memref<50x128xi32, #tpu.memory_space<vmem>> -> memref<1x128xi32, #tpu.memory_space<vmem>>
    %dma_start3A_787 = tpu.memref_squeeze %dma_start3A_786 : memref<1x128xi32, #tpu.memory_space<vmem>> -> memref<128xi32, #tpu.memory_space<vmem>>
    %dma_start3A_788 = arith.constant 0 : i32
    %dma_start3A_789 = arith.constant 0 : i32
    %dma_start3A_790 = tpu.memref_slice %arg6[%dma_start3A_788, %dma_start3A_789] : memref<1000000x64xf32, #tpu.memory_space<hbm>> -> memref<1000000x64xf32, #tpu.memory_space<hbm>>
    tpu.enqueue_indirect_dma source(%dma_start3A_790 : memref<1000000x64xf32, #tpu.memory_space<hbm>>) target(%dma_start3A_784 : memref<128x64xf32, #tpu.memory_space<vmem>>) offsets(%dma_start3A_787 : memref<128xi32, #tpu.memory_space<vmem>>) semaphore(%arg20 : memref<!tpu.dma_semaphore, #tpu.memory_space<semaphore_mem>>) {add = true}
    %dma_wait3A_791 = arith.constant 30 : i32
    %dma_wait3A_792 = arith.constant 2 : i32
    %dma_wait3A_793 = arith.constant 0 : i32
    %dma_wait3A_794 = arith.constant 0 : i32
    %dma_wait3A_795 = tpu.memref_slice %arg13[%dma_wait3A_792, %dma_wait3A_793, %dma_wait3A_794] : memref<4x128x64xf32, #tpu.memory_space<vmem>> -> memref<1x128x64xf32, #tpu.memory_space<vmem>>
    %dma_wait3A_796 = tpu.memref_squeeze %dma_wait3A_795 : memref<1x128x64xf32, #tpu.memory_space<vmem>> -> memref<128x64xf32, #tpu.memory_space<vmem>>
    %dma_wait3A_797 = arith.constant 0 : i32
    %dma_wait3A_798 = tpu.memref_slice %arg8[%dma_wait3A_791, %dma_wait3A_797] : memref<50x128xi32, #tpu.memory_space<vmem>> -> memref<1x128xi32, #tpu.memory_space<vmem>>
    %dma_wait3A_799 = tpu.memref_squeeze %dma_wait3A_798 : memref<1x128xi32, #tpu.memory_space<vmem>> -> memref<128xi32, #tpu.memory_space<vmem>>
    %dma_wait3A_800 = arith.constant 0 : i32
    %dma_wait3A_801 = arith.constant 0 : i32
    %dma_wait3A_802 = tpu.memref_slice %arg6[%dma_wait3A_800, %dma_wait3A_801] : memref<1000000x64xf32, #tpu.memory_space<hbm>> -> memref<1000000x64xf32, #tpu.memory_space<hbm>>
    tpu.wait_indirect_dma semaphore(%arg21 : memref<!tpu.dma_semaphore, #tpu.memory_space<semaphore_mem>>) src(%dma_wait3A_802 : memref<1000000x64xf32, #tpu.memory_space<hbm>>) dst(%dma_wait3A_796 : memref<128x64xf32, #tpu.memory_space<vmem>>)
    %dma_start3A_803 = arith.constant 34 : i32
    %dma_start3A_804 = arith.constant 2 : i32
    %dma_start3A_805 = arith.constant 0 : i32
    %dma_start3A_806 = arith.constant 0 : i32
    %dma_start3A_807 = tpu.memref_slice %arg13[%dma_start3A_804, %dma_start3A_805, %dma_start3A_806] : memref<4x128x64xf32, #tpu.memory_space<vmem>> -> memref<1x128x64xf32, #tpu.memory_space<vmem>>
    %dma_start3A_808 = tpu.memref_squeeze %dma_start3A_807 : memref<1x128x64xf32, #tpu.memory_space<vmem>> -> memref<128x64xf32, #tpu.memory_space<vmem>>
    %dma_start3A_809 = arith.constant 0 : i32
    %dma_start3A_810 = tpu.memref_slice %arg8[%dma_start3A_803, %dma_start3A_809] : memref<50x128xi32, #tpu.memory_space<vmem>> -> memref<1x128xi32, #tpu.memory_space<vmem>>
    %dma_start3A_811 = tpu.memref_squeeze %dma_start3A_810 : memref<1x128xi32, #tpu.memory_space<vmem>> -> memref<128xi32, #tpu.memory_space<vmem>>
    %dma_start3A_812 = arith.constant 0 : i32
    %dma_start3A_813 = arith.constant 0 : i32
    %dma_start3A_814 = tpu.memref_slice %arg6[%dma_start3A_812, %dma_start3A_813] : memref<1000000x64xf32, #tpu.memory_space<hbm>> -> memref<1000000x64xf32, #tpu.memory_space<hbm>>
    tpu.enqueue_indirect_dma source(%dma_start3A_814 : memref<1000000x64xf32, #tpu.memory_space<hbm>>) target(%dma_start3A_808 : memref<128x64xf32, #tpu.memory_space<vmem>>) offsets(%dma_start3A_811 : memref<128xi32, #tpu.memory_space<vmem>>) semaphore(%arg21 : memref<!tpu.dma_semaphore, #tpu.memory_space<semaphore_mem>>) {add = true}
    %dma_wait3A_815 = arith.constant 31 : i32
    %dma_wait3A_816 = arith.constant 3 : i32
    %dma_wait3A_817 = arith.constant 0 : i32
    %dma_wait3A_818 = arith.constant 0 : i32
    %dma_wait3A_819 = tpu.memref_slice %arg13[%dma_wait3A_816, %dma_wait3A_817, %dma_wait3A_818] : memref<4x128x64xf32, #tpu.memory_space<vmem>> -> memref<1x128x64xf32, #tpu.memory_space<vmem>>
    %dma_wait3A_820 = tpu.memref_squeeze %dma_wait3A_819 : memref<1x128x64xf32, #tpu.memory_space<vmem>> -> memref<128x64xf32, #tpu.memory_space<vmem>>
    %dma_wait3A_821 = arith.constant 0 : i32
    %dma_wait3A_822 = tpu.memref_slice %arg8[%dma_wait3A_815, %dma_wait3A_821] : memref<50x128xi32, #tpu.memory_space<vmem>> -> memref<1x128xi32, #tpu.memory_space<vmem>>
    %dma_wait3A_823 = tpu.memref_squeeze %dma_wait3A_822 : memref<1x128xi32, #tpu.memory_space<vmem>> -> memref<128xi32, #tpu.memory_space<vmem>>
    %dma_wait3A_824 = arith.constant 0 : i32
    %dma_wait3A_825 = arith.constant 0 : i32
    %dma_wait3A_826 = tpu.memref_slice %arg6[%dma_wait3A_824, %dma_wait3A_825] : memref<1000000x64xf32, #tpu.memory_space<hbm>> -> memref<1000000x64xf32, #tpu.memory_space<hbm>>
    tpu.wait_indirect_dma semaphore(%arg22 : memref<!tpu.dma_semaphore, #tpu.memory_space<semaphore_mem>>) src(%dma_wait3A_826 : memref<1000000x64xf32, #tpu.memory_space<hbm>>) dst(%dma_wait3A_820 : memref<128x64xf32, #tpu.memory_space<vmem>>)
    %dma_start3A_827 = arith.constant 35 : i32
    %dma_start3A_828 = arith.constant 3 : i32
    %dma_start3A_829 = arith.constant 0 : i32
    %dma_start3A_830 = arith.constant 0 : i32
    %dma_start3A_831 = tpu.memref_slice %arg13[%dma_start3A_828, %dma_start3A_829, %dma_start3A_830] : memref<4x128x64xf32, #tpu.memory_space<vmem>> -> memref<1x128x64xf32, #tpu.memory_space<vmem>>
    %dma_start3A_832 = tpu.memref_squeeze %dma_start3A_831 : memref<1x128x64xf32, #tpu.memory_space<vmem>> -> memref<128x64xf32, #tpu.memory_space<vmem>>
    %dma_start3A_833 = arith.constant 0 : i32
    %dma_start3A_834 = tpu.memref_slice %arg8[%dma_start3A_827, %dma_start3A_833] : memref<50x128xi32, #tpu.memory_space<vmem>> -> memref<1x128xi32, #tpu.memory_space<vmem>>
    %dma_start3A_835 = tpu.memref_squeeze %dma_start3A_834 : memref<1x128xi32, #tpu.memory_space<vmem>> -> memref<128xi32, #tpu.memory_space<vmem>>
    %dma_start3A_836 = arith.constant 0 : i32
    %dma_start3A_837 = arith.constant 0 : i32
    %dma_start3A_838 = tpu.memref_slice %arg6[%dma_start3A_836, %dma_start3A_837] : memref<1000000x64xf32, #tpu.memory_space<hbm>> -> memref<1000000x64xf32, #tpu.memory_space<hbm>>
    tpu.enqueue_indirect_dma source(%dma_start3A_838 : memref<1000000x64xf32, #tpu.memory_space<hbm>>) target(%dma_start3A_832 : memref<128x64xf32, #tpu.memory_space<vmem>>) offsets(%dma_start3A_835 : memref<128xi32, #tpu.memory_space<vmem>>) semaphore(%arg22 : memref<!tpu.dma_semaphore, #tpu.memory_space<semaphore_mem>>) {add = true}
    %dma_wait3A_839 = arith.constant 32 : i32
    %dma_wait3A_840 = arith.constant 0 : i32
    %dma_wait3A_841 = arith.constant 0 : i32
    %dma_wait3A_842 = arith.constant 0 : i32
    %dma_wait3A_843 = tpu.memref_slice %arg13[%dma_wait3A_840, %dma_wait3A_841, %dma_wait3A_842] : memref<4x128x64xf32, #tpu.memory_space<vmem>> -> memref<1x128x64xf32, #tpu.memory_space<vmem>>
    %dma_wait3A_844 = tpu.memref_squeeze %dma_wait3A_843 : memref<1x128x64xf32, #tpu.memory_space<vmem>> -> memref<128x64xf32, #tpu.memory_space<vmem>>
    %dma_wait3A_845 = arith.constant 0 : i32
    %dma_wait3A_846 = tpu.memref_slice %arg8[%dma_wait3A_839, %dma_wait3A_845] : memref<50x128xi32, #tpu.memory_space<vmem>> -> memref<1x128xi32, #tpu.memory_space<vmem>>
    %dma_wait3A_847 = tpu.memref_squeeze %dma_wait3A_846 : memref<1x128xi32, #tpu.memory_space<vmem>> -> memref<128xi32, #tpu.memory_space<vmem>>
    %dma_wait3A_848 = arith.constant 0 : i32
    %dma_wait3A_849 = arith.constant 0 : i32
    %dma_wait3A_850 = tpu.memref_slice %arg6[%dma_wait3A_848, %dma_wait3A_849] : memref<1000000x64xf32, #tpu.memory_space<hbm>> -> memref<1000000x64xf32, #tpu.memory_space<hbm>>
    tpu.wait_indirect_dma semaphore(%arg19 : memref<!tpu.dma_semaphore, #tpu.memory_space<semaphore_mem>>) src(%dma_wait3A_850 : memref<1000000x64xf32, #tpu.memory_space<hbm>>) dst(%dma_wait3A_844 : memref<128x64xf32, #tpu.memory_space<vmem>>)
    %dma_start3A_851 = arith.constant 36 : i32
    %dma_start3A_852 = arith.constant 0 : i32
    %dma_start3A_853 = arith.constant 0 : i32
    %dma_start3A_854 = arith.constant 0 : i32
    %dma_start3A_855 = tpu.memref_slice %arg13[%dma_start3A_852, %dma_start3A_853, %dma_start3A_854] : memref<4x128x64xf32, #tpu.memory_space<vmem>> -> memref<1x128x64xf32, #tpu.memory_space<vmem>>
    %dma_start3A_856 = tpu.memref_squeeze %dma_start3A_855 : memref<1x128x64xf32, #tpu.memory_space<vmem>> -> memref<128x64xf32, #tpu.memory_space<vmem>>
    %dma_start3A_857 = arith.constant 0 : i32
    %dma_start3A_858 = tpu.memref_slice %arg8[%dma_start3A_851, %dma_start3A_857] : memref<50x128xi32, #tpu.memory_space<vmem>> -> memref<1x128xi32, #tpu.memory_space<vmem>>
    %dma_start3A_859 = tpu.memref_squeeze %dma_start3A_858 : memref<1x128xi32, #tpu.memory_space<vmem>> -> memref<128xi32, #tpu.memory_space<vmem>>
    %dma_start3A_860 = arith.constant 0 : i32
    %dma_start3A_861 = arith.constant 0 : i32
    %dma_start3A_862 = tpu.memref_slice %arg6[%dma_start3A_860, %dma_start3A_861] : memref<1000000x64xf32, #tpu.memory_space<hbm>> -> memref<1000000x64xf32, #tpu.memory_space<hbm>>
    tpu.enqueue_indirect_dma source(%dma_start3A_862 : memref<1000000x64xf32, #tpu.memory_space<hbm>>) target(%dma_start3A_856 : memref<128x64xf32, #tpu.memory_space<vmem>>) offsets(%dma_start3A_859 : memref<128xi32, #tpu.memory_space<vmem>>) semaphore(%arg19 : memref<!tpu.dma_semaphore, #tpu.memory_space<semaphore_mem>>) {add = true}
    %dma_wait3A_863 = arith.constant 33 : i32
    %dma_wait3A_864 = arith.constant 1 : i32
    %dma_wait3A_865 = arith.constant 0 : i32
    %dma_wait3A_866 = arith.constant 0 : i32
    %dma_wait3A_867 = tpu.memref_slice %arg13[%dma_wait3A_864, %dma_wait3A_865, %dma_wait3A_866] : memref<4x128x64xf32, #tpu.memory_space<vmem>> -> memref<1x128x64xf32, #tpu.memory_space<vmem>>
    %dma_wait3A_868 = tpu.memref_squeeze %dma_wait3A_867 : memref<1x128x64xf32, #tpu.memory_space<vmem>> -> memref<128x64xf32, #tpu.memory_space<vmem>>
    %dma_wait3A_869 = arith.constant 0 : i32
    %dma_wait3A_870 = tpu.memref_slice %arg8[%dma_wait3A_863, %dma_wait3A_869] : memref<50x128xi32, #tpu.memory_space<vmem>> -> memref<1x128xi32, #tpu.memory_space<vmem>>
    %dma_wait3A_871 = tpu.memref_squeeze %dma_wait3A_870 : memref<1x128xi32, #tpu.memory_space<vmem>> -> memref<128xi32, #tpu.memory_space<vmem>>
    %dma_wait3A_872 = arith.constant 0 : i32
    %dma_wait3A_873 = arith.constant 0 : i32
    %dma_wait3A_874 = tpu.memref_slice %arg6[%dma_wait3A_872, %dma_wait3A_873] : memref<1000000x64xf32, #tpu.memory_space<hbm>> -> memref<1000000x64xf32, #tpu.memory_space<hbm>>
    tpu.wait_indirect_dma semaphore(%arg20 : memref<!tpu.dma_semaphore, #tpu.memory_space<semaphore_mem>>) src(%dma_wait3A_874 : memref<1000000x64xf32, #tpu.memory_space<hbm>>) dst(%dma_wait3A_868 : memref<128x64xf32, #tpu.memory_space<vmem>>)
    %dma_start3A_875 = arith.constant 37 : i32
    %dma_start3A_876 = arith.constant 1 : i32
    %dma_start3A_877 = arith.constant 0 : i32
    %dma_start3A_878 = arith.constant 0 : i32
    %dma_start3A_879 = tpu.memref_slice %arg13[%dma_start3A_876, %dma_start3A_877, %dma_start3A_878] : memref<4x128x64xf32, #tpu.memory_space<vmem>> -> memref<1x128x64xf32, #tpu.memory_space<vmem>>
    %dma_start3A_880 = tpu.memref_squeeze %dma_start3A_879 : memref<1x128x64xf32, #tpu.memory_space<vmem>> -> memref<128x64xf32, #tpu.memory_space<vmem>>
    %dma_start3A_881 = arith.constant 0 : i32
    %dma_start3A_882 = tpu.memref_slice %arg8[%dma_start3A_875, %dma_start3A_881] : memref<50x128xi32, #tpu.memory_space<vmem>> -> memref<1x128xi32, #tpu.memory_space<vmem>>
    %dma_start3A_883 = tpu.memref_squeeze %dma_start3A_882 : memref<1x128xi32, #tpu.memory_space<vmem>> -> memref<128xi32, #tpu.memory_space<vmem>>
    %dma_start3A_884 = arith.constant 0 : i32
    %dma_start3A_885 = arith.constant 0 : i32
    %dma_start3A_886 = tpu.memref_slice %arg6[%dma_start3A_884, %dma_start3A_885] : memref<1000000x64xf32, #tpu.memory_space<hbm>> -> memref<1000000x64xf32, #tpu.memory_space<hbm>>
    tpu.enqueue_indirect_dma source(%dma_start3A_886 : memref<1000000x64xf32, #tpu.memory_space<hbm>>) target(%dma_start3A_880 : memref<128x64xf32, #tpu.memory_space<vmem>>) offsets(%dma_start3A_883 : memref<128xi32, #tpu.memory_space<vmem>>) semaphore(%arg20 : memref<!tpu.dma_semaphore, #tpu.memory_space<semaphore_mem>>) {add = true}
    %dma_wait3A_887 = arith.constant 34 : i32
    %dma_wait3A_888 = arith.constant 2 : i32
    %dma_wait3A_889 = arith.constant 0 : i32
    %dma_wait3A_890 = arith.constant 0 : i32
    %dma_wait3A_891 = tpu.memref_slice %arg13[%dma_wait3A_888, %dma_wait3A_889, %dma_wait3A_890] : memref<4x128x64xf32, #tpu.memory_space<vmem>> -> memref<1x128x64xf32, #tpu.memory_space<vmem>>
    %dma_wait3A_892 = tpu.memref_squeeze %dma_wait3A_891 : memref<1x128x64xf32, #tpu.memory_space<vmem>> -> memref<128x64xf32, #tpu.memory_space<vmem>>
    %dma_wait3A_893 = arith.constant 0 : i32
    %dma_wait3A_894 = tpu.memref_slice %arg8[%dma_wait3A_887, %dma_wait3A_893] : memref<50x128xi32, #tpu.memory_space<vmem>> -> memref<1x128xi32, #tpu.memory_space<vmem>>
    %dma_wait3A_895 = tpu.memref_squeeze %dma_wait3A_894 : memref<1x128xi32, #tpu.memory_space<vmem>> -> memref<128xi32, #tpu.memory_space<vmem>>
    %dma_wait3A_896 = arith.constant 0 : i32
    %dma_wait3A_897 = arith.constant 0 : i32
    %dma_wait3A_898 = tpu.memref_slice %arg6[%dma_wait3A_896, %dma_wait3A_897] : memref<1000000x64xf32, #tpu.memory_space<hbm>> -> memref<1000000x64xf32, #tpu.memory_space<hbm>>
    tpu.wait_indirect_dma semaphore(%arg21 : memref<!tpu.dma_semaphore, #tpu.memory_space<semaphore_mem>>) src(%dma_wait3A_898 : memref<1000000x64xf32, #tpu.memory_space<hbm>>) dst(%dma_wait3A_892 : memref<128x64xf32, #tpu.memory_space<vmem>>)
    %dma_start3A_899 = arith.constant 38 : i32
    %dma_start3A_900 = arith.constant 2 : i32
    %dma_start3A_901 = arith.constant 0 : i32
    %dma_start3A_902 = arith.constant 0 : i32
    %dma_start3A_903 = tpu.memref_slice %arg13[%dma_start3A_900, %dma_start3A_901, %dma_start3A_902] : memref<4x128x64xf32, #tpu.memory_space<vmem>> -> memref<1x128x64xf32, #tpu.memory_space<vmem>>
    %dma_start3A_904 = tpu.memref_squeeze %dma_start3A_903 : memref<1x128x64xf32, #tpu.memory_space<vmem>> -> memref<128x64xf32, #tpu.memory_space<vmem>>
    %dma_start3A_905 = arith.constant 0 : i32
    %dma_start3A_906 = tpu.memref_slice %arg8[%dma_start3A_899, %dma_start3A_905] : memref<50x128xi32, #tpu.memory_space<vmem>> -> memref<1x128xi32, #tpu.memory_space<vmem>>
    %dma_start3A_907 = tpu.memref_squeeze %dma_start3A_906 : memref<1x128xi32, #tpu.memory_space<vmem>> -> memref<128xi32, #tpu.memory_space<vmem>>
    %dma_start3A_908 = arith.constant 0 : i32
    %dma_start3A_909 = arith.constant 0 : i32
    %dma_start3A_910 = tpu.memref_slice %arg6[%dma_start3A_908, %dma_start3A_909] : memref<1000000x64xf32, #tpu.memory_space<hbm>> -> memref<1000000x64xf32, #tpu.memory_space<hbm>>
    tpu.enqueue_indirect_dma source(%dma_start3A_910 : memref<1000000x64xf32, #tpu.memory_space<hbm>>) target(%dma_start3A_904 : memref<128x64xf32, #tpu.memory_space<vmem>>) offsets(%dma_start3A_907 : memref<128xi32, #tpu.memory_space<vmem>>) semaphore(%arg21 : memref<!tpu.dma_semaphore, #tpu.memory_space<semaphore_mem>>) {add = true}
    %dma_wait3A_911 = arith.constant 35 : i32
    %dma_wait3A_912 = arith.constant 3 : i32
    %dma_wait3A_913 = arith.constant 0 : i32
    %dma_wait3A_914 = arith.constant 0 : i32
    %dma_wait3A_915 = tpu.memref_slice %arg13[%dma_wait3A_912, %dma_wait3A_913, %dma_wait3A_914] : memref<4x128x64xf32, #tpu.memory_space<vmem>> -> memref<1x128x64xf32, #tpu.memory_space<vmem>>
    %dma_wait3A_916 = tpu.memref_squeeze %dma_wait3A_915 : memref<1x128x64xf32, #tpu.memory_space<vmem>> -> memref<128x64xf32, #tpu.memory_space<vmem>>
    %dma_wait3A_917 = arith.constant 0 : i32
    %dma_wait3A_918 = tpu.memref_slice %arg8[%dma_wait3A_911, %dma_wait3A_917] : memref<50x128xi32, #tpu.memory_space<vmem>> -> memref<1x128xi32, #tpu.memory_space<vmem>>
    %dma_wait3A_919 = tpu.memref_squeeze %dma_wait3A_918 : memref<1x128xi32, #tpu.memory_space<vmem>> -> memref<128xi32, #tpu.memory_space<vmem>>
    %dma_wait3A_920 = arith.constant 0 : i32
    %dma_wait3A_921 = arith.constant 0 : i32
    %dma_wait3A_922 = tpu.memref_slice %arg6[%dma_wait3A_920, %dma_wait3A_921] : memref<1000000x64xf32, #tpu.memory_space<hbm>> -> memref<1000000x64xf32, #tpu.memory_space<hbm>>
    tpu.wait_indirect_dma semaphore(%arg22 : memref<!tpu.dma_semaphore, #tpu.memory_space<semaphore_mem>>) src(%dma_wait3A_922 : memref<1000000x64xf32, #tpu.memory_space<hbm>>) dst(%dma_wait3A_916 : memref<128x64xf32, #tpu.memory_space<vmem>>)
    %dma_start3A_923 = arith.constant 39 : i32
    %dma_start3A_924 = arith.constant 3 : i32
    %dma_start3A_925 = arith.constant 0 : i32
    %dma_start3A_926 = arith.constant 0 : i32
    %dma_start3A_927 = tpu.memref_slice %arg13[%dma_start3A_924, %dma_start3A_925, %dma_start3A_926] : memref<4x128x64xf32, #tpu.memory_space<vmem>> -> memref<1x128x64xf32, #tpu.memory_space<vmem>>
    %dma_start3A_928 = tpu.memref_squeeze %dma_start3A_927 : memref<1x128x64xf32, #tpu.memory_space<vmem>> -> memref<128x64xf32, #tpu.memory_space<vmem>>
    %dma_start3A_929 = arith.constant 0 : i32
    %dma_start3A_930 = tpu.memref_slice %arg8[%dma_start3A_923, %dma_start3A_929] : memref<50x128xi32, #tpu.memory_space<vmem>> -> memref<1x128xi32, #tpu.memory_space<vmem>>
    %dma_start3A_931 = tpu.memref_squeeze %dma_start3A_930 : memref<1x128xi32, #tpu.memory_space<vmem>> -> memref<128xi32, #tpu.memory_space<vmem>>
    %dma_start3A_932 = arith.constant 0 : i32
    %dma_start3A_933 = arith.constant 0 : i32
    %dma_start3A_934 = tpu.memref_slice %arg6[%dma_start3A_932, %dma_start3A_933] : memref<1000000x64xf32, #tpu.memory_space<hbm>> -> memref<1000000x64xf32, #tpu.memory_space<hbm>>
    tpu.enqueue_indirect_dma source(%dma_start3A_934 : memref<1000000x64xf32, #tpu.memory_space<hbm>>) target(%dma_start3A_928 : memref<128x64xf32, #tpu.memory_space<vmem>>) offsets(%dma_start3A_931 : memref<128xi32, #tpu.memory_space<vmem>>) semaphore(%arg22 : memref<!tpu.dma_semaphore, #tpu.memory_space<semaphore_mem>>) {add = true}
    %dma_wait3A_935 = arith.constant 36 : i32
    %dma_wait3A_936 = arith.constant 0 : i32
    %dma_wait3A_937 = arith.constant 0 : i32
    %dma_wait3A_938 = arith.constant 0 : i32
    %dma_wait3A_939 = tpu.memref_slice %arg13[%dma_wait3A_936, %dma_wait3A_937, %dma_wait3A_938] : memref<4x128x64xf32, #tpu.memory_space<vmem>> -> memref<1x128x64xf32, #tpu.memory_space<vmem>>
    %dma_wait3A_940 = tpu.memref_squeeze %dma_wait3A_939 : memref<1x128x64xf32, #tpu.memory_space<vmem>> -> memref<128x64xf32, #tpu.memory_space<vmem>>
    %dma_wait3A_941 = arith.constant 0 : i32
    %dma_wait3A_942 = tpu.memref_slice %arg8[%dma_wait3A_935, %dma_wait3A_941] : memref<50x128xi32, #tpu.memory_space<vmem>> -> memref<1x128xi32, #tpu.memory_space<vmem>>
    %dma_wait3A_943 = tpu.memref_squeeze %dma_wait3A_942 : memref<1x128xi32, #tpu.memory_space<vmem>> -> memref<128xi32, #tpu.memory_space<vmem>>
    %dma_wait3A_944 = arith.constant 0 : i32
    %dma_wait3A_945 = arith.constant 0 : i32
    %dma_wait3A_946 = tpu.memref_slice %arg6[%dma_wait3A_944, %dma_wait3A_945] : memref<1000000x64xf32, #tpu.memory_space<hbm>> -> memref<1000000x64xf32, #tpu.memory_space<hbm>>
    tpu.wait_indirect_dma semaphore(%arg19 : memref<!tpu.dma_semaphore, #tpu.memory_space<semaphore_mem>>) src(%dma_wait3A_946 : memref<1000000x64xf32, #tpu.memory_space<hbm>>) dst(%dma_wait3A_940 : memref<128x64xf32, #tpu.memory_space<vmem>>)
    %dma_start3A_947 = arith.constant 40 : i32
    %dma_start3A_948 = arith.constant 0 : i32
    %dma_start3A_949 = arith.constant 0 : i32
    %dma_start3A_950 = arith.constant 0 : i32
    %dma_start3A_951 = tpu.memref_slice %arg13[%dma_start3A_948, %dma_start3A_949, %dma_start3A_950] : memref<4x128x64xf32, #tpu.memory_space<vmem>> -> memref<1x128x64xf32, #tpu.memory_space<vmem>>
    %dma_start3A_952 = tpu.memref_squeeze %dma_start3A_951 : memref<1x128x64xf32, #tpu.memory_space<vmem>> -> memref<128x64xf32, #tpu.memory_space<vmem>>
    %dma_start3A_953 = arith.constant 0 : i32
    %dma_start3A_954 = tpu.memref_slice %arg8[%dma_start3A_947, %dma_start3A_953] : memref<50x128xi32, #tpu.memory_space<vmem>> -> memref<1x128xi32, #tpu.memory_space<vmem>>
    %dma_start3A_955 = tpu.memref_squeeze %dma_start3A_954 : memref<1x128xi32, #tpu.memory_space<vmem>> -> memref<128xi32, #tpu.memory_space<vmem>>
    %dma_start3A_956 = arith.constant 0 : i32
    %dma_start3A_957 = arith.constant 0 : i32
    %dma_start3A_958 = tpu.memref_slice %arg6[%dma_start3A_956, %dma_start3A_957] : memref<1000000x64xf32, #tpu.memory_space<hbm>> -> memref<1000000x64xf32, #tpu.memory_space<hbm>>
    tpu.enqueue_indirect_dma source(%dma_start3A_958 : memref<1000000x64xf32, #tpu.memory_space<hbm>>) target(%dma_start3A_952 : memref<128x64xf32, #tpu.memory_space<vmem>>) offsets(%dma_start3A_955 : memref<128xi32, #tpu.memory_space<vmem>>) semaphore(%arg19 : memref<!tpu.dma_semaphore, #tpu.memory_space<semaphore_mem>>) {add = true}
    %dma_wait3A_959 = arith.constant 37 : i32
    %dma_wait3A_960 = arith.constant 1 : i32
    %dma_wait3A_961 = arith.constant 0 : i32
    %dma_wait3A_962 = arith.constant 0 : i32
    %dma_wait3A_963 = tpu.memref_slice %arg13[%dma_wait3A_960, %dma_wait3A_961, %dma_wait3A_962] : memref<4x128x64xf32, #tpu.memory_space<vmem>> -> memref<1x128x64xf32, #tpu.memory_space<vmem>>
    %dma_wait3A_964 = tpu.memref_squeeze %dma_wait3A_963 : memref<1x128x64xf32, #tpu.memory_space<vmem>> -> memref<128x64xf32, #tpu.memory_space<vmem>>
    %dma_wait3A_965 = arith.constant 0 : i32
    %dma_wait3A_966 = tpu.memref_slice %arg8[%dma_wait3A_959, %dma_wait3A_965] : memref<50x128xi32, #tpu.memory_space<vmem>> -> memref<1x128xi32, #tpu.memory_space<vmem>>
    %dma_wait3A_967 = tpu.memref_squeeze %dma_wait3A_966 : memref<1x128xi32, #tpu.memory_space<vmem>> -> memref<128xi32, #tpu.memory_space<vmem>>
    %dma_wait3A_968 = arith.constant 0 : i32
    %dma_wait3A_969 = arith.constant 0 : i32
    %dma_wait3A_970 = tpu.memref_slice %arg6[%dma_wait3A_968, %dma_wait3A_969] : memref<1000000x64xf32, #tpu.memory_space<hbm>> -> memref<1000000x64xf32, #tpu.memory_space<hbm>>
    tpu.wait_indirect_dma semaphore(%arg20 : memref<!tpu.dma_semaphore, #tpu.memory_space<semaphore_mem>>) src(%dma_wait3A_970 : memref<1000000x64xf32, #tpu.memory_space<hbm>>) dst(%dma_wait3A_964 : memref<128x64xf32, #tpu.memory_space<vmem>>)
    %dma_start3A_971 = arith.constant 41 : i32
    %dma_start3A_972 = arith.constant 1 : i32
    %dma_start3A_973 = arith.constant 0 : i32
    %dma_start3A_974 = arith.constant 0 : i32
    %dma_start3A_975 = tpu.memref_slice %arg13[%dma_start3A_972, %dma_start3A_973, %dma_start3A_974] : memref<4x128x64xf32, #tpu.memory_space<vmem>> -> memref<1x128x64xf32, #tpu.memory_space<vmem>>
    %dma_start3A_976 = tpu.memref_squeeze %dma_start3A_975 : memref<1x128x64xf32, #tpu.memory_space<vmem>> -> memref<128x64xf32, #tpu.memory_space<vmem>>
    %dma_start3A_977 = arith.constant 0 : i32
    %dma_start3A_978 = tpu.memref_slice %arg8[%dma_start3A_971, %dma_start3A_977] : memref<50x128xi32, #tpu.memory_space<vmem>> -> memref<1x128xi32, #tpu.memory_space<vmem>>
    %dma_start3A_979 = tpu.memref_squeeze %dma_start3A_978 : memref<1x128xi32, #tpu.memory_space<vmem>> -> memref<128xi32, #tpu.memory_space<vmem>>
    %dma_start3A_980 = arith.constant 0 : i32
    %dma_start3A_981 = arith.constant 0 : i32
    %dma_start3A_982 = tpu.memref_slice %arg6[%dma_start3A_980, %dma_start3A_981] : memref<1000000x64xf32, #tpu.memory_space<hbm>> -> memref<1000000x64xf32, #tpu.memory_space<hbm>>
    tpu.enqueue_indirect_dma source(%dma_start3A_982 : memref<1000000x64xf32, #tpu.memory_space<hbm>>) target(%dma_start3A_976 : memref<128x64xf32, #tpu.memory_space<vmem>>) offsets(%dma_start3A_979 : memref<128xi32, #tpu.memory_space<vmem>>) semaphore(%arg20 : memref<!tpu.dma_semaphore, #tpu.memory_space<semaphore_mem>>) {add = true}
    %dma_wait3A_983 = arith.constant 38 : i32
    %dma_wait3A_984 = arith.constant 2 : i32
    %dma_wait3A_985 = arith.constant 0 : i32
    %dma_wait3A_986 = arith.constant 0 : i32
    %dma_wait3A_987 = tpu.memref_slice %arg13[%dma_wait3A_984, %dma_wait3A_985, %dma_wait3A_986] : memref<4x128x64xf32, #tpu.memory_space<vmem>> -> memref<1x128x64xf32, #tpu.memory_space<vmem>>
    %dma_wait3A_988 = tpu.memref_squeeze %dma_wait3A_987 : memref<1x128x64xf32, #tpu.memory_space<vmem>> -> memref<128x64xf32, #tpu.memory_space<vmem>>
    %dma_wait3A_989 = arith.constant 0 : i32
    %dma_wait3A_990 = tpu.memref_slice %arg8[%dma_wait3A_983, %dma_wait3A_989] : memref<50x128xi32, #tpu.memory_space<vmem>> -> memref<1x128xi32, #tpu.memory_space<vmem>>
    %dma_wait3A_991 = tpu.memref_squeeze %dma_wait3A_990 : memref<1x128xi32, #tpu.memory_space<vmem>> -> memref<128xi32, #tpu.memory_space<vmem>>
    %dma_wait3A_992 = arith.constant 0 : i32
    %dma_wait3A_993 = arith.constant 0 : i32
    %dma_wait3A_994 = tpu.memref_slice %arg6[%dma_wait3A_992, %dma_wait3A_993] : memref<1000000x64xf32, #tpu.memory_space<hbm>> -> memref<1000000x64xf32, #tpu.memory_space<hbm>>
    tpu.wait_indirect_dma semaphore(%arg21 : memref<!tpu.dma_semaphore, #tpu.memory_space<semaphore_mem>>) src(%dma_wait3A_994 : memref<1000000x64xf32, #tpu.memory_space<hbm>>) dst(%dma_wait3A_988 : memref<128x64xf32, #tpu.memory_space<vmem>>)
    %dma_start3A_995 = arith.constant 42 : i32
    %dma_start3A_996 = arith.constant 2 : i32
    %dma_start3A_997 = arith.constant 0 : i32
    %dma_start3A_998 = arith.constant 0 : i32
    %dma_start3A_999 = tpu.memref_slice %arg13[%dma_start3A_996, %dma_start3A_997, %dma_start3A_998] : memref<4x128x64xf32, #tpu.memory_space<vmem>> -> memref<1x128x64xf32, #tpu.memory_space<vmem>>
    %dma_start3A_1000 = tpu.memref_squeeze %dma_start3A_999 : memref<1x128x64xf32, #tpu.memory_space<vmem>> -> memref<128x64xf32, #tpu.memory_space<vmem>>
    %dma_start3A_1001 = arith.constant 0 : i32
    %dma_start3A_1002 = tpu.memref_slice %arg8[%dma_start3A_995, %dma_start3A_1001] : memref<50x128xi32, #tpu.memory_space<vmem>> -> memref<1x128xi32, #tpu.memory_space<vmem>>
    %dma_start3A_1003 = tpu.memref_squeeze %dma_start3A_1002 : memref<1x128xi32, #tpu.memory_space<vmem>> -> memref<128xi32, #tpu.memory_space<vmem>>
    %dma_start3A_1004 = arith.constant 0 : i32
    %dma_start3A_1005 = arith.constant 0 : i32
    %dma_start3A_1006 = tpu.memref_slice %arg6[%dma_start3A_1004, %dma_start3A_1005] : memref<1000000x64xf32, #tpu.memory_space<hbm>> -> memref<1000000x64xf32, #tpu.memory_space<hbm>>
    tpu.enqueue_indirect_dma source(%dma_start3A_1006 : memref<1000000x64xf32, #tpu.memory_space<hbm>>) target(%dma_start3A_1000 : memref<128x64xf32, #tpu.memory_space<vmem>>) offsets(%dma_start3A_1003 : memref<128xi32, #tpu.memory_space<vmem>>) semaphore(%arg21 : memref<!tpu.dma_semaphore, #tpu.memory_space<semaphore_mem>>) {add = true}
    %dma_wait3A_1007 = arith.constant 39 : i32
    %dma_wait3A_1008 = arith.constant 3 : i32
    %dma_wait3A_1009 = arith.constant 0 : i32
    %dma_wait3A_1010 = arith.constant 0 : i32
    %dma_wait3A_1011 = tpu.memref_slice %arg13[%dma_wait3A_1008, %dma_wait3A_1009, %dma_wait3A_1010] : memref<4x128x64xf32, #tpu.memory_space<vmem>> -> memref<1x128x64xf32, #tpu.memory_space<vmem>>
    %dma_wait3A_1012 = tpu.memref_squeeze %dma_wait3A_1011 : memref<1x128x64xf32, #tpu.memory_space<vmem>> -> memref<128x64xf32, #tpu.memory_space<vmem>>
    %dma_wait3A_1013 = arith.constant 0 : i32
    %dma_wait3A_1014 = tpu.memref_slice %arg8[%dma_wait3A_1007, %dma_wait3A_1013] : memref<50x128xi32, #tpu.memory_space<vmem>> -> memref<1x128xi32, #tpu.memory_space<vmem>>
    %dma_wait3A_1015 = tpu.memref_squeeze %dma_wait3A_1014 : memref<1x128xi32, #tpu.memory_space<vmem>> -> memref<128xi32, #tpu.memory_space<vmem>>
    %dma_wait3A_1016 = arith.constant 0 : i32
    %dma_wait3A_1017 = arith.constant 0 : i32
    %dma_wait3A_1018 = tpu.memref_slice %arg6[%dma_wait3A_1016, %dma_wait3A_1017] : memref<1000000x64xf32, #tpu.memory_space<hbm>> -> memref<1000000x64xf32, #tpu.memory_space<hbm>>
    tpu.wait_indirect_dma semaphore(%arg22 : memref<!tpu.dma_semaphore, #tpu.memory_space<semaphore_mem>>) src(%dma_wait3A_1018 : memref<1000000x64xf32, #tpu.memory_space<hbm>>) dst(%dma_wait3A_1012 : memref<128x64xf32, #tpu.memory_space<vmem>>)
    %dma_start3A_1019 = arith.constant 43 : i32
    %dma_start3A_1020 = arith.constant 3 : i32
    %dma_start3A_1021 = arith.constant 0 : i32
    %dma_start3A_1022 = arith.constant 0 : i32
    %dma_start3A_1023 = tpu.memref_slice %arg13[%dma_start3A_1020, %dma_start3A_1021, %dma_start3A_1022] : memref<4x128x64xf32, #tpu.memory_space<vmem>> -> memref<1x128x64xf32, #tpu.memory_space<vmem>>
    %dma_start3A_1024 = tpu.memref_squeeze %dma_start3A_1023 : memref<1x128x64xf32, #tpu.memory_space<vmem>> -> memref<128x64xf32, #tpu.memory_space<vmem>>
    %dma_start3A_1025 = arith.constant 0 : i32
    %dma_start3A_1026 = tpu.memref_slice %arg8[%dma_start3A_1019, %dma_start3A_1025] : memref<50x128xi32, #tpu.memory_space<vmem>> -> memref<1x128xi32, #tpu.memory_space<vmem>>
    %dma_start3A_1027 = tpu.memref_squeeze %dma_start3A_1026 : memref<1x128xi32, #tpu.memory_space<vmem>> -> memref<128xi32, #tpu.memory_space<vmem>>
    %dma_start3A_1028 = arith.constant 0 : i32
    %dma_start3A_1029 = arith.constant 0 : i32
    %dma_start3A_1030 = tpu.memref_slice %arg6[%dma_start3A_1028, %dma_start3A_1029] : memref<1000000x64xf32, #tpu.memory_space<hbm>> -> memref<1000000x64xf32, #tpu.memory_space<hbm>>
    tpu.enqueue_indirect_dma source(%dma_start3A_1030 : memref<1000000x64xf32, #tpu.memory_space<hbm>>) target(%dma_start3A_1024 : memref<128x64xf32, #tpu.memory_space<vmem>>) offsets(%dma_start3A_1027 : memref<128xi32, #tpu.memory_space<vmem>>) semaphore(%arg22 : memref<!tpu.dma_semaphore, #tpu.memory_space<semaphore_mem>>) {add = true}
    %dma_wait3A_1031 = arith.constant 40 : i32
    %dma_wait3A_1032 = arith.constant 0 : i32
    %dma_wait3A_1033 = arith.constant 0 : i32
    %dma_wait3A_1034 = arith.constant 0 : i32
    %dma_wait3A_1035 = tpu.memref_slice %arg13[%dma_wait3A_1032, %dma_wait3A_1033, %dma_wait3A_1034] : memref<4x128x64xf32, #tpu.memory_space<vmem>> -> memref<1x128x64xf32, #tpu.memory_space<vmem>>
    %dma_wait3A_1036 = tpu.memref_squeeze %dma_wait3A_1035 : memref<1x128x64xf32, #tpu.memory_space<vmem>> -> memref<128x64xf32, #tpu.memory_space<vmem>>
    %dma_wait3A_1037 = arith.constant 0 : i32
    %dma_wait3A_1038 = tpu.memref_slice %arg8[%dma_wait3A_1031, %dma_wait3A_1037] : memref<50x128xi32, #tpu.memory_space<vmem>> -> memref<1x128xi32, #tpu.memory_space<vmem>>
    %dma_wait3A_1039 = tpu.memref_squeeze %dma_wait3A_1038 : memref<1x128xi32, #tpu.memory_space<vmem>> -> memref<128xi32, #tpu.memory_space<vmem>>
    %dma_wait3A_1040 = arith.constant 0 : i32
    %dma_wait3A_1041 = arith.constant 0 : i32
    %dma_wait3A_1042 = tpu.memref_slice %arg6[%dma_wait3A_1040, %dma_wait3A_1041] : memref<1000000x64xf32, #tpu.memory_space<hbm>> -> memref<1000000x64xf32, #tpu.memory_space<hbm>>
    tpu.wait_indirect_dma semaphore(%arg19 : memref<!tpu.dma_semaphore, #tpu.memory_space<semaphore_mem>>) src(%dma_wait3A_1042 : memref<1000000x64xf32, #tpu.memory_space<hbm>>) dst(%dma_wait3A_1036 : memref<128x64xf32, #tpu.memory_space<vmem>>)
    %dma_start3A_1043 = arith.constant 44 : i32
    %dma_start3A_1044 = arith.constant 0 : i32
    %dma_start3A_1045 = arith.constant 0 : i32
    %dma_start3A_1046 = arith.constant 0 : i32
    %dma_start3A_1047 = tpu.memref_slice %arg13[%dma_start3A_1044, %dma_start3A_1045, %dma_start3A_1046] : memref<4x128x64xf32, #tpu.memory_space<vmem>> -> memref<1x128x64xf32, #tpu.memory_space<vmem>>
    %dma_start3A_1048 = tpu.memref_squeeze %dma_start3A_1047 : memref<1x128x64xf32, #tpu.memory_space<vmem>> -> memref<128x64xf32, #tpu.memory_space<vmem>>
    %dma_start3A_1049 = arith.constant 0 : i32
    %dma_start3A_1050 = tpu.memref_slice %arg8[%dma_start3A_1043, %dma_start3A_1049] : memref<50x128xi32, #tpu.memory_space<vmem>> -> memref<1x128xi32, #tpu.memory_space<vmem>>
    %dma_start3A_1051 = tpu.memref_squeeze %dma_start3A_1050 : memref<1x128xi32, #tpu.memory_space<vmem>> -> memref<128xi32, #tpu.memory_space<vmem>>
    %dma_start3A_1052 = arith.constant 0 : i32
    %dma_start3A_1053 = arith.constant 0 : i32
    %dma_start3A_1054 = tpu.memref_slice %arg6[%dma_start3A_1052, %dma_start3A_1053] : memref<1000000x64xf32, #tpu.memory_space<hbm>> -> memref<1000000x64xf32, #tpu.memory_space<hbm>>
    tpu.enqueue_indirect_dma source(%dma_start3A_1054 : memref<1000000x64xf32, #tpu.memory_space<hbm>>) target(%dma_start3A_1048 : memref<128x64xf32, #tpu.memory_space<vmem>>) offsets(%dma_start3A_1051 : memref<128xi32, #tpu.memory_space<vmem>>) semaphore(%arg19 : memref<!tpu.dma_semaphore, #tpu.memory_space<semaphore_mem>>) {add = true}
    %dma_wait3A_1055 = arith.constant 41 : i32
    %dma_wait3A_1056 = arith.constant 1 : i32
    %dma_wait3A_1057 = arith.constant 0 : i32
    %dma_wait3A_1058 = arith.constant 0 : i32
    %dma_wait3A_1059 = tpu.memref_slice %arg13[%dma_wait3A_1056, %dma_wait3A_1057, %dma_wait3A_1058] : memref<4x128x64xf32, #tpu.memory_space<vmem>> -> memref<1x128x64xf32, #tpu.memory_space<vmem>>
    %dma_wait3A_1060 = tpu.memref_squeeze %dma_wait3A_1059 : memref<1x128x64xf32, #tpu.memory_space<vmem>> -> memref<128x64xf32, #tpu.memory_space<vmem>>
    %dma_wait3A_1061 = arith.constant 0 : i32
    %dma_wait3A_1062 = tpu.memref_slice %arg8[%dma_wait3A_1055, %dma_wait3A_1061] : memref<50x128xi32, #tpu.memory_space<vmem>> -> memref<1x128xi32, #tpu.memory_space<vmem>>
    %dma_wait3A_1063 = tpu.memref_squeeze %dma_wait3A_1062 : memref<1x128xi32, #tpu.memory_space<vmem>> -> memref<128xi32, #tpu.memory_space<vmem>>
    %dma_wait3A_1064 = arith.constant 0 : i32
    %dma_wait3A_1065 = arith.constant 0 : i32
    %dma_wait3A_1066 = tpu.memref_slice %arg6[%dma_wait3A_1064, %dma_wait3A_1065] : memref<1000000x64xf32, #tpu.memory_space<hbm>> -> memref<1000000x64xf32, #tpu.memory_space<hbm>>
    tpu.wait_indirect_dma semaphore(%arg20 : memref<!tpu.dma_semaphore, #tpu.memory_space<semaphore_mem>>) src(%dma_wait3A_1066 : memref<1000000x64xf32, #tpu.memory_space<hbm>>) dst(%dma_wait3A_1060 : memref<128x64xf32, #tpu.memory_space<vmem>>)
    %dma_start3A_1067 = arith.constant 45 : i32
    %dma_start3A_1068 = arith.constant 1 : i32
    %dma_start3A_1069 = arith.constant 0 : i32
    %dma_start3A_1070 = arith.constant 0 : i32
    %dma_start3A_1071 = tpu.memref_slice %arg13[%dma_start3A_1068, %dma_start3A_1069, %dma_start3A_1070] : memref<4x128x64xf32, #tpu.memory_space<vmem>> -> memref<1x128x64xf32, #tpu.memory_space<vmem>>
    %dma_start3A_1072 = tpu.memref_squeeze %dma_start3A_1071 : memref<1x128x64xf32, #tpu.memory_space<vmem>> -> memref<128x64xf32, #tpu.memory_space<vmem>>
    %dma_start3A_1073 = arith.constant 0 : i32
    %dma_start3A_1074 = tpu.memref_slice %arg8[%dma_start3A_1067, %dma_start3A_1073] : memref<50x128xi32, #tpu.memory_space<vmem>> -> memref<1x128xi32, #tpu.memory_space<vmem>>
    %dma_start3A_1075 = tpu.memref_squeeze %dma_start3A_1074 : memref<1x128xi32, #tpu.memory_space<vmem>> -> memref<128xi32, #tpu.memory_space<vmem>>
    %dma_start3A_1076 = arith.constant 0 : i32
    %dma_start3A_1077 = arith.constant 0 : i32
    %dma_start3A_1078 = tpu.memref_slice %arg6[%dma_start3A_1076, %dma_start3A_1077] : memref<1000000x64xf32, #tpu.memory_space<hbm>> -> memref<1000000x64xf32, #tpu.memory_space<hbm>>
    tpu.enqueue_indirect_dma source(%dma_start3A_1078 : memref<1000000x64xf32, #tpu.memory_space<hbm>>) target(%dma_start3A_1072 : memref<128x64xf32, #tpu.memory_space<vmem>>) offsets(%dma_start3A_1075 : memref<128xi32, #tpu.memory_space<vmem>>) semaphore(%arg20 : memref<!tpu.dma_semaphore, #tpu.memory_space<semaphore_mem>>) {add = true}
    %dma_wait3A_1079 = arith.constant 42 : i32
    %dma_wait3A_1080 = arith.constant 2 : i32
    %dma_wait3A_1081 = arith.constant 0 : i32
    %dma_wait3A_1082 = arith.constant 0 : i32
    %dma_wait3A_1083 = tpu.memref_slice %arg13[%dma_wait3A_1080, %dma_wait3A_1081, %dma_wait3A_1082] : memref<4x128x64xf32, #tpu.memory_space<vmem>> -> memref<1x128x64xf32, #tpu.memory_space<vmem>>
    %dma_wait3A_1084 = tpu.memref_squeeze %dma_wait3A_1083 : memref<1x128x64xf32, #tpu.memory_space<vmem>> -> memref<128x64xf32, #tpu.memory_space<vmem>>
    %dma_wait3A_1085 = arith.constant 0 : i32
    %dma_wait3A_1086 = tpu.memref_slice %arg8[%dma_wait3A_1079, %dma_wait3A_1085] : memref<50x128xi32, #tpu.memory_space<vmem>> -> memref<1x128xi32, #tpu.memory_space<vmem>>
    %dma_wait3A_1087 = tpu.memref_squeeze %dma_wait3A_1086 : memref<1x128xi32, #tpu.memory_space<vmem>> -> memref<128xi32, #tpu.memory_space<vmem>>
    %dma_wait3A_1088 = arith.constant 0 : i32
    %dma_wait3A_1089 = arith.constant 0 : i32
    %dma_wait3A_1090 = tpu.memref_slice %arg6[%dma_wait3A_1088, %dma_wait3A_1089] : memref<1000000x64xf32, #tpu.memory_space<hbm>> -> memref<1000000x64xf32, #tpu.memory_space<hbm>>
    tpu.wait_indirect_dma semaphore(%arg21 : memref<!tpu.dma_semaphore, #tpu.memory_space<semaphore_mem>>) src(%dma_wait3A_1090 : memref<1000000x64xf32, #tpu.memory_space<hbm>>) dst(%dma_wait3A_1084 : memref<128x64xf32, #tpu.memory_space<vmem>>)
    %dma_start3A_1091 = arith.constant 46 : i32
    %dma_start3A_1092 = arith.constant 2 : i32
    %dma_start3A_1093 = arith.constant 0 : i32
    %dma_start3A_1094 = arith.constant 0 : i32
    %dma_start3A_1095 = tpu.memref_slice %arg13[%dma_start3A_1092, %dma_start3A_1093, %dma_start3A_1094] : memref<4x128x64xf32, #tpu.memory_space<vmem>> -> memref<1x128x64xf32, #tpu.memory_space<vmem>>
    %dma_start3A_1096 = tpu.memref_squeeze %dma_start3A_1095 : memref<1x128x64xf32, #tpu.memory_space<vmem>> -> memref<128x64xf32, #tpu.memory_space<vmem>>
    %dma_start3A_1097 = arith.constant 0 : i32
    %dma_start3A_1098 = tpu.memref_slice %arg8[%dma_start3A_1091, %dma_start3A_1097] : memref<50x128xi32, #tpu.memory_space<vmem>> -> memref<1x128xi32, #tpu.memory_space<vmem>>
    %dma_start3A_1099 = tpu.memref_squeeze %dma_start3A_1098 : memref<1x128xi32, #tpu.memory_space<vmem>> -> memref<128xi32, #tpu.memory_space<vmem>>
    %dma_start3A_1100 = arith.constant 0 : i32
    %dma_start3A_1101 = arith.constant 0 : i32
    %dma_start3A_1102 = tpu.memref_slice %arg6[%dma_start3A_1100, %dma_start3A_1101] : memref<1000000x64xf32, #tpu.memory_space<hbm>> -> memref<1000000x64xf32, #tpu.memory_space<hbm>>
    tpu.enqueue_indirect_dma source(%dma_start3A_1102 : memref<1000000x64xf32, #tpu.memory_space<hbm>>) target(%dma_start3A_1096 : memref<128x64xf32, #tpu.memory_space<vmem>>) offsets(%dma_start3A_1099 : memref<128xi32, #tpu.memory_space<vmem>>) semaphore(%arg21 : memref<!tpu.dma_semaphore, #tpu.memory_space<semaphore_mem>>) {add = true}
    %dma_wait3A_1103 = arith.constant 43 : i32
    %dma_wait3A_1104 = arith.constant 3 : i32
    %dma_wait3A_1105 = arith.constant 0 : i32
    %dma_wait3A_1106 = arith.constant 0 : i32
    %dma_wait3A_1107 = tpu.memref_slice %arg13[%dma_wait3A_1104, %dma_wait3A_1105, %dma_wait3A_1106] : memref<4x128x64xf32, #tpu.memory_space<vmem>> -> memref<1x128x64xf32, #tpu.memory_space<vmem>>
    %dma_wait3A_1108 = tpu.memref_squeeze %dma_wait3A_1107 : memref<1x128x64xf32, #tpu.memory_space<vmem>> -> memref<128x64xf32, #tpu.memory_space<vmem>>
    %dma_wait3A_1109 = arith.constant 0 : i32
    %dma_wait3A_1110 = tpu.memref_slice %arg8[%dma_wait3A_1103, %dma_wait3A_1109] : memref<50x128xi32, #tpu.memory_space<vmem>> -> memref<1x128xi32, #tpu.memory_space<vmem>>
    %dma_wait3A_1111 = tpu.memref_squeeze %dma_wait3A_1110 : memref<1x128xi32, #tpu.memory_space<vmem>> -> memref<128xi32, #tpu.memory_space<vmem>>
    %dma_wait3A_1112 = arith.constant 0 : i32
    %dma_wait3A_1113 = arith.constant 0 : i32
    %dma_wait3A_1114 = tpu.memref_slice %arg6[%dma_wait3A_1112, %dma_wait3A_1113] : memref<1000000x64xf32, #tpu.memory_space<hbm>> -> memref<1000000x64xf32, #tpu.memory_space<hbm>>
    tpu.wait_indirect_dma semaphore(%arg22 : memref<!tpu.dma_semaphore, #tpu.memory_space<semaphore_mem>>) src(%dma_wait3A_1114 : memref<1000000x64xf32, #tpu.memory_space<hbm>>) dst(%dma_wait3A_1108 : memref<128x64xf32, #tpu.memory_space<vmem>>)
    %dma_start3A_1115 = arith.constant 47 : i32
    %dma_start3A_1116 = arith.constant 3 : i32
    %dma_start3A_1117 = arith.constant 0 : i32
    %dma_start3A_1118 = arith.constant 0 : i32
    %dma_start3A_1119 = tpu.memref_slice %arg13[%dma_start3A_1116, %dma_start3A_1117, %dma_start3A_1118] : memref<4x128x64xf32, #tpu.memory_space<vmem>> -> memref<1x128x64xf32, #tpu.memory_space<vmem>>
    %dma_start3A_1120 = tpu.memref_squeeze %dma_start3A_1119 : memref<1x128x64xf32, #tpu.memory_space<vmem>> -> memref<128x64xf32, #tpu.memory_space<vmem>>
    %dma_start3A_1121 = arith.constant 0 : i32
    %dma_start3A_1122 = tpu.memref_slice %arg8[%dma_start3A_1115, %dma_start3A_1121] : memref<50x128xi32, #tpu.memory_space<vmem>> -> memref<1x128xi32, #tpu.memory_space<vmem>>
    %dma_start3A_1123 = tpu.memref_squeeze %dma_start3A_1122 : memref<1x128xi32, #tpu.memory_space<vmem>> -> memref<128xi32, #tpu.memory_space<vmem>>
    %dma_start3A_1124 = arith.constant 0 : i32
    %dma_start3A_1125 = arith.constant 0 : i32
    %dma_start3A_1126 = tpu.memref_slice %arg6[%dma_start3A_1124, %dma_start3A_1125] : memref<1000000x64xf32, #tpu.memory_space<hbm>> -> memref<1000000x64xf32, #tpu.memory_space<hbm>>
    tpu.enqueue_indirect_dma source(%dma_start3A_1126 : memref<1000000x64xf32, #tpu.memory_space<hbm>>) target(%dma_start3A_1120 : memref<128x64xf32, #tpu.memory_space<vmem>>) offsets(%dma_start3A_1123 : memref<128xi32, #tpu.memory_space<vmem>>) semaphore(%arg22 : memref<!tpu.dma_semaphore, #tpu.memory_space<semaphore_mem>>) {add = true}
    %dma_wait3A_1127 = arith.constant 44 : i32
    %dma_wait3A_1128 = arith.constant 0 : i32
    %dma_wait3A_1129 = arith.constant 0 : i32
    %dma_wait3A_1130 = arith.constant 0 : i32
    %dma_wait3A_1131 = tpu.memref_slice %arg13[%dma_wait3A_1128, %dma_wait3A_1129, %dma_wait3A_1130] : memref<4x128x64xf32, #tpu.memory_space<vmem>> -> memref<1x128x64xf32, #tpu.memory_space<vmem>>
    %dma_wait3A_1132 = tpu.memref_squeeze %dma_wait3A_1131 : memref<1x128x64xf32, #tpu.memory_space<vmem>> -> memref<128x64xf32, #tpu.memory_space<vmem>>
    %dma_wait3A_1133 = arith.constant 0 : i32
    %dma_wait3A_1134 = tpu.memref_slice %arg8[%dma_wait3A_1127, %dma_wait3A_1133] : memref<50x128xi32, #tpu.memory_space<vmem>> -> memref<1x128xi32, #tpu.memory_space<vmem>>
    %dma_wait3A_1135 = tpu.memref_squeeze %dma_wait3A_1134 : memref<1x128xi32, #tpu.memory_space<vmem>> -> memref<128xi32, #tpu.memory_space<vmem>>
    %dma_wait3A_1136 = arith.constant 0 : i32
    %dma_wait3A_1137 = arith.constant 0 : i32
    %dma_wait3A_1138 = tpu.memref_slice %arg6[%dma_wait3A_1136, %dma_wait3A_1137] : memref<1000000x64xf32, #tpu.memory_space<hbm>> -> memref<1000000x64xf32, #tpu.memory_space<hbm>>
    tpu.wait_indirect_dma semaphore(%arg19 : memref<!tpu.dma_semaphore, #tpu.memory_space<semaphore_mem>>) src(%dma_wait3A_1138 : memref<1000000x64xf32, #tpu.memory_space<hbm>>) dst(%dma_wait3A_1132 : memref<128x64xf32, #tpu.memory_space<vmem>>)
    %dma_start3A_1139 = arith.constant 48 : i32
    %dma_start3A_1140 = arith.constant 0 : i32
    %dma_start3A_1141 = arith.constant 0 : i32
    %dma_start3A_1142 = arith.constant 0 : i32
    %dma_start3A_1143 = tpu.memref_slice %arg13[%dma_start3A_1140, %dma_start3A_1141, %dma_start3A_1142] : memref<4x128x64xf32, #tpu.memory_space<vmem>> -> memref<1x128x64xf32, #tpu.memory_space<vmem>>
    %dma_start3A_1144 = tpu.memref_squeeze %dma_start3A_1143 : memref<1x128x64xf32, #tpu.memory_space<vmem>> -> memref<128x64xf32, #tpu.memory_space<vmem>>
    %dma_start3A_1145 = arith.constant 0 : i32
    %dma_start3A_1146 = tpu.memref_slice %arg8[%dma_start3A_1139, %dma_start3A_1145] : memref<50x128xi32, #tpu.memory_space<vmem>> -> memref<1x128xi32, #tpu.memory_space<vmem>>
    %dma_start3A_1147 = tpu.memref_squeeze %dma_start3A_1146 : memref<1x128xi32, #tpu.memory_space<vmem>> -> memref<128xi32, #tpu.memory_space<vmem>>
    %dma_start3A_1148 = arith.constant 0 : i32
    %dma_start3A_1149 = arith.constant 0 : i32
    %dma_start3A_1150 = tpu.memref_slice %arg6[%dma_start3A_1148, %dma_start3A_1149] : memref<1000000x64xf32, #tpu.memory_space<hbm>> -> memref<1000000x64xf32, #tpu.memory_space<hbm>>
    tpu.enqueue_indirect_dma source(%dma_start3A_1150 : memref<1000000x64xf32, #tpu.memory_space<hbm>>) target(%dma_start3A_1144 : memref<128x64xf32, #tpu.memory_space<vmem>>) offsets(%dma_start3A_1147 : memref<128xi32, #tpu.memory_space<vmem>>) semaphore(%arg19 : memref<!tpu.dma_semaphore, #tpu.memory_space<semaphore_mem>>) {add = true}
    %dma_wait3A_1151 = arith.constant 45 : i32
    %dma_wait3A_1152 = arith.constant 1 : i32
    %dma_wait3A_1153 = arith.constant 0 : i32
    %dma_wait3A_1154 = arith.constant 0 : i32
    %dma_wait3A_1155 = tpu.memref_slice %arg13[%dma_wait3A_1152, %dma_wait3A_1153, %dma_wait3A_1154] : memref<4x128x64xf32, #tpu.memory_space<vmem>> -> memref<1x128x64xf32, #tpu.memory_space<vmem>>
    %dma_wait3A_1156 = tpu.memref_squeeze %dma_wait3A_1155 : memref<1x128x64xf32, #tpu.memory_space<vmem>> -> memref<128x64xf32, #tpu.memory_space<vmem>>
    %dma_wait3A_1157 = arith.constant 0 : i32
    %dma_wait3A_1158 = tpu.memref_slice %arg8[%dma_wait3A_1151, %dma_wait3A_1157] : memref<50x128xi32, #tpu.memory_space<vmem>> -> memref<1x128xi32, #tpu.memory_space<vmem>>
    %dma_wait3A_1159 = tpu.memref_squeeze %dma_wait3A_1158 : memref<1x128xi32, #tpu.memory_space<vmem>> -> memref<128xi32, #tpu.memory_space<vmem>>
    %dma_wait3A_1160 = arith.constant 0 : i32
    %dma_wait3A_1161 = arith.constant 0 : i32
    %dma_wait3A_1162 = tpu.memref_slice %arg6[%dma_wait3A_1160, %dma_wait3A_1161] : memref<1000000x64xf32, #tpu.memory_space<hbm>> -> memref<1000000x64xf32, #tpu.memory_space<hbm>>
    tpu.wait_indirect_dma semaphore(%arg20 : memref<!tpu.dma_semaphore, #tpu.memory_space<semaphore_mem>>) src(%dma_wait3A_1162 : memref<1000000x64xf32, #tpu.memory_space<hbm>>) dst(%dma_wait3A_1156 : memref<128x64xf32, #tpu.memory_space<vmem>>)
    %dma_start3A_1163 = arith.constant 49 : i32
    %dma_start3A_1164 = arith.constant 1 : i32
    %dma_start3A_1165 = arith.constant 0 : i32
    %dma_start3A_1166 = arith.constant 0 : i32
    %dma_start3A_1167 = tpu.memref_slice %arg13[%dma_start3A_1164, %dma_start3A_1165, %dma_start3A_1166] : memref<4x128x64xf32, #tpu.memory_space<vmem>> -> memref<1x128x64xf32, #tpu.memory_space<vmem>>
    %dma_start3A_1168 = tpu.memref_squeeze %dma_start3A_1167 : memref<1x128x64xf32, #tpu.memory_space<vmem>> -> memref<128x64xf32, #tpu.memory_space<vmem>>
    %dma_start3A_1169 = arith.constant 0 : i32
    %dma_start3A_1170 = tpu.memref_slice %arg8[%dma_start3A_1163, %dma_start3A_1169] : memref<50x128xi32, #tpu.memory_space<vmem>> -> memref<1x128xi32, #tpu.memory_space<vmem>>
    %dma_start3A_1171 = tpu.memref_squeeze %dma_start3A_1170 : memref<1x128xi32, #tpu.memory_space<vmem>> -> memref<128xi32, #tpu.memory_space<vmem>>
    %dma_start3A_1172 = arith.constant 0 : i32
    %dma_start3A_1173 = arith.constant 0 : i32
    %dma_start3A_1174 = tpu.memref_slice %arg6[%dma_start3A_1172, %dma_start3A_1173] : memref<1000000x64xf32, #tpu.memory_space<hbm>> -> memref<1000000x64xf32, #tpu.memory_space<hbm>>
    tpu.enqueue_indirect_dma source(%dma_start3A_1174 : memref<1000000x64xf32, #tpu.memory_space<hbm>>) target(%dma_start3A_1168 : memref<128x64xf32, #tpu.memory_space<vmem>>) offsets(%dma_start3A_1171 : memref<128xi32, #tpu.memory_space<vmem>>) semaphore(%arg20 : memref<!tpu.dma_semaphore, #tpu.memory_space<semaphore_mem>>) {add = true}
    %broadcast_in_dim3A = arith.constant 0.000000e+00 : f32
    %broadcast_in_dim3A_1175 = vector.broadcast %broadcast_in_dim3A : f32 to vector<16xf32>
    %broadcast_in_dim3A_1176 = arith.constant 0.000000e+00 : f32
    %broadcast_in_dim3A_1177 = vector.broadcast %broadcast_in_dim3A_1176 : f32 to vector<16xf32>
    %broadcast_in_dim3A_1178 = arith.constant 0.000000e+00 : f32
    %broadcast_in_dim3A_1179 = vector.broadcast %broadcast_in_dim3A_1178 : f32 to vector<16xf32>
    %broadcast_in_dim3A_1180 = arith.constant 0.000000e+00 : f32
    %broadcast_in_dim3A_1181 = vector.broadcast %broadcast_in_dim3A_1180 : f32 to vector<16xf32>
    %broadcast_in_dim3A_1182 = arith.constant 0.000000e+00 : f32
    %broadcast_in_dim3A_1183 = vector.broadcast %broadcast_in_dim3A_1182 : f32 to vector<16xf32>
    %broadcast_in_dim3A_1184 = arith.constant 0.000000e+00 : f32
    %broadcast_in_dim3A_1185 = vector.broadcast %broadcast_in_dim3A_1184 : f32 to vector<16xf32>
    %broadcast_in_dim3A_1186 = arith.constant 0.000000e+00 : f32
    %broadcast_in_dim3A_1187 = vector.broadcast %broadcast_in_dim3A_1186 : f32 to vector<16xf32>
    %broadcast_in_dim3A_1188 = arith.constant 0.000000e+00 : f32
    %broadcast_in_dim3A_1189 = vector.broadcast %broadcast_in_dim3A_1188 : f32 to vector<16xf32>
    %scan3A = arith.constant 0 : i32
    %scan3A_1190 = arith.constant 50 : i32
    %scan3A_1191 = arith.addi %scan3A, %scan3A_1190 : i32
    %scan3A_1192 = arith.constant 1 : i32
    %scan3A_1193:8 = scf.for %scan3A_1270 = %scan3A to %scan3A_1191 step %scan3A_1192 iter_args(%scan3A_1271 = %broadcast_in_dim3A_1175, %scan3A_1272 = %broadcast_in_dim3A_1177, %scan3A_1273 = %broadcast_in_dim3A_1179, %scan3A_1274 = %broadcast_in_dim3A_1181, %scan3A_1275 = %broadcast_in_dim3A_1183, %scan3A_1276 = %broadcast_in_dim3A_1185, %scan3A_1277 = %broadcast_in_dim3A_1187, %scan3A_1278 = %broadcast_in_dim3A_1189) -> (vector<16xf32>, vector<16xf32>, vector<16xf32>, vector<16xf32>, vector<16xf32>, vector<16xf32>, vector<16xf32>, vector<16xf32>)  : i32 {
      %get3A = arith.index_cast %scan3A_1270 : i32 to index
      %get3A_1279 = arith.constant 0 : index
      %get3A_1280 = tpu.vector_load %arg8[%get3A, %get3A_1279] {strides = array<i32>} : memref<50x128xi32, #tpu.memory_space<vmem>>, vector<16xi32>,
      %ne3A = arith.constant 0 : i32
      %ne3A_1281 = vector.broadcast %ne3A : i32 to vector<16xi32>
      %ne3A_1282 = arith.cmpi ne, %get3A_1280, %ne3A_1281 : vector<16xi32>
      %jit3A = arith.constant 1.000000e+00 : f32
      %jit3A_1283 = arith.constant 0.000000e+00 : f32
      %broadcast_in_dim3A_1284 = vector.broadcast %jit3A : f32 to vector<16xf32>
      %broadcast_in_dim3A_1285 = vector.broadcast %jit3A_1283 : f32 to vector<16xf32>
      %select_n3A = arith.select %ne3A_1282, %broadcast_in_dim3A_1284, %broadcast_in_dim3A_1285 : vector<16xi1>, vector<16xf32>
      %add3A_1286 = arith.addf %scan3A_1271, %select_n3A : vector<16xf32>
      %get3A_1287 = arith.index_cast %scan3A_1270 : i32 to index
      %get3A_1288 = arith.constant 16 : index
      %get3A_1289 = tpu.vector_load %arg8[%get3A_1287, %get3A_1288] {strides = array<i32>} : memref<50x128xi32, #tpu.memory_space<vmem>>, vector<16xi32>,
      %ne3A_1290 = arith.constant 0 : i32
      %ne3A_1291 = vector.broadcast %ne3A_1290 : i32 to vector<16xi32>
      %ne3A_1292 = arith.cmpi ne, %get3A_1289, %ne3A_1291 : vector<16xi32>
      %jit3A_1293 = arith.constant 1.000000e+00 : f32
      %jit3A_1294 = arith.constant 0.000000e+00 : f32
      %broadcast_in_dim3A_1295 = vector.broadcast %jit3A_1293 : f32 to vector<16xf32>
      %broadcast_in_dim3A_1296 = vector.broadcast %jit3A_1294 : f32 to vector<16xf32>
      %select_n3A_1297 = arith.select %ne3A_1292, %broadcast_in_dim3A_1295, %broadcast_in_dim3A_1296 : vector<16xi1>, vector<16xf32>
      %add3A_1298 = arith.addf %scan3A_1272, %select_n3A_1297 : vector<16xf32>
      %get3A_1299 = arith.index_cast %scan3A_1270 : i32 to index
      %get3A_1300 = arith.constant 32 : index
      %get3A_1301 = tpu.vector_load %arg8[%get3A_1299, %get3A_1300] {strides = array<i32>} : memref<50x128xi32, #tpu.memory_space<vmem>>, vector<16xi32>,
      %ne3A_1302 = arith.constant 0 : i32
      %ne3A_1303 = vector.broadcast %ne3A_1302 : i32 to vector<16xi32>
      %ne3A_1304 = arith.cmpi ne, %get3A_1301, %ne3A_1303 : vector<16xi32>
      %jit3A_1305 = arith.constant 1.000000e+00 : f32
      %jit3A_1306 = arith.constant 0.000000e+00 : f32
      %broadcast_in_dim3A_1307 = vector.broadcast %jit3A_1305 : f32 to vector<16xf32>
      %broadcast_in_dim3A_1308 = vector.broadcast %jit3A_1306 : f32 to vector<16xf32>
      %select_n3A_1309 = arith.select %ne3A_1304, %broadcast_in_dim3A_1307, %broadcast_in_dim3A_1308 : vector<16xi1>, vector<16xf32>
      %add3A_1310 = arith.addf %scan3A_1273, %select_n3A_1309 : vector<16xf32>
      %get3A_1311 = arith.index_cast %scan3A_1270 : i32 to index
      %get3A_1312 = arith.constant 48 : index
      %get3A_1313 = tpu.vector_load %arg8[%get3A_1311, %get3A_1312] {strides = array<i32>} : memref<50x128xi32, #tpu.memory_space<vmem>>, vector<16xi32>,
      %ne3A_1314 = arith.constant 0 : i32
      %ne3A_1315 = vector.broadcast %ne3A_1314 : i32 to vector<16xi32>
      %ne3A_1316 = arith.cmpi ne, %get3A_1313, %ne3A_1315 : vector<16xi32>
      %jit3A_1317 = arith.constant 1.000000e+00 : f32
      %jit3A_1318 = arith.constant 0.000000e+00 : f32
      %broadcast_in_dim3A_1319 = vector.broadcast %jit3A_1317 : f32 to vector<16xf32>
      %broadcast_in_dim3A_1320 = vector.broadcast %jit3A_1318 : f32 to vector<16xf32>
      %select_n3A_1321 = arith.select %ne3A_1316, %broadcast_in_dim3A_1319, %broadcast_in_dim3A_1320 : vector<16xi1>, vector<16xf32>
      %add3A_1322 = arith.addf %scan3A_1274, %select_n3A_1321 : vector<16xf32>
      %get3A_1323 = arith.index_cast %scan3A_1270 : i32 to index
      %get3A_1324 = arith.constant 64 : index
      %get3A_1325 = tpu.vector_load %arg8[%get3A_1323, %get3A_1324] {strides = array<i32>} : memref<50x128xi32, #tpu.memory_space<vmem>>, vector<16xi32>,
      %ne3A_1326 = arith.constant 0 : i32
      %ne3A_1327 = vector.broadcast %ne3A_1326 : i32 to vector<16xi32>
      %ne3A_1328 = arith.cmpi ne, %get3A_1325, %ne3A_1327 : vector<16xi32>
      %jit3A_1329 = arith.constant 1.000000e+00 : f32
      %jit3A_1330 = arith.constant 0.000000e+00 : f32
      %broadcast_in_dim3A_1331 = vector.broadcast %jit3A_1329 : f32 to vector<16xf32>
      %broadcast_in_dim3A_1332 = vector.broadcast %jit3A_1330 : f32 to vector<16xf32>
      %select_n3A_1333 = arith.select %ne3A_1328, %broadcast_in_dim3A_1331, %broadcast_in_dim3A_1332 : vector<16xi1>, vector<16xf32>
      %add3A_1334 = arith.addf %scan3A_1275, %select_n3A_1333 : vector<16xf32>
      %get3A_1335 = arith.index_cast %scan3A_1270 : i32 to index
      %get3A_1336 = arith.constant 80 : index
      %get3A_1337 = tpu.vector_load %arg8[%get3A_1335, %get3A_1336] {strides = array<i32>} : memref<50x128xi32, #tpu.memory_space<vmem>>, vector<16xi32>,
      %ne3A_1338 = arith.constant 0 : i32
      %ne3A_1339 = vector.broadcast %ne3A_1338 : i32 to vector<16xi32>
      %ne3A_1340 = arith.cmpi ne, %get3A_1337, %ne3A_1339 : vector<16xi32>
      %jit3A_1341 = arith.constant 1.000000e+00 : f32
      %jit3A_1342 = arith.constant 0.000000e+00 : f32
      %broadcast_in_dim3A_1343 = vector.broadcast %jit3A_1341 : f32 to vector<16xf32>
      %broadcast_in_dim3A_1344 = vector.broadcast %jit3A_1342 : f32 to vector<16xf32>
      %select_n3A_1345 = arith.select %ne3A_1340, %broadcast_in_dim3A_1343, %broadcast_in_dim3A_1344 : vector<16xi1>, vector<16xf32>
      %add3A_1346 = arith.addf %scan3A_1276, %select_n3A_1345 : vector<16xf32>
      %get3A_1347 = arith.index_cast %scan3A_1270 : i32 to index
      %get3A_1348 = arith.constant 96 : index
      %get3A_1349 = tpu.vector_load %arg8[%get3A_1347, %get3A_1348] {strides = array<i32>} : memref<50x128xi32, #tpu.memory_space<vmem>>, vector<16xi32>,
      %ne3A_1350 = arith.constant 0 : i32
      %ne3A_1351 = vector.broadcast %ne3A_1350 : i32 to vector<16xi32>
      %ne3A_1352 = arith.cmpi ne, %get3A_1349, %ne3A_1351 : vector<16xi32>
      %jit3A_1353 = arith.constant 1.000000e+00 : f32
      %jit3A_1354 = arith.constant 0.000000e+00 : f32
      %broadcast_in_dim3A_1355 = vector.broadcast %jit3A_1353 : f32 to vector<16xf32>
      %broadcast_in_dim3A_1356 = vector.broadcast %jit3A_1354 : f32 to vector<16xf32>
      %select_n3A_1357 = arith.select %ne3A_1352, %broadcast_in_dim3A_1355, %broadcast_in_dim3A_1356 : vector<16xi1>, vector<16xf32>
      %add3A_1358 = arith.addf %scan3A_1277, %select_n3A_1357 : vector<16xf32>
      %get3A_1359 = arith.index_cast %scan3A_1270 : i32 to index
      %get3A_1360 = arith.constant 112 : index
      %get3A_1361 = tpu.vector_load %arg8[%get3A_1359, %get3A_1360] {strides = array<i32>} : memref<50x128xi32, #tpu.memory_space<vmem>>, vector<16xi32>,
      %ne3A_1362 = arith.constant 0 : i32
      %ne3A_1363 = vector.broadcast %ne3A_1362 : i32 to vector<16xi32>
      %ne3A_1364 = arith.cmpi ne, %get3A_1361, %ne3A_1363 : vector<16xi32>
      %jit3A_1365 = arith.constant 1.000000e+00 : f32
      %jit3A_1366 = arith.constant 0.000000e+00 : f32
      %broadcast_in_dim3A_1367 = vector.broadcast %jit3A_1365 : f32 to vector<16xf32>
      %broadcast_in_dim3A_1368 = vector.broadcast %jit3A_1366 : f32 to vector<16xf32>
      %select_n3A_1369 = arith.select %ne3A_1364, %broadcast_in_dim3A_1367, %broadcast_in_dim3A_1368 : vector<16xi1>, vector<16xf32>
      %add3A_1370 = arith.addf %scan3A_1278, %select_n3A_1369 : vector<16xf32>
      scf.yield %add3A_1286, %add3A_1298, %add3A_1310, %add3A_1322, %add3A_1334, %add3A_1346, %add3A_1358, %add3A_1370 : vector<16xf32>, vector<16xf32>, vector<16xf32>, vector<16xf32>, vector<16xf32>, vector<16xf32>, vector<16xf32>, vector<16xf32>
    }
    %scan3A_1194 = arith.constant 50 : i32
    %swap3A = arith.constant 0 : index
    %swap3A_1195 = tpu.vector_load %arg15[%swap3A] {strides = array<i32>} : memref<128xf32, #tpu.memory_space<vmem>>, vector<16xf32>,
    tpu.vector_store %arg15[%swap3A], %scan3A_1193#0 {strides = array<i32>} : memref<128xf32, #tpu.memory_space<vmem>>, vector<16xf32>,
    %swap3A_1196 = arith.constant 16 : index
    %swap3A_1197 = tpu.vector_load %arg15[%swap3A_1196] {strides = array<i32>} : memref<128xf32, #tpu.memory_space<vmem>>, vector<16xf32>,
    tpu.vector_store %arg15[%swap3A_1196], %scan3A_1193#1 {strides = array<i32>} : memref<128xf32, #tpu.memory_space<vmem>>, vector<16xf32>,
    %swap3A_1198 = arith.constant 32 : index
    %swap3A_1199 = tpu.vector_load %arg15[%swap3A_1198] {strides = array<i32>} : memref<128xf32, #tpu.memory_space<vmem>>, vector<16xf32>,
    tpu.vector_store %arg15[%swap3A_1198], %scan3A_1193#2 {strides = array<i32>} : memref<128xf32, #tpu.memory_space<vmem>>, vector<16xf32>,
    %swap3A_1200 = arith.constant 48 : index
    %swap3A_1201 = tpu.vector_load %arg15[%swap3A_1200] {strides = array<i32>} : memref<128xf32, #tpu.memory_space<vmem>>, vector<16xf32>,
    tpu.vector_store %arg15[%swap3A_1200], %scan3A_1193#3 {strides = array<i32>} : memref<128xf32, #tpu.memory_space<vmem>>, vector<16xf32>,
    %swap3A_1202 = arith.constant 64 : index
    %swap3A_1203 = tpu.vector_load %arg15[%swap3A_1202] {strides = array<i32>} : memref<128xf32, #tpu.memory_space<vmem>>, vector<16xf32>,
    tpu.vector_store %arg15[%swap3A_1202], %scan3A_1193#4 {strides = array<i32>} : memref<128xf32, #tpu.memory_space<vmem>>, vector<16xf32>,
    %swap3A_1204 = arith.constant 80 : index
    %swap3A_1205 = tpu.vector_load %arg15[%swap3A_1204] {strides = array<i32>} : memref<128xf32, #tpu.memory_space<vmem>>, vector<16xf32>,
    tpu.vector_store %arg15[%swap3A_1204], %scan3A_1193#5 {strides = array<i32>} : memref<128xf32, #tpu.memory_space<vmem>>, vector<16xf32>,
    %swap3A_1206 = arith.constant 96 : index
    %swap3A_1207 = tpu.vector_load %arg15[%swap3A_1206] {strides = array<i32>} : memref<128xf32, #tpu.memory_space<vmem>>, vector<16xf32>,
    tpu.vector_store %arg15[%swap3A_1206], %scan3A_1193#6 {strides = array<i32>} : memref<128xf32, #tpu.memory_space<vmem>>, vector<16xf32>,
    %swap3A_1208 = arith.constant 112 : index
    %swap3A_1209 = tpu.vector_load %arg15[%swap3A_1208] {strides = array<i32>} : memref<128xf32, #tpu.memory_space<vmem>>, vector<16xf32>,
    tpu.vector_store %arg15[%swap3A_1208], %scan3A_1193#7 {strides = array<i32>} : memref<128xf32, #tpu.memory_space<vmem>>, vector<16xf32>,
    %dma_wait3A_1210 = arith.constant 48 : i32
    %dma_wait3A_1211 = arith.constant 0 : i32
    %dma_wait3A_1212 = arith.constant 0 : i32
    %dma_wait3A_1213 = arith.constant 0 : i32
    %dma_wait3A_1214 = tpu.memref_slice %arg13[%dma_wait3A_1211, %dma_wait3A_1212, %dma_wait3A_1213] : memref<4x128x64xf32, #tpu.memory_space<vmem>> -> memref<1x128x64xf32, #tpu.memory_space<vmem>>
    %dma_wait3A_1215 = tpu.memref_squeeze %dma_wait3A_1214 : memref<1x128x64xf32, #tpu.memory_space<vmem>> -> memref<128x64xf32, #tpu.memory_space<vmem>>
    %dma_wait3A_1216 = arith.constant 0 : i32
    %dma_wait3A_1217 = tpu.memref_slice %arg8[%dma_wait3A_1210, %dma_wait3A_1216] : memref<50x128xi32, #tpu.memory_space<vmem>> -> memref<1x128xi32, #tpu.memory_space<vmem>>
    %dma_wait3A_1218 = tpu.memref_squeeze %dma_wait3A_1217 : memref<1x128xi32, #tpu.memory_space<vmem>> -> memref<128xi32, #tpu.memory_space<vmem>>
    %dma_wait3A_1219 = arith.constant 0 : i32
    %dma_wait3A_1220 = arith.constant 0 : i32
    %dma_wait3A_1221 = tpu.memref_slice %arg6[%dma_wait3A_1219, %dma_wait3A_1220] : memref<1000000x64xf32, #tpu.memory_space<hbm>> -> memref<1000000x64xf32, #tpu.memory_space<hbm>>
    tpu.wait_indirect_dma semaphore(%arg19 : memref<!tpu.dma_semaphore, #tpu.memory_space<semaphore_mem>>) src(%dma_wait3A_1221 : memref<1000000x64xf32, #tpu.memory_space<hbm>>) dst(%dma_wait3A_1215 : memref<128x64xf32, #tpu.memory_space<vmem>>)
    %dma_wait3A_1222 = arith.constant 49 : i32
    %dma_wait3A_1223 = arith.constant 1 : i32
    %dma_wait3A_1224 = arith.constant 0 : i32
    %dma_wait3A_1225 = arith.constant 0 : i32
    %dma_wait3A_1226 = tpu.memref_slice %arg13[%dma_wait3A_1223, %dma_wait3A_1224, %dma_wait3A_1225] : memref<4x128x64xf32, #tpu.memory_space<vmem>> -> memref<1x128x64xf32, #tpu.memory_space<vmem>>
    %dma_wait3A_1227 = tpu.memref_squeeze %dma_wait3A_1226 : memref<1x128x64xf32, #tpu.memory_space<vmem>> -> memref<128x64xf32, #tpu.memory_space<vmem>>
    %dma_wait3A_1228 = arith.constant 0 : i32
    %dma_wait3A_1229 = tpu.memref_slice %arg8[%dma_wait3A_1222, %dma_wait3A_1228] : memref<50x128xi32, #tpu.memory_space<vmem>> -> memref<1x128xi32, #tpu.memory_space<vmem>>
    %dma_wait3A_1230 = tpu.memref_squeeze %dma_wait3A_1229 : memref<1x128xi32, #tpu.memory_space<vmem>> -> memref<128xi32, #tpu.memory_space<vmem>>
    %dma_wait3A_1231 = arith.constant 0 : i32
    %dma_wait3A_1232 = arith.constant 0 : i32
    %dma_wait3A_1233 = tpu.memref_slice %arg6[%dma_wait3A_1231, %dma_wait3A_1232] : memref<1000000x64xf32, #tpu.memory_space<hbm>> -> memref<1000000x64xf32, #tpu.memory_space<hbm>>
    tpu.wait_indirect_dma semaphore(%arg20 : memref<!tpu.dma_semaphore, #tpu.memory_space<semaphore_mem>>) src(%dma_wait3A_1233 : memref<1000000x64xf32, #tpu.memory_space<hbm>>) dst(%dma_wait3A_1227 : memref<128x64xf32, #tpu.memory_space<vmem>>)
    %dma_wait3A_1234 = arith.constant 46 : i32
    %dma_wait3A_1235 = arith.constant 2 : i32
    %dma_wait3A_1236 = arith.constant 0 : i32
    %dma_wait3A_1237 = arith.constant 0 : i32
    %dma_wait3A_1238 = tpu.memref_slice %arg13[%dma_wait3A_1235, %dma_wait3A_1236, %dma_wait3A_1237] : memref<4x128x64xf32, #tpu.memory_space<vmem>> -> memref<1x128x64xf32, #tpu.memory_space<vmem>>
    %dma_wait3A_1239 = tpu.memref_squeeze %dma_wait3A_1238 : memref<1x128x64xf32, #tpu.memory_space<vmem>> -> memref<128x64xf32, #tpu.memory_space<vmem>>
    %dma_wait3A_1240 = arith.constant 0 : i32
    %dma_wait3A_1241 = tpu.memref_slice %arg8[%dma_wait3A_1234, %dma_wait3A_1240] : memref<50x128xi32, #tpu.memory_space<vmem>> -> memref<1x128xi32, #tpu.memory_space<vmem>>
    %dma_wait3A_1242 = tpu.memref_squeeze %dma_wait3A_1241 : memref<1x128xi32, #tpu.memory_space<vmem>> -> memref<128xi32, #tpu.memory_space<vmem>>
    %dma_wait3A_1243 = arith.constant 0 : i32
    %dma_wait3A_1244 = arith.constant 0 : i32
    %dma_wait3A_1245 = tpu.memref_slice %arg6[%dma_wait3A_1243, %dma_wait3A_1244] : memref<1000000x64xf32, #tpu.memory_space<hbm>> -> memref<1000000x64xf32, #tpu.memory_space<hbm>>
    tpu.wait_indirect_dma semaphore(%arg21 : memref<!tpu.dma_semaphore, #tpu.memory_space<semaphore_mem>>) src(%dma_wait3A_1245 : memref<1000000x64xf32, #tpu.memory_space<hbm>>) dst(%dma_wait3A_1239 : memref<128x64xf32, #tpu.memory_space<vmem>>)
    %dma_wait3A_1246 = arith.constant 47 : i32
    %dma_wait3A_1247 = arith.constant 3 : i32
    %dma_wait3A_1248 = arith.constant 0 : i32
    %dma_wait3A_1249 = arith.constant 0 : i32
    %dma_wait3A_1250 = tpu.memref_slice %arg13[%dma_wait3A_1247, %dma_wait3A_1248, %dma_wait3A_1249] : memref<4x128x64xf32, #tpu.memory_space<vmem>> -> memref<1x128x64xf32, #tpu.memory_space<vmem>>
    %dma_wait3A_1251 = tpu.memref_squeeze %dma_wait3A_1250 : memref<1x128x64xf32, #tpu.memory_space<vmem>> -> memref<128x64xf32, #tpu.memory_space<vmem>>
    %dma_wait3A_1252 = arith.constant 0 : i32
    %dma_wait3A_1253 = tpu.memref_slice %arg8[%dma_wait3A_1246, %dma_wait3A_1252] : memref<50x128xi32, #tpu.memory_space<vmem>> -> memref<1x128xi32, #tpu.memory_space<vmem>>
    %dma_wait3A_1254 = tpu.memref_squeeze %dma_wait3A_1253 : memref<1x128xi32, #tpu.memory_space<vmem>> -> memref<128xi32, #tpu.memory_space<vmem>>
    %dma_wait3A_1255 = arith.constant 0 : i32
    %dma_wait3A_1256 = arith.constant 0 : i32
    %dma_wait3A_1257 = tpu.memref_slice %arg6[%dma_wait3A_1255, %dma_wait3A_1256] : memref<1000000x64xf32, #tpu.memory_space<hbm>> -> memref<1000000x64xf32, #tpu.memory_space<hbm>>
    tpu.wait_indirect_dma semaphore(%arg22 : memref<!tpu.dma_semaphore, #tpu.memory_space<semaphore_mem>>) src(%dma_wait3A_1257 : memref<1000000x64xf32, #tpu.memory_space<hbm>>) dst(%dma_wait3A_1251 : memref<128x64xf32, #tpu.memory_space<vmem>>)
    %scan3A_1258 = arith.constant 0 : i32
    %scan3A_1259 = arith.constant 0 : i32
    %scan3A_1260 = arith.constant 128 : i32
    %scan3A_1261 = arith.addi %scan3A_1259, %scan3A_1260 : i32
    %scan3A_1262 = arith.constant 1 : i32
    scf.for %scan3A_1270 = %scan3A_1259 to %scan3A_1261 step %scan3A_1262  : i32 {
      %broadcast_in_dim3A_1271 = vector.broadcast %scan3A_1270 : i32 to vector<16xi32>
      %gather3A = tpu.vector_load_idx %arg15[%broadcast_in_dim3A_1271] : memref<128xf32, #tpu.memory_space<vmem>>[vector<16xi32>], vector<16xf32>,
      %add3A_1272 = arith.constant 9.99999971E-10 : f32
      %add3A_1273 = vector.broadcast %add3A_1272 : f32 to vector<16xf32>
      %add3A_1274 = arith.addf %gather3A, %add3A_1273 : vector<16xf32>
      %div3A = arith.constant 1.000000e+00 : f32
      %div3A_1275 = vector.broadcast %div3A : f32 to vector<16xf32>
      %div3A_1276 = arith.divf %div3A_1275, %add3A_1274 : vector<16xf32>
      %get3A = arith.constant 0 : i32
      %get3A_1277 = arith.index_cast %get3A : i32 to index
      %get3A_1278 = arith.index_cast %scan3A_1270 : i32 to index
      %get3A_1279 = arith.constant 0 : index
      %get3A_1280 = tpu.vector_load %arg13[%get3A_1277, %get3A_1278, %get3A_1279] {strides = array<i32>} : memref<4x128x64xf32, #tpu.memory_space<vmem>>, vector<16xf32>,
      %get3A_1281 = arith.constant 1 : i32
      %get3A_1282 = arith.index_cast %get3A_1281 : i32 to index
      %get3A_1283 = arith.index_cast %scan3A_1270 : i32 to index
      %get3A_1284 = arith.constant 0 : index
      %get3A_1285 = tpu.vector_load %arg13[%get3A_1282, %get3A_1283, %get3A_1284] {strides = array<i32>} : memref<4x128x64xf32, #tpu.memory_space<vmem>>, vector<16xf32>,
      %add3A_1286 = arith.addf %get3A_1280, %get3A_1285 : vector<16xf32>
      %get3A_1287 = arith.constant 2 : i32
      %get3A_1288 = arith.index_cast %get3A_1287 : i32 to index
      %get3A_1289 = arith.index_cast %scan3A_1270 : i32 to index
      %get3A_1290 = arith.constant 0 : index
      %get3A_1291 = tpu.vector_load %arg13[%get3A_1288, %get3A_1289, %get3A_1290] {strides = array<i32>} : memref<4x128x64xf32, #tpu.memory_space<vmem>>, vector<16xf32>,
      %add3A_1292 = arith.addf %add3A_1286, %get3A_1291 : vector<16xf32>
      %get3A_1293 = arith.constant 3 : i32
      %get3A_1294 = arith.index_cast %get3A_1293 : i32 to index
      %get3A_1295 = arith.index_cast %scan3A_1270 : i32 to index
      %get3A_1296 = arith.constant 0 : index
      %get3A_1297 = tpu.vector_load %arg13[%get3A_1294, %get3A_1295, %get3A_1296] {strides = array<i32>} : memref<4x128x64xf32, #tpu.memory_space<vmem>>, vector<16xf32>,
      %add3A_1298 = arith.addf %add3A_1292, %get3A_1297 : vector<16xf32>
      %mul3A_1299 = arith.mulf %add3A_1298, %div3A_1276 : vector<16xf32>
      %swap3A_1300 = arith.index_cast %scan3A_1270 : i32 to index
      %swap3A_1301 = arith.constant 0 : index
      %swap3A_1302 = tpu.vector_load %arg14[%swap3A_1300, %swap3A_1301] {strides = array<i32>} : memref<128x64xf32, #tpu.memory_space<vmem>>, vector<16xf32>,
      tpu.vector_store %arg14[%swap3A_1300, %swap3A_1301], %mul3A_1299 {strides = array<i32>} : memref<128x64xf32, #tpu.memory_space<vmem>>, vector<16xf32>,
      %get3A_1303 = arith.constant 0 : i32
      %get3A_1304 = arith.index_cast %get3A_1303 : i32 to index
      %get3A_1305 = arith.index_cast %scan3A_1270 : i32 to index
      %get3A_1306 = arith.constant 16 : index
      %get3A_1307 = tpu.vector_load %arg13[%get3A_1304, %get3A_1305, %get3A_1306] {strides = array<i32>} : memref<4x128x64xf32, #tpu.memory_space<vmem>>, vector<16xf32>,
      %get3A_1308 = arith.constant 1 : i32
      %get3A_1309 = arith.index_cast %get3A_1308 : i32 to index
      %get3A_1310 = arith.index_cast %scan3A_1270 : i32 to index
      %get3A_1311 = arith.constant 16 : index
      %get3A_1312 = tpu.vector_load %arg13[%get3A_1309, %get3A_1310, %get3A_1311] {strides = array<i32>} : memref<4x128x64xf32, #tpu.memory_space<vmem>>, vector<16xf32>,
      %add3A_1313 = arith.addf %get3A_1307, %get3A_1312 : vector<16xf32>
      %get3A_1314 = arith.constant 2 : i32
      %get3A_1315 = arith.index_cast %get3A_1314 : i32 to index
      %get3A_1316 = arith.index_cast %scan3A_1270 : i32 to index
      %get3A_1317 = arith.constant 16 : index
      %get3A_1318 = tpu.vector_load %arg13[%get3A_1315, %get3A_1316, %get3A_1317] {strides = array<i32>} : memref<4x128x64xf32, #tpu.memory_space<vmem>>, vector<16xf32>,
      %add3A_1319 = arith.addf %add3A_1313, %get3A_1318 : vector<16xf32>
      %get3A_1320 = arith.constant 3 : i32
      %get3A_1321 = arith.index_cast %get3A_1320 : i32 to index
      %get3A_1322 = arith.index_cast %scan3A_1270 : i32 to index
      %get3A_1323 = arith.constant 16 : index
      %get3A_1324 = tpu.vector_load %arg13[%get3A_1321, %get3A_1322, %get3A_1323] {strides = array<i32>} : memref<4x128x64xf32, #tpu.memory_space<vmem>>, vector<16xf32>,
      %add3A_1325 = arith.addf %add3A_1319, %get3A_1324 : vector<16xf32>
      %mul3A_1326 = arith.mulf %add3A_1325, %div3A_1276 : vector<16xf32>
      %swap3A_1327 = arith.index_cast %scan3A_1270 : i32 to index
      %swap3A_1328 = arith.constant 16 : index
      %swap3A_1329 = tpu.vector_load %arg14[%swap3A_1327, %swap3A_1328] {strides = array<i32>} : memref<128x64xf32, #tpu.memory_space<vmem>>, vector<16xf32>,
      tpu.vector_store %arg14[%swap3A_1327, %swap3A_1328], %mul3A_1326 {strides = array<i32>} : memref<128x64xf32, #tpu.memory_space<vmem>>, vector<16xf32>,
      %get3A_1330 = arith.constant 0 : i32
      %get3A_1331 = arith.index_cast %get3A_1330 : i32 to index
      %get3A_1332 = arith.index_cast %scan3A_1270 : i32 to index
      %get3A_1333 = arith.constant 32 : index
      %get3A_1334 = tpu.vector_load %arg13[%get3A_1331, %get3A_1332, %get3A_1333] {strides = array<i32>} : memref<4x128x64xf32, #tpu.memory_space<vmem>>, vector<16xf32>,
      %get3A_1335 = arith.constant 1 : i32
      %get3A_1336 = arith.index_cast %get3A_1335 : i32 to index
      %get3A_1337 = arith.index_cast %scan3A_1270 : i32 to index
      %get3A_1338 = arith.constant 32 : index
      %get3A_1339 = tpu.vector_load %arg13[%get3A_1336, %get3A_1337, %get3A_1338] {strides = array<i32>} : memref<4x128x64xf32, #tpu.memory_space<vmem>>, vector<16xf32>,
      %add3A_1340 = arith.addf %get3A_1334, %get3A_1339 : vector<16xf32>
      %get3A_1341 = arith.constant 2 : i32
      %get3A_1342 = arith.index_cast %get3A_1341 : i32 to index
      %get3A_1343 = arith.index_cast %scan3A_1270 : i32 to index
      %get3A_1344 = arith.constant 32 : index
      %get3A_1345 = tpu.vector_load %arg13[%get3A_1342, %get3A_1343, %get3A_1344] {strides = array<i32>} : memref<4x128x64xf32, #tpu.memory_space<vmem>>, vector<16xf32>,
      %add3A_1346 = arith.addf %add3A_1340, %get3A_1345 : vector<16xf32>
      %get3A_1347 = arith.constant 3 : i32
      %get3A_1348 = arith.index_cast %get3A_1347 : i32 to index
      %get3A_1349 = arith.index_cast %scan3A_1270 : i32 to index
      %get3A_1350 = arith.constant 32 : index
      %get3A_1351 = tpu.vector_load %arg13[%get3A_1348, %get3A_1349, %get3A_1350] {strides = array<i32>} : memref<4x128x64xf32, #tpu.memory_space<vmem>>, vector<16xf32>,
      %add3A_1352 = arith.addf %add3A_1346, %get3A_1351 : vector<16xf32>
      %mul3A_1353 = arith.mulf %add3A_1352, %div3A_1276 : vector<16xf32>
      %swap3A_1354 = arith.index_cast %scan3A_1270 : i32 to index
      %swap3A_1355 = arith.constant 32 : index
      %swap3A_1356 = tpu.vector_load %arg14[%swap3A_1354, %swap3A_1355] {strides = array<i32>} : memref<128x64xf32, #tpu.memory_space<vmem>>, vector<16xf32>,
      tpu.vector_store %arg14[%swap3A_1354, %swap3A_1355], %mul3A_1353 {strides = array<i32>} : memref<128x64xf32, #tpu.memory_space<vmem>>, vector<16xf32>,
      %get3A_1357 = arith.constant 0 : i32
      %get3A_1358 = arith.index_cast %get3A_1357 : i32 to index
      %get3A_1359 = arith.index_cast %scan3A_1270 : i32 to index
      %get3A_1360 = arith.constant 48 : index
      %get3A_1361 = tpu.vector_load %arg13[%get3A_1358, %get3A_1359, %get3A_1360] {strides = array<i32>} : memref<4x128x64xf32, #tpu.memory_space<vmem>>, vector<16xf32>,
      %get3A_1362 = arith.constant 1 : i32
      %get3A_1363 = arith.index_cast %get3A_1362 : i32 to index
      %get3A_1364 = arith.index_cast %scan3A_1270 : i32 to index
      %get3A_1365 = arith.constant 48 : index
      %get3A_1366 = tpu.vector_load %arg13[%get3A_1363, %get3A_1364, %get3A_1365] {strides = array<i32>} : memref<4x128x64xf32, #tpu.memory_space<vmem>>, vector<16xf32>,
      %add3A_1367 = arith.addf %get3A_1361, %get3A_1366 : vector<16xf32>
      %get3A_1368 = arith.constant 2 : i32
      %get3A_1369 = arith.index_cast %get3A_1368 : i32 to index
      %get3A_1370 = arith.index_cast %scan3A_1270 : i32 to index
      %get3A_1371 = arith.constant 48 : index
      %get3A_1372 = tpu.vector_load %arg13[%get3A_1369, %get3A_1370, %get3A_1371] {strides = array<i32>} : memref<4x128x64xf32, #tpu.memory_space<vmem>>, vector<16xf32>,
      %add3A_1373 = arith.addf %add3A_1367, %get3A_1372 : vector<16xf32>
      %get3A_1374 = arith.constant 3 : i32
      %get3A_1375 = arith.index_cast %get3A_1374 : i32 to index
      %get3A_1376 = arith.index_cast %scan3A_1270 : i32 to index
      %get3A_1377 = arith.constant 48 : index
      %get3A_1378 = tpu.vector_load %arg13[%get3A_1375, %get3A_1376, %get3A_1377] {strides = array<i32>} : memref<4x128x64xf32, #tpu.memory_space<vmem>>, vector<16xf32>,
      %add3A_1379 = arith.addf %add3A_1373, %get3A_1378 : vector<16xf32>
      %mul3A_1380 = arith.mulf %add3A_1379, %div3A_1276 : vector<16xf32>
      %swap3A_1381 = arith.index_cast %scan3A_1270 : i32 to index
      %swap3A_1382 = arith.constant 48 : index
      %swap3A_1383 = tpu.vector_load %arg14[%swap3A_1381, %swap3A_1382] {strides = array<i32>} : memref<128x64xf32, #tpu.memory_space<vmem>>, vector<16xf32>,
      tpu.vector_store %arg14[%swap3A_1381, %swap3A_1382], %mul3A_1380 {strides = array<i32>} : memref<128x64xf32, #tpu.memory_space<vmem>>, vector<16xf32>,
    }
    %scan3A_1263 = arith.constant 128 : i32
    %dma_wait3A_1264 = arith.constant 0 : i32
    %dma_wait3A_1265 = arith.constant 0 : i32
    %dma_wait3A_1266 = tpu.memref_slice %arg5[%dma_wait3A_1264, %dma_wait3A_1265] : memref<1000000x64xf32, #tpu.memory_space<hbm>> -> memref<1000000x64xf32, #tpu.memory_space<hbm>>
    tpu.wait_indirect_dma semaphore(%arg16 : memref<!tpu.dma_semaphore, #tpu.memory_space<semaphore_mem>>) src(%dma_wait3A_1266 : memref<1000000x64xf32, #tpu.memory_space<hbm>>) dst(%arg11 : memref<128x64xf32, #tpu.memory_space<vmem>>)
    %dma_wait3A_1267 = arith.constant 0 : i32
    %dma_wait3A_1268 = arith.constant 0 : i32
    %dma_wait3A_1269 = tpu.memref_slice %arg6[%dma_wait3A_1267, %dma_wait3A_1268] : memref<1000000x64xf32, #tpu.memory_space<hbm>> -> memref<1000000x64xf32, #tpu.memory_space<hbm>>
    tpu.wait_indirect_dma semaphore(%arg17 : memref<!tpu.dma_semaphore, #tpu.memory_space<semaphore_mem>>) src(%dma_wait3A_1269 : memref<1000000x64xf32, #tpu.memory_space<hbm>>) dst(%arg12 : memref<128x64xf32, #tpu.memory_space<vmem>>)
    "tpu.region"() ({
      %run_scoped3A = tpu.sem_alloc : memref<!tpu.dma_semaphore, #tpu.memory_space<semaphore_mem>>
      %dma_start3A_1270 = arith.constant 0 : i32
      %dma_start3A_1271 = tpu.memref_slice %arg7[%mul3A_2, %dma_start3A_1270] : memref<4096x192xf32, #tpu.memory_space<hbm>> -> memref<128x64xf32, #tpu.memory_space<hbm>>
      %dma_start3A_1272 = arith.constant 0 : i32
      %dma_start3A_1273 = tpu.memref_slice %arg7[%mul3A_2, %dma_start3A_1272] : memref<4096x192xf32, #tpu.memory_space<hbm>> -> memref<128x64xf32, #tpu.memory_space<hbm>>
      tpu.enqueue_dma source(%arg11 : memref<128x64xf32, #tpu.memory_space<vmem>>) target(%dma_start3A_1273 : memref<128x64xf32, #tpu.memory_space<hbm>>) target_semaphore(%run_scoped3A : memref<!tpu.dma_semaphore, #tpu.memory_space<semaphore_mem>>)
      %dma_wait3A_1274 = arith.constant 0 : i32
      %dma_wait3A_1275 = tpu.memref_slice %arg7[%mul3A_2, %dma_wait3A_1274] : memref<4096x192xf32, #tpu.memory_space<hbm>> -> memref<128x64xf32, #tpu.memory_space<hbm>>
      %dma_wait3A_1276 = arith.constant 0 : i32
      %dma_wait3A_1277 = tpu.memref_slice %arg7[%mul3A_2, %dma_wait3A_1276] : memref<4096x192xf32, #tpu.memory_space<hbm>> -> memref<128x64xf32, #tpu.memory_space<hbm>>
      tpu.wait_dma2 semaphore(%run_scoped3A : memref<!tpu.dma_semaphore, #tpu.memory_space<semaphore_mem>>) src(%arg11 : memref<128x64xf32, #tpu.memory_space<vmem>>) dst(%dma_wait3A_1277 : memref<128x64xf32, #tpu.memory_space<hbm>>)
      tpu.yield
    }) : () -> ()
    "tpu.region"() ({
      %run_scoped3A = tpu.sem_alloc : memref<!tpu.dma_semaphore, #tpu.memory_space<semaphore_mem>>
      %dma_start3A_1270 = arith.constant 64 : i32
      %dma_start3A_1271 = tpu.memref_slice %arg7[%mul3A_2, %dma_start3A_1270] : memref<4096x192xf32, #tpu.memory_space<hbm>> -> memref<128x64xf32, #tpu.memory_space<hbm>>
      %dma_start3A_1272 = arith.constant 64 : i32
      %dma_start3A_1273 = tpu.memref_slice %arg7[%mul3A_2, %dma_start3A_1272] : memref<4096x192xf32, #tpu.memory_space<hbm>> -> memref<128x64xf32, #tpu.memory_space<hbm>>
      tpu.enqueue_dma source(%arg14 : memref<128x64xf32, #tpu.memory_space<vmem>>) target(%dma_start3A_1273 : memref<128x64xf32, #tpu.memory_space<hbm>>) target_semaphore(%run_scoped3A : memref<!tpu.dma_semaphore, #tpu.memory_space<semaphore_mem>>)
      %dma_wait3A_1274 = arith.constant 64 : i32
      %dma_wait3A_1275 = tpu.memref_slice %arg7[%mul3A_2, %dma_wait3A_1274] : memref<4096x192xf32, #tpu.memory_space<hbm>> -> memref<128x64xf32, #tpu.memory_space<hbm>>
      %dma_wait3A_1276 = arith.constant 64 : i32
      %dma_wait3A_1277 = tpu.memref_slice %arg7[%mul3A_2, %dma_wait3A_1276] : memref<4096x192xf32, #tpu.memory_space<hbm>> -> memref<128x64xf32, #tpu.memory_space<hbm>>
      tpu.wait_dma2 semaphore(%run_scoped3A : memref<!tpu.dma_semaphore, #tpu.memory_space<semaphore_mem>>) src(%arg14 : memref<128x64xf32, #tpu.memory_space<vmem>>) dst(%dma_wait3A_1277 : memref<128x64xf32, #tpu.memory_space<hbm>>)
      tpu.yield
    }) : () -> ()
    "tpu.region"() ({
      %run_scoped3A = tpu.sem_alloc : memref<!tpu.dma_semaphore, #tpu.memory_space<semaphore_mem>>
      %dma_start3A_1270 = arith.constant 128 : i32
      %dma_start3A_1271 = tpu.memref_slice %arg7[%mul3A_2, %dma_start3A_1270] : memref<4096x192xf32, #tpu.memory_space<hbm>> -> memref<128x64xf32, #tpu.memory_space<hbm>>
      %dma_start3A_1272 = arith.constant 128 : i32
      %dma_start3A_1273 = tpu.memref_slice %arg7[%mul3A_2, %dma_start3A_1272] : memref<4096x192xf32, #tpu.memory_space<hbm>> -> memref<128x64xf32, #tpu.memory_space<hbm>>
      tpu.enqueue_dma source(%arg12 : memref<128x64xf32, #tpu.memory_space<vmem>>) target(%dma_start3A_1273 : memref<128x64xf32, #tpu.memory_space<hbm>>) target_semaphore(%run_scoped3A : memref<!tpu.dma_semaphore, #tpu.memory_space<semaphore_mem>>)
      %dma_wait3A_1274 = arith.constant 128 : i32
      %dma_wait3A_1275 = tpu.memref_slice %arg7[%mul3A_2, %dma_wait3A_1274] : memref<4096x192xf32, #tpu.memory_space<hbm>> -> memref<128x64xf32, #tpu.memory_space<hbm>>
      %dma_wait3A_1276 = arith.constant 128 : i32
      %dma_wait3A_1277 = tpu.memref_slice %arg7[%mul3A_2, %dma_wait3A_1276] : memref<4096x192xf32, #tpu.memory_space<hbm>> -> memref<128x64xf32, #tpu.memory_space<hbm>>
      tpu.wait_dma2 semaphore(%run_scoped3A : memref<!tpu.dma_semaphore, #tpu.memory_space<semaphore_mem>>) src(%arg12 : memref<128x64xf32, #tpu.memory_space<vmem>>) dst(%dma_wait3A_1277 : memref<128x64xf32, #tpu.memory_space<hbm>>)
      tpu.yield
    }) : () -> ()
    return
  }
}

</mosaic_0001>

<sc_bundles>
// kernel: kernel.3.cloned.1.call-start
scs
__scs_entry_jumppad:
0x0: {  	(pc) =	sbr.rel $0x88, $3  }
0x1: {  	(tag) =	ssettag $0x0;
	lr =	simm.s32 $0x1  }
0x2: {  	[smem:$0x3F9C] =	sst lr;
	_ =	strace $0xD0000000  }
0x3: {  	_ = 	snop  }
0x4: {  	_ = 	snop  }
0x5: {  	_ = 	snop  }
0x6: {  	_ = 	snop  }
0x7: {  	_ = 	snop  }
__scs_overlays_trampoline_lowered:
0x8: {  	[smem:$0x3FAB] =	sst s0  }
0x9: {  	[smem:$0x3FAC] =	sst s1  }
0xa: {  	[smem:$0x3FAD] =	sst s2  }
0xb: {  	[smem:$0x3FAE] =	sst s3  }
0xc: {  	[smem:$0x3FAF] =	sst s4  }
0xd: {  	[smem:$0x3FB0] =	sst s5  }
0xe: {  	[smem:$0x3FB1] =	sst s6  }
0xf: {  	[smem:$0x3FB2] =	sst s7  }
0x10: {  	[smem:$0x3FB3] =	sst s8  }
0x11: {  	[smem:$0x3FB4] =	sst s9;
	s0 =	simm.s32 @!p0 $0x0  }
0x12: {  	s1 =	sld [smem:$0x3F9A];
	s0 =	simm.s32 @p0 $0x1  }
0x13: {  	[smem:$0x3FB5] =	sst s0;
	s0 =	simm.s32 @!p1 $0x0  }
0x14: {  	s2 =	sld [smem:$0x3F99];
	s0 =	simm.s32 @p1 $0x1  }
0x15: {  	[smem:$0x3FB6] =	sst s0;
	s0 =	simm.s32 @!p2 $0x0  }
0x16: {  	s3 =	sld [smem:$0x3FDB];
	s0 =	simm.s32 @p2 $0x1  }
0x17: {  	s4 =	simm.s32 $0x1BF5;
	[smem:$0x3FB8] =	sst s0  }
0x18: {  	s0 =	sld [smem:$0x3F9B];
	_ =	swait.ge [sflag:s4], $0x0  }
0x19: {  	s7 =	sld [smem:$0x3F9C]  }
0x1a: {  	s8 =	sadd.s32 $0xFFFFE003, lr  }
0x1b: {  	s9 =	sadd.s32 $0xFFFFFEF7, lr;
	s5 =	simm.s32 $0xFFFFFFFF;
	p2 =	slt.u32 s8, $0xFFFFF086  }
0x1c: {  	p1 =	slt.u32 s9, $0xF7A;
	s5 =	simm.s32 @!p2 $0x0  }
0x1d: {  	s5 =	simm.s32 @p1 $0x1;
	p0 =	seq.s32 s7, s2  }
0x1e: {  	s7 =	smul.u32 @!p0 $0xF7A, s2;
	p2 =	seq.s32 @!p0 s5, $0x0  }
0x1f: {  	s9 =	smul.u32 $0xF7A, s1;
	s8 =	simm.s32 @!p0 $0x1BF5;
	p2 =	por !p2, p0  }
0x20: {  	[sflag:s8] =	ssyncset.s32 @!p0 $0xFFFFF086;
	s6 =	sadd.s32 @!p0 s3, s7;
	s7 =	simm.s32 @!p0 $0x108  }
0x21: {  	s3 =	sadd.s32 s3, s9;
	s6 =	sadd.s32 @!p0 $0x88, s6;
	s7 =	simm.s32 @p2 $0x1082  }
0x22: {  	[simem:s7], [sflag:s8] =	dma.local @!p0 [hbm:s6], $0xF7A  }
0x23: {  	s9 =	sor.u32 $0xD0000000, s2;
	s6 =	simm.s32 $0x108;
	_ =	swait.ge @!p0 [sflag:s8], $0x0  }
0x24: {  	s3 =	sadd.s32 $0x88, s3;
	s6 =	simm.s32 @!p1 $0x1082;
	[sflag:s4] =	ssyncset.s32 $0xFFFFF086  }
0x25: {  	[simem:s6], [sflag:s4] =	dma.local [hbm:s3], $0xF7A  }
0x26: {  	[smem:$0x3F9C] =	sst s1;
	(tag) =	ssettag s2;
	_ =	strace s9  }
0x27: {  	s1 =	sld [smem:$0x3FAC]  }
0x28: {  	s2 =	sld [smem:$0x3FAD]  }
0x29: {  	s4 =	sld [smem:$0x3FAF]  }
0x2a: {  	p0 =	seq.s32 s5, $0x0;
	s5 =	sld [smem:$0x3FB0]  }
0x2b: {  	s6 =	sld [smem:$0x3FB1]  }
0x2c: {  	s7 =	sld [smem:$0x3FB2]  }
0x2d: {  	s3 =	simm.s32 $0x108;
	s8 =	sld [smem:$0x3FB3]  }
0x2e: {  	s3 =	simm.s32 @!p0 $0x1082;
	s9 =	sld [smem:$0x3FB4]  }
0x2f: {  	lr =	sadd.s32 s0, s3;
	s0 =	sld [smem:$0x3FAB]  }
0x30: {  	s3 =	sld [smem:$0x3FAE]  }
0x31: {  	[smem:$0x3FB7] =	sst s10  }
0x32: {  	s10 =	sld [smem:$0x3FB5];
	_ =	sdelay $0x3  }
0x33: {  	p0 =	seq.s32 s10, $0x1;
	s10 =	sld [smem:$0x3FB7];
	_ =	sdelay $0x3  }
0x34: {  	[smem:$0x3FB7] =	sst s10  }
0x35: {  	s10 =	sld [smem:$0x3FB6];
	_ =	sdelay $0x3  }
0x36: {  	p1 =	seq.s32 s10, $0x1;
	s10 =	sld [smem:$0x3FB7];
	_ =	sdelay $0x3  }
0x37: {  	[smem:$0x3FB7] =	sst s10  }
0x38: {  	s10 =	sld [smem:$0x3FB8]  }
0x39: {  	_ = 	snop;
	(pc) =	sbr.ind lr, $3  }
0x3a: {  	_ = 	snop  }
0x3b: {  	_ = 	snop  }
0x3c: {  	p2 =	seq.s32 s10, $0x1;
	s10 =	sld [smem:$0x3FB7]  }
0x3d: {  	_ =	shalt  }
0x3e: {  	_ =	shalt  }
0x3f: {  	_ =	shalt  }
0x40: {  	_ =	shalt  }
0x41: {  	_ =	shalt  }
0x42: {  	_ =	shalt  }
0x43: {  	_ =	shalt  }
0x44: {  	_ =	shalt  }
0x45: {  	_ =	shalt  }
0x46: {  	_ =	shalt  }
0x47: {  	_ =	shalt  }
0x48: {  	_ =	shalt  }
0x49: {  	_ =	shalt  }
0x4a: {  	_ =	shalt  }
0x4b: {  	_ =	shalt  }
0x4c: {  	_ =	shalt  }
0x4d: {  	_ =	shalt  }
0x4e: {  	_ =	shalt  }
0x4f: {  	_ =	shalt  }
0x50: {  	_ =	shalt  }
0x51: {  	_ =	shalt  }
0x52: {  	_ =	shalt  }
0x53: {  	_ =	shalt  }
0x54: {  	_ =	shalt  }
0x55: {  	_ =	shalt  }
0x56: {  	_ =	shalt  }
0x57: {  	_ =	shalt  }
0x58: {  	_ =	shalt  }
0x59: {  	_ =	shalt  }
0x5a: {  	_ =	shalt  }
0x5b: {  	_ =	shalt  }
0x5c: {  	_ =	shalt  }
0x5d: {  	_ =	shalt  }
0x5e: {  	_ =	shalt  }
0x5f: {  	_ =	shalt  }
0x60: {  	_ =	shalt  }
0x61: {  	_ =	shalt  }
0x62: {  	_ =	shalt  }
0x63: {  	_ =	shalt  }
0x64: {  	_ =	shalt  }
0x65: {  	_ =	shalt  }
0x66: {  	_ =	shalt  }
0x67: {  	_ =	shalt  }
0x68: {  	_ =	shalt  }
0x69: {  	_ =	shalt  }
0x6a: {  	_ =	shalt  }
0x6b: {  	_ =	shalt  }
0x6c: {  	_ =	shalt  }
0x6d: {  	_ =	shalt  }
0x6e: {  	_ =	shalt  }
0x6f: {  	_ =	shalt  }
0x70: {  	_ =	shalt  }
0x71: {  	_ =	shalt  }
0x72: {  	_ =	shalt  }
0x73: {  	_ =	shalt  }
0x74: {  	_ =	shalt  }
0x75: {  	_ =	shalt  }
0x76: {  	_ =	shalt  }
0x77: {  	_ =	shalt  }
0x78: {  	_ =	shalt  }
0x79: {  	_ =	shalt  }
0x7a: {  	_ =	shalt  }
0x7b: {  	_ =	shalt  }
0x7c: {  	_ =	shalt  }
0x7d: {  	_ =	shalt  }
0x7e: {  	_ =	shalt  }
0x7f: {  	_ =	shalt  }
0x80: {  	_ =	shalt  }
0x81: {  	_ =	shalt  }
0x82: {  	_ =	shalt  }
0x83: {  	_ =	shalt  }
0x84: {  	_ =	shalt  }
0x85: {  	_ =	shalt  }
0x86: {  	_ =	shalt  }
0x87: {  	_ =	shalt  }
.Lfunc_end0:
.L_simem_size_0:
called_computation_lowered:
.L_overlay_start_0:
0x88: {  	s2 =	sld [smem:$0x3FD9]  }
0x89: {  	s3 =	sld [smem:$0x3FFE];
	_ =	sdelay $0x1  }
0x8a: {  	s1 =	srdreg.scid  }
0x8b: {  	s0 =	sand.u32 $0x1, s1  }
0x8c: {  	s17 =	sshll.u32 s0, $0xA;
	s2 =	sadd.s32 s3, s2  }
0x8d: {  	s2 =	sadd.s32 s2, s17  }
0x8e: {  	[smem:$0x3FC3] =	sst s2  }
0x8f: {  	_ = 	snop  }
0x90: {  	s2 =	sld [smem:$0x3FC9]  }
0x91: {  	s18 =	sld [smem:$0x3FC7]  }
0x92: {  	s4 =	sld [smem:$0x3FD0];
	(tm) =	ssettm $0x1  }
0x93: {  	s5 =	sld [smem:$0x3FFB];
	_ =	sdelay $0x3  }
0x94: {  	_ =	strace s5  }
0x95: {  	s5 =	sld [smem:$0x3FFC];
	_ =	sdelay $0x3  }
0x96: {  	_ =	strace s5  }
0x97: {  	s5 =	sld [smem:$0x3FFD];
	_ =	sdelay $0x3  }
0x98: {  	_ =	strace s5  }
0x99: {  	_ =	strace $0x8FFFFFFF  }
0x9a: {  	s19 =	sld [smem:$0x3FDB];
	_ =	sdelay $0x1  }
0x9b: {  	s6 =	simm.s32 $_scs_section_size  }
0x9c: {  	s7 =	simm.s32 $_size__tile_overlayer_lowered;
	s8 =	simm.s32 $_tile_overlayer_lowered  }
0x9d: {  	s22 =	simm.s32 $0x1BFF;
	s21 =	sshll.u32 s8, $0x1;
	s5 =	sadd.s32 s6, s19  }
0x9e: {  	s9 =	simm.s32 $0x0;
	s20 =	sshll.u32 s7, $0x1;
	s7 =	sadd.s32 s21, s5  }
0x9f: {  	[timem:s9], [sflag:s22] =	dma.local [hbm:s7], s20  }
0xa0: {  	_ =	swait.ge [sflag:s22], s20  }
0xa1: {  	s6 =	ssub.s32 $0x0, s20;
	[sflag:s22] =	ssyncset.done $0x0  }
0xa2: {  	[sflag:s22] =	ssyncadd.s32 s6;
	_ =	sdelay $0x1  }
0xa3: {  	s23 =	simm.s32 $0x1B8B  }
0xa4: {  	_ =	swait.ge [sflag:s23], $0x1  }
0xa5: {  	[sflag:s23] =	ssyncset.done $0x0  }
0xa6: {  	s25 =	simm.s32 $0x1B8E;
	s24 =	sld [smem:$0x3FFE];
	[sflag:s23] =	ssyncadd.s32 $0xFFFFFFFF  }
0xa7: {  	s26 =	simm.s32 $execute0_lowered;
	[smem:$0x3FD2] =	sst s25  }
0xa8: {  	s7 =	sshll.u32 s26, $0x1;
	_ =	strace $0x80000046;
	[dreg:$0x1] =	wrdreg $0xFFFFFFFF  }
0xa9: {  	s28 =	simm.s32 $_size_execute0_lowered;
	s5 =	sadd.s32 s5, s7;
	[dreg:$0x0] =	wrdreg $0x0  }
0xaa: {  	s7 =	sshll.u32 s28, $0x1;
	[dreg:$0x2] =	wrdreg s5  }
0xab: {  	[dreg:$0x3] =	wrdreg s7  }
0xac: {  	[dreg:$0x4] =	wrdreg $0xC0  }
0xad: {  	_ =	task [dreg:s9], $0x5FFFF  }
0xae: {  	[dreg:$0x1] =	wrdreg $0xFFFFFFFF  }
0xaf: {  	[dreg:$0x0] =	wrdreg $0x60  }
0xb0: {  	[dreg:$0x2] =	wrdreg s24  }
0xb1: {  	[dreg:$0x3] =	wrdreg s2  }
0xb2: {  	[dreg:$0x4] =	wrdreg s18  }
0xb3: {  	[dreg:$0x5] =	wrdreg s4  }
0xb4: {  	[dreg:$0x6] =	wrdreg $0x9  }
0xb5: {  	_ =	task.clear_ibuf [dreg:s9], $0x7FFFF;
	_ =	strace $0x90000046  }
0xb6: {  	s29 =	simm.s32 $0x9;
	_ =	strace $0x80000048  }
0xb7: {  	_ =	swait.ge [sflag:s29], $0x1  }
0xb8: {  	[sflag:s29] =	ssyncadd.s32 $0xFFFFFFFF  }
0xb9: {  	_ =	strace $0x90000048  }
0xba: {  	_ =	sfence  }
0xbb: {  	s30 =	sld [smem:$0x0];
	_ =	sdelay $0x2  }
0xbc: {  	s31 =	sshll.u32 s1, $0xD;
	s1 =	sshrl.u32 s1, $0x2  }
0xbd: {  	s3 =	sand.u32 $0x4000, s31;
	s1 =	sadd.s32 s1, s30  }
0xbe: {  	s0 =	sor.u32 s3, s0;
	s1 =	sshll.u32 s1, $0x11  }
0xbf: {  	s0 =	sor.u32 s1, s0  }
0xc0: {  	s0 =	sadd.s32 $0x8F2B, s0  }
0xc1: {  	[sflag:s0] =	ssyncadd.remote.s32 $0x1  }
0xc2: {  	_ =	sfence.sel $0xFFFF  }
0xc3: {  	[dreg:$0x0] =	wrdreg $0xFFFFFFFF;
	(pc) =	sbr.abs _section_cstart, $3  }
0xc4: {  	[dreg:$0x1] =	wrdreg $0xFFFFFFFF  }
0xc5: {  	_ =	task.clear_ibuf [dreg:s9], $0x2FFFF;
	_ =	strace $0x9FFFFFFF  }
0xc6: {  	(tm) =	ssettm $0x7FFFFFFF  }
0xc7: {  	_ =	shalt  }
tec
execute0_lowered:
.L_overlay_start_1:
0x0: {  	(tag) =	ssettag $0x1  }
0x1: {  	s0 =	rddreg [dreg:$0x0]  }
0x2: {  	s1 =	rddreg [dreg:$0x1]  }
0x3: {  	s3 =	rddreg [dreg:$0x2]  }
0x4: {  	s5 =	rddreg [dreg:$0x3]  }
0x5: {  	s2 =	srdreg.scid;
	s6 =	stileid.u32;
	s14 =	simm.s32 $0x80  }
0x6: {  	s16 =	simm.s32 $0x1;
	s17 =	simm.s32 $0x2;
	s18 =	simm.s32 $0x1A00  }
0x7: {  	s19 =	simm.s32 $0x3A00;
	s20 =	simm.s32 $0x3;
	s21 =	simm.s32 $0x5A00  }
0x8: {  	s22 =	simm.s32 $0x7A00;
	s24 =	simm.s32 $0x9A00;
	s28 =	simm.s32 $0x4  }
0x9: {  	s30 =	simm.s32 $0x5;
	s23 =	simm.s32 $0x7;
	s31 =	simm.s32 $0xFA00  }
0xa: {  	s29 =	simm.s32 $0x8;
	s4 =	sand.u32 $0x1, s2;
	s2 =	simm.s32 $0x0  }
0xb: {  	s6 =	sshll.u32 s6, $0x8;
	s25 =	sadd.s32 $0x16E3C00, s0;
	s7 =	sshll.u32 s4, $0x7  }
0xc: {  	[smem:$0x7FF] =	sst s2;
	s9 =	ssub.s32 $0x2, s4;
	s4 =	sadd.s32 $0xF42A00, s0  }
0xd: {  	s6 =	sor.u32 s7, s6;
	_ =	strace $0x80000047;
	[dreg:$0x5] =	wrdreg s25  }
0xe: {  	s26 =	sshrl.u32 s9, $0x1;
	s25 =	simm.s32 $0xC0;
	s7 =	sshrl.u32 s6, $0x3  }
0xf: {  	s6 =	smul.u32 $0x18, s6;
	s8 =	sadd.s32 s7, s0;
	s0 =	ssub.s32 s9, s26  }
0x10: {  	s1 =	sadd.s32 s1, s7;
	s7 =	sadd.s32 s3, s7;
	s26 =	simm.s32 $0xBA00  }
0x11: {  	s3 =	simm.s32 $0x0;
	[dreg:$0x6] =	wrdreg s1;
	s6 =	sadd.s32 s5, s6  }
0x12: {  	s8 =	sadd.s32 $0x600, s8;
	s11 =	smax.u32 s0, $0x1;
	s0 =	simm.s32 $0x6  }
0x13: {  	v0 =	vimm.f32 $1.000000000e+00;
	s1 =	simm.s32 $0x40;
	s9 =	sadd.s32 $0x8, s6;
	s10 =	sadd.s32 $0x10, s6  }
.LBB2_1:
0x14: {  	s5 =	rddreg [dreg:$0x6];
	s12 =	simm.s32 $0x1900  }
0x15: {  	[tilespmem:s12], [sflag:$0x1] =	stream.linear.gather [hbm4b:s5+s2], $0x80, $0x38;
	[tilespmem:$0xFA80] =	vst v63  }
0x16: {  	s13 =	simm.s32 $0x1980  }
0x17: {  	[tilespmem:s13], [sflag:$0x2] =	stream.linear.gather [hbm4b:s7+s2], $0x80, $0x38;
	[tilespmem:$0xFA80] =	vst v63  }
0x18: {  	s15 =	simm.s32 $0x1000  }
0x19: {  	[tilespmem:s2], [sflag:$0x3] =	stream.strided.gather [hbm4b:s8+s14], $0x1900, s15, s14, $0x38;
	[tilespmem:$0xFA80] =	vst v63  }
0x1a: {  	_ =	swait.ge [sflag:s16], $0x80  }
0x1b: {  	[sflag:s16] =	ssyncset.done $0x0  }
0x1c: {  	[sflag:s16] =	ssyncadd.s32 $0xFFFFFF80  }
0x1d: {  	_ =	swait.ge [sflag:s17], $0x80  }
0x1e: {  	[sflag:s17] =	ssyncset.done $0x0  }
0x1f: {  	s5 =	rddreg [dreg:$0x5];
	[sflag:s17] =	ssyncadd.s32 $0xFFFFFF80  }
0x20: {  	[tilespmem:s18], [sflag:$0x1] =	stream.indirect.gather [hbm4b:s5+s14], $0x40, s12, s14, $0xb8;
	[tilespmem:$0xFA80] =	vst v63  }
0x21: {  	_ = 	snop  }
0x22: {  	[tilespmem:s19], [sflag:$0x2] =	stream.indirect.gather [hbm4b:s4+s14], $0x40, s13, s14, $0xb8;
	[tilespmem:$0xFA80] =	vst v63  }
0x23: {  	_ =	swait.ge [sflag:s20], $0x1900  }
0x24: {  	[sflag:s20] =	ssyncset.done $0x0  }
0x25: {  	[sflag:s20] =	ssyncadd.s32 $0xFFFFE700  }
0x26: {  	[tilespmem:s21], [sflag:$0x4] =	stream.indirect.gather [hbm4b:s4+s14], $0x40, s2, s14, $0xb8;
	[tilespmem:$0xFA80] =	vst v63  }
0x27: {  	_ = 	snop  }
0x28: {  	[tilespmem:s22], [sflag:$0x5] =	stream.indirect.gather [hbm4b:s4+s14], $0x40, s14, s14, $0xb8;
	[tilespmem:$0xFA80] =	vst v63  }
0x29: {  	s12 =	simm.s32 $0x100  }
0x2a: {  	[tilespmem:s24], [sflag:$0x6] =	stream.indirect.gather [hbm4b:s4+s14], $0x40, s12, s14, $0xb8;
	[tilespmem:$0xFA80] =	vst v63  }
0x2b: {  	s13 =	simm.s32 $0x180  }
0x2c: {  	[tilespmem:s26], [sflag:$0x7] =	stream.indirect.gather [hbm4b:s4+s14], $0x40, s13, s14, $0xb8;
	[tilespmem:$0xFA80] =	vst v63  }
0x2d: {  	_ =	swait.ge [sflag:s28], $0x2000  }
0x2e: {  	[sflag:s28] =	ssyncset.done $0x0  }
0x2f: {  	s12 =	simm.s32 $0x200;
	[sflag:s28] =	ssyncadd.s32 $0xFFFFE000  }
0x30: {  	[tilespmem:s21], [sflag:$0x4] =	stream.indirect.gather.add.f32 [hbm:s4], $0x40, s12, s14, $0xb8;
	[tilespmem:$0xFA80] =	vst v63  }
0x31: {  	_ =	swait.ge [sflag:s30], $0x2000  }
0x32: {  	[sflag:s30] =	ssyncset.done $0x0  }
0x33: {  	s13 =	simm.s32 $0x280;
	[sflag:s30] =	ssyncadd.s32 $0xFFFFE000  }
0x34: {  	[tilespmem:s22], [sflag:$0x5] =	stream.indirect.gather.add.f32 [hbm:s4], $0x40, s13, s14, $0xb8;
	[tilespmem:$0xFA80] =	vst v63  }
0x35: {  	_ =	swait.ge [sflag:s0], $0x2000  }
0x36: {  	[sflag:s0] =	ssyncset.done $0x0  }
0x37: {  	s12 =	simm.s32 $0x300;
	[sflag:s0] =	ssyncadd.s32 $0xFFFFE000  }
0x38: {  	[tilespmem:s24], [sflag:$0x6] =	stream.indirect.gather.add.f32 [hbm:s4], $0x40, s12, s14, $0xb8;
	[tilespmem:$0xFA80] =	vst v63  }
0x39: {  	_ =	swait.ge [sflag:s23], $0x2000  }
0x3a: {  	[sflag:s23] =	ssyncset.done $0x0  }
0x3b: {  	s13 =	simm.s32 $0x380;
	[sflag:s23] =	ssyncadd.s32 $0xFFFFE000  }
0x3c: {  	[tilespmem:s26], [sflag:$0x7] =	stream.indirect.gather.add.f32 [hbm:s4], $0x40, s13, s14, $0xb8;
	[tilespmem:$0xFA80] =	vst v63  }
0x3d: {  	_ =	swait.ge [sflag:s28], $0x2000  }
0x3e: {  	[sflag:s28] =	ssyncset.done $0x0  }
0x3f: {  	s12 =	simm.s32 $0x400;
	[sflag:s28] =	ssyncadd.s32 $0xFFFFE000  }
0x40: {  	[tilespmem:s21], [sflag:$0x4] =	stream.indirect.gather.add.f32 [hbm:s4], $0x40, s12, s14, $0xb8;
	[tilespmem:$0xFA80] =	vst v63  }
0x41: {  	_ =	swait.ge [sflag:s30], $0x2000  }
0x42: {  	[sflag:s30] =	ssyncset.done $0x0  }
0x43: {  	s13 =	simm.s32 $0x480;
	[sflag:s30] =	ssyncadd.s32 $0xFFFFE000  }
0x44: {  	[tilespmem:s22], [sflag:$0x5] =	stream.indirect.gather.add.f32 [hbm:s4], $0x40, s13, s14, $0xb8;
	[tilespmem:$0xFA80] =	vst v63  }
0x45: {  	_ =	swait.ge [sflag:s0], $0x2000  }
0x46: {  	[sflag:s0] =	ssyncset.done $0x0  }
0x47: {  	s12 =	simm.s32 $0x500;
	[sflag:s0] =	ssyncadd.s32 $0xFFFFE000  }
0x48: {  	[tilespmem:s24], [sflag:$0x6] =	stream.indirect.gather.add.f32 [hbm:s4], $0x40, s12, s14, $0xb8;
	[tilespmem:$0xFA80] =	vst v63  }
0x49: {  	_ =	swait.ge [sflag:s23], $0x2000  }
0x4a: {  	[sflag:s23] =	ssyncset.done $0x0  }
0x4b: {  	s13 =	simm.s32 $0x580;
	[sflag:s23] =	ssyncadd.s32 $0xFFFFE000  }
0x4c: {  	[tilespmem:s26], [sflag:$0x7] =	stream.indirect.gather.add.f32 [hbm:s4], $0x40, s13, s14, $0xb8;
	[tilespmem:$0xFA80] =	vst v63  }
0x4d: {  	_ =	swait.ge [sflag:s28], $0x2000  }
0x4e: {  	[sflag:s28] =	ssyncset.done $0x0  }
0x4f: {  	s12 =	simm.s32 $0x600;
	[sflag:s28] =	ssyncadd.s32 $0xFFFFE000  }
0x50: {  	[tilespmem:s21], [sflag:$0x4] =	stream.indirect.gather.add.f32 [hbm:s4], $0x40, s12, s14, $0xb8;
	[tilespmem:$0xFA80] =	vst v63  }
0x51: {  	_ =	swait.ge [sflag:s30], $0x2000  }
0x52: {  	[sflag:s30] =	ssyncset.done $0x0  }
0x53: {  	s13 =	simm.s32 $0x680;
	[sflag:s30] =	ssyncadd.s32 $0xFFFFE000  }
0x54: {  	[tilespmem:s22], [sflag:$0x5] =	stream.indirect.gather.add.f32 [hbm:s4], $0x40, s13, s14, $0xb8;
	[tilespmem:$0xFA80] =	vst v63  }
0x55: {  	_ =	swait.ge [sflag:s0], $0x2000  }
0x56: {  	[sflag:s0] =	ssyncset.done $0x0  }
0x57: {  	s12 =	simm.s32 $0x700;
	[sflag:s0] =	ssyncadd.s32 $0xFFFFE000  }
0x58: {  	[tilespmem:s24], [sflag:$0x6] =	stream.indirect.gather.add.f32 [hbm:s4], $0x40, s12, s14, $0xb8;
	[tilespmem:$0xFA80] =	vst v63  }
0x59: {  	_ =	swait.ge [sflag:s23], $0x2000  }
0x5a: {  	[sflag:s23] =	ssyncset.done $0x0  }
0x5b: {  	s13 =	simm.s32 $0x780;
	[sflag:s23] =	ssyncadd.s32 $0xFFFFE000  }
0x5c: {  	[tilespmem:s26], [sflag:$0x7] =	stream.indirect.gather.add.f32 [hbm:s4], $0x40, s13, s14, $0xb8;
	[tilespmem:$0xFA80] =	vst v63  }
0x5d: {  	_ =	swait.ge [sflag:s28], $0x2000  }
0x5e: {  	[sflag:s28] =	ssyncset.done $0x0  }
0x5f: {  	s12 =	simm.s32 $0x800;
	[sflag:s28] =	ssyncadd.s32 $0xFFFFE000  }
0x60: {  	[tilespmem:s21], [sflag:$0x4] =	stream.indirect.gather.add.f32 [hbm:s4], $0x40, s12, s14, $0xb8;
	[tilespmem:$0xFA80] =	vst v63  }
0x61: {  	_ =	swait.ge [sflag:s30], $0x2000  }
0x62: {  	[sflag:s30] =	ssyncset.done $0x0  }
0x63: {  	s13 =	simm.s32 $0x880;
	[sflag:s30] =	ssyncadd.s32 $0xFFFFE000  }
0x64: {  	[tilespmem:s22], [sflag:$0x5] =	stream.indirect.gather.add.f32 [hbm:s4], $0x40, s13, s14, $0xb8;
	[tilespmem:$0xFA80] =	vst v63  }
0x65: {  	_ =	swait.ge [sflag:s0], $0x2000  }
0x66: {  	[sflag:s0] =	ssyncset.done $0x0  }
0x67: {  	s12 =	simm.s32 $0x900;
	[sflag:s0] =	ssyncadd.s32 $0xFFFFE000  }
0x68: {  	[tilespmem:s24], [sflag:$0x6] =	stream.indirect.gather.add.f32 [hbm:s4], $0x40, s12, s14, $0xb8;
	[tilespmem:$0xFA80] =	vst v63  }
0x69: {  	_ =	swait.ge [sflag:s23], $0x2000  }
0x6a: {  	[sflag:s23] =	ssyncset.done $0x0  }
0x6b: {  	s13 =	simm.s32 $0x980;
	[sflag:s23] =	ssyncadd.s32 $0xFFFFE000  }
0x6c: {  	[tilespmem:s26], [sflag:$0x7] =	stream.indirect.gather.add.f32 [hbm:s4], $0x40, s13, s14, $0xb8;
	[tilespmem:$0xFA80] =	vst v63  }
0x6d: {  	_ =	swait.ge [sflag:s28], $0x2000  }
0x6e: {  	[sflag:s28] =	ssyncset.done $0x0  }
0x6f: {  	s12 =	simm.s32 $0xA00;
	[sflag:s28] =	ssyncadd.s32 $0xFFFFE000  }
0x70: {  	[tilespmem:s21], [sflag:$0x4] =	stream.indirect.gather.add.f32 [hbm:s4], $0x40, s12, s14, $0xb8;
	[tilespmem:$0xFA80] =	vst v63  }
0x71: {  	_ =	swait.ge [sflag:s30], $0x2000  }
0x72: {  	[sflag:s30] =	ssyncset.done $0x0  }
0x73: {  	s13 =	simm.s32 $0xA80;
	[sflag:s30] =	ssyncadd.s32 $0xFFFFE000  }
0x74: {  	[tilespmem:s22], [sflag:$0x5] =	stream.indirect.gather.add.f32 [hbm:s4], $0x40, s13, s14, $0xb8;
	[tilespmem:$0xFA80] =	vst v63  }
0x75: {  	_ =	swait.ge [sflag:s0], $0x2000  }
0x76: {  	[sflag:s0] =	ssyncset.done $0x0  }
0x77: {  	s12 =	simm.s32 $0xB00;
	[sflag:s0] =	ssyncadd.s32 $0xFFFFE000  }
0x78: {  	[tilespmem:s24], [sflag:$0x6] =	stream.indirect.gather.add.f32 [hbm:s4], $0x40, s12, s14, $0xb8;
	[tilespmem:$0xFA80] =	vst v63  }
0x79: {  	_ =	swait.ge [sflag:s23], $0x2000  }
0x7a: {  	[sflag:s23] =	ssyncset.done $0x0  }
0x7b: {  	s13 =	simm.s32 $0xB80;
	[sflag:s23] =	ssyncadd.s32 $0xFFFFE000  }
0x7c: {  	[tilespmem:s26], [sflag:$0x7] =	stream.indirect.gather.add.f32 [hbm:s4], $0x40, s13, s14, $0xb8;
	[tilespmem:$0xFA80] =	vst v63  }
0x7d: {  	_ =	swait.ge [sflag:s28], $0x2000  }
0x7e: {  	[sflag:s28] =	ssyncset.done $0x0  }
0x7f: {  	s12 =	simm.s32 $0xC00;
	[sflag:s28] =	ssyncadd.s32 $0xFFFFE000  }
0x80: {  	[tilespmem:s21], [sflag:$0x4] =	stream.indirect.gather.add.f32 [hbm:s4], $0x40, s12, s14, $0xb8;
	[tilespmem:$0xFA80] =	vst v63  }
0x81: {  	_ =	swait.ge [sflag:s30], $0x2000  }
0x82: {  	[sflag:s30] =	ssyncset.done $0x0  }
0x83: {  	s13 =	simm.s32 $0xC80;
	[sflag:s30] =	ssyncadd.s32 $0xFFFFE000  }
0x84: {  	[tilespmem:s22], [sflag:$0x5] =	stream.indirect.gather.add.f32 [hbm:s4], $0x40, s13, s14, $0xb8;
	[tilespmem:$0xFA80] =	vst v63  }
0x85: {  	_ =	swait.ge [sflag:s0], $0x2000  }
0x86: {  	[sflag:s0] =	ssyncset.done $0x0  }
0x87: {  	s12 =	simm.s32 $0xD00;
	[sflag:s0] =	ssyncadd.s32 $0xFFFFE000  }
0x88: {  	[tilespmem:s24], [sflag:$0x6] =	stream.indirect.gather.add.f32 [hbm:s4], $0x40, s12, s14, $0xb8;
	[tilespmem:$0xFA80] =	vst v63  }
0x89: {  	_ =	swait.ge [sflag:s23], $0x2000  }
0x8a: {  	[sflag:s23] =	ssyncset.done $0x0  }
0x8b: {  	s13 =	simm.s32 $0xD80;
	[sflag:s23] =	ssyncadd.s32 $0xFFFFE000  }
0x8c: {  	[tilespmem:s26], [sflag:$0x7] =	stream.indirect.gather.add.f32 [hbm:s4], $0x40, s13, s14, $0xb8;
	[tilespmem:$0xFA80] =	vst v63  }
0x8d: {  	_ =	swait.ge [sflag:s28], $0x2000  }
0x8e: {  	[sflag:s28] =	ssyncset.done $0x0  }
0x8f: {  	s12 =	simm.s32 $0xE00;
	[sflag:s28] =	ssyncadd.s32 $0xFFFFE000  }
0x90: {  	[tilespmem:s21], [sflag:$0x4] =	stream.indirect.gather.add.f32 [hbm:s4], $0x40, s12, s14, $0xb8;
	[tilespmem:$0xFA80] =	vst v63  }
0x91: {  	_ =	swait.ge [sflag:s30], $0x2000  }
0x92: {  	[sflag:s30] =	ssyncset.done $0x0  }
0x93: {  	s13 =	simm.s32 $0xE80;
	[sflag:s30] =	ssyncadd.s32 $0xFFFFE000  }
0x94: {  	[tilespmem:s22], [sflag:$0x5] =	stream.indirect.gather.add.f32 [hbm:s4], $0x40, s13, s14, $0xb8;
	[tilespmem:$0xFA80] =	vst v63  }
0x95: {  	_ =	swait.ge [sflag:s0], $0x2000  }
0x96: {  	[sflag:s0] =	ssyncset.done $0x0  }
0x97: {  	s12 =	simm.s32 $0xF00;
	[sflag:s0] =	ssyncadd.s32 $0xFFFFE000  }
0x98: {  	[tilespmem:s24], [sflag:$0x6] =	stream.indirect.gather.add.f32 [hbm:s4], $0x40, s12, s14, $0xb8;
	[tilespmem:$0xFA80] =	vst v63  }
0x99: {  	_ =	swait.ge [sflag:s23], $0x2000  }
0x9a: {  	[sflag:s23] =	ssyncset.done $0x0  }
0x9b: {  	s13 =	simm.s32 $0xF80;
	[sflag:s23] =	ssyncadd.s32 $0xFFFFE000  }
0x9c: {  	[tilespmem:s26], [sflag:$0x7] =	stream.indirect.gather.add.f32 [hbm:s4], $0x40, s13, s14, $0xb8;
	[tilespmem:$0xFA80] =	vst v63  }
0x9d: {  	_ =	swait.ge [sflag:s28], $0x2000  }
0x9e: {  	[sflag:s28] =	ssyncset.done $0x0  }
0x9f: {  	[sflag:s28] =	ssyncadd.s32 $0xFFFFE000  }
0xa0: {  	[tilespmem:s21], [sflag:$0x4] =	stream.indirect.gather.add.f32 [hbm:s4], $0x40, s15, s14, $0xb8;
	[tilespmem:$0xFA80] =	vst v63  }
0xa1: {  	_ =	swait.ge [sflag:s30], $0x2000  }
0xa2: {  	[sflag:s30] =	ssyncset.done $0x0  }
0xa3: {  	s12 =	simm.s32 $0x1080;
	[sflag:s30] =	ssyncadd.s32 $0xFFFFE000  }
0xa4: {  	[tilespmem:s22], [sflag:$0x5] =	stream.indirect.gather.add.f32 [hbm:s4], $0x40, s12, s14, $0xb8;
	[tilespmem:$0xFA80] =	vst v63  }
0xa5: {  	_ =	swait.ge [sflag:s0], $0x2000  }
0xa6: {  	[sflag:s0] =	ssyncset.done $0x0  }
0xa7: {  	s13 =	simm.s32 $0x1100;
	[sflag:s0] =	ssyncadd.s32 $0xFFFFE000  }
0xa8: {  	[tilespmem:s24], [sflag:$0x6] =	stream.indirect.gather.add.f32 [hbm:s4], $0x40, s13, s14, $0xb8;
	[tilespmem:$0xFA80] =	vst v63  }
0xa9: {  	_ =	swait.ge [sflag:s23], $0x2000  }
0xaa: {  	[sflag:s23] =	ssyncset.done $0x0  }
0xab: {  	s15 =	simm.s32 $0x1180;
	[sflag:s23] =	ssyncadd.s32 $0xFFFFE000  }
0xac: {  	[tilespmem:s26], [sflag:$0x7] =	stream.indirect.gather.add.f32 [hbm:s4], $0x40, s15, s14, $0xb8;
	[tilespmem:$0xFA80] =	vst v63  }
0xad: {  	_ =	swait.ge [sflag:s28], $0x2000  }
0xae: {  	[sflag:s28] =	ssyncset.done $0x0  }
0xaf: {  	s12 =	simm.s32 $0x1200;
	[sflag:s28] =	ssyncadd.s32 $0xFFFFE000  }
0xb0: {  	[tilespmem:s21], [sflag:$0x4] =	stream.indirect.gather.add.f32 [hbm:s4], $0x40, s12, s14, $0xb8;
	[tilespmem:$0xFA80] =	vst v63  }
0xb1: {  	_ =	swait.ge [sflag:s30], $0x2000  }
0xb2: {  	[sflag:s30] =	ssyncset.done $0x0  }
0xb3: {  	s13 =	simm.s32 $0x1280;
	[sflag:s30] =	ssyncadd.s32 $0xFFFFE000  }
0xb4: {  	[tilespmem:s22], [sflag:$0x5] =	stream.indirect.gather.add.f32 [hbm:s4], $0x40, s13, s14, $0xb8;
	[tilespmem:$0xFA80] =	vst v63  }
0xb5: {  	_ =	swait.ge [sflag:s0], $0x2000  }
0xb6: {  	[sflag:s0] =	ssyncset.done $0x0  }
0xb7: {  	s15 =	simm.s32 $0x1300;
	[sflag:s0] =	ssyncadd.s32 $0xFFFFE000  }
0xb8: {  	[tilespmem:s24], [sflag:$0x6] =	stream.indirect.gather.add.f32 [hbm:s4], $0x40, s15, s14, $0xb8;
	[tilespmem:$0xFA80] =	vst v63  }
0xb9: {  	_ =	swait.ge [sflag:s23], $0x2000  }
0xba: {  	[sflag:s23] =	ssyncset.done $0x0  }
0xbb: {  	s12 =	simm.s32 $0x1380;
	[sflag:s23] =	ssyncadd.s32 $0xFFFFE000  }
0xbc: {  	[tilespmem:s26], [sflag:$0x7] =	stream.indirect.gather.add.f32 [hbm:s4], $0x40, s12, s14, $0xb8;
	[tilespmem:$0xFA80] =	vst v63  }
0xbd: {  	_ =	swait.ge [sflag:s28], $0x2000  }
0xbe: {  	[sflag:s28] =	ssyncset.done $0x0  }
0xbf: {  	s13 =	simm.s32 $0x1400;
	[sflag:s28] =	ssyncadd.s32 $0xFFFFE000  }
0xc0: {  	[tilespmem:s21], [sflag:$0x4] =	stream.indirect.gather.add.f32 [hbm:s4], $0x40, s13, s14, $0xb8;
	[tilespmem:$0xFA80] =	vst v63  }
0xc1: {  	_ =	swait.ge [sflag:s30], $0x2000  }
0xc2: {  	[sflag:s30] =	ssyncset.done $0x0  }
0xc3: {  	s15 =	simm.s32 $0x1480;
	[sflag:s30] =	ssyncadd.s32 $0xFFFFE000  }
0xc4: {  	[tilespmem:s22], [sflag:$0x5] =	stream.indirect.gather.add.f32 [hbm:s4], $0x40, s15, s14, $0xb8;
	[tilespmem:$0xFA80] =	vst v63  }
0xc5: {  	_ =	swait.ge [sflag:s0], $0x2000  }
0xc6: {  	[sflag:s0] =	ssyncset.done $0x0  }
0xc7: {  	s12 =	simm.s32 $0x1500;
	[sflag:s0] =	ssyncadd.s32 $0xFFFFE000  }
0xc8: {  	[tilespmem:s24], [sflag:$0x6] =	stream.indirect.gather.add.f32 [hbm:s4], $0x40, s12, s14, $0xb8;
	[tilespmem:$0xFA80] =	vst v63  }
0xc9: {  	_ =	swait.ge [sflag:s23], $0x2000  }
0xca: {  	[sflag:s23] =	ssyncset.done $0x0  }
0xcb: {  	s13 =	simm.s32 $0x1580;
	[sflag:s23] =	ssyncadd.s32 $0xFFFFE000  }
0xcc: {  	[tilespmem:s26], [sflag:$0x7] =	stream.indirect.gather.add.f32 [hbm:s4], $0x40, s13, s14, $0xb8;
	[tilespmem:$0xFA80] =	vst v63  }
0xcd: {  	_ =	swait.ge [sflag:s28], $0x2000  }
0xce: {  	[sflag:s28] =	ssyncset.done $0x0  }
0xcf: {  	s15 =	simm.s32 $0x1600;
	[sflag:s28] =	ssyncadd.s32 $0xFFFFE000  }
0xd0: {  	[tilespmem:s21], [sflag:$0x4] =	stream.indirect.gather.add.f32 [hbm:s4], $0x40, s15, s14, $0xb8;
	[tilespmem:$0xFA80] =	vst v63  }
0xd1: {  	_ =	swait.ge [sflag:s30], $0x2000  }
0xd2: {  	[sflag:s30] =	ssyncset.done $0x0  }
0xd3: {  	s12 =	simm.s32 $0x1680;
	[sflag:s30] =	ssyncadd.s32 $0xFFFFE000  }
0xd4: {  	[tilespmem:s22], [sflag:$0x5] =	stream.indirect.gather.add.f32 [hbm:s4], $0x40, s12, s14, $0xb8;
	[tilespmem:$0xFA80] =	vst v63  }
0xd5: {  	_ =	swait.ge [sflag:s0], $0x2000  }
0xd6: {  	[sflag:s0] =	ssyncset.done $0x0  }
0xd7: {  	s13 =	simm.s32 $0x1700;
	[sflag:s0] =	ssyncadd.s32 $0xFFFFE000  }
0xd8: {  	[tilespmem:s24], [sflag:$0x6] =	stream.indirect.gather.add.f32 [hbm:s4], $0x40, s13, s14, $0xb8;
	[tilespmem:$0xFA80] =	vst v63  }
0xd9: {  	_ =	swait.ge [sflag:s23], $0x2000  }
0xda: {  	[sflag:s23] =	ssyncset.done $0x0  }
0xdb: {  	s15 =	simm.s32 $0x1780;
	[sflag:s23] =	ssyncadd.s32 $0xFFFFE000  }
0xdc: {  	[tilespmem:s26], [sflag:$0x7] =	stream.indirect.gather.add.f32 [hbm:s4], $0x40, s15, s14, $0xb8;
	[tilespmem:$0xFA80] =	vst v63  }
0xdd: {  	_ =	swait.ge [sflag:s28], $0x2000  }
0xde: {  	[sflag:s28] =	ssyncset.done $0x0  }
0xdf: {  	s12 =	simm.s32 $0x1800;
	[sflag:s28] =	ssyncadd.s32 $0xFFFFE000  }
0xe0: {  	[tilespmem:s21], [sflag:$0x4] =	stream.indirect.gather.add.f32 [hbm:s4], $0x40, s12, s14, $0xb8;
	[tilespmem:$0xFA80] =	vst v63  }
0xe1: {  	_ =	swait.ge [sflag:s30], $0x2000  }
0xe2: {  	[sflag:s30] =	ssyncset.done $0x0  }
0xe3: {  	s13 =	simm.s32 $0x1880;
	s15 =	simm.s32 $0x0;
	[sflag:s30] =	ssyncadd.s32 $0xFFFFE000  }
0xe4: {  	[tilespmem:s22], [sflag:$0x5] =	stream.indirect.gather.add.f32 [hbm:s4], $0x40, s13, s14, $0xb8;
	[tilespmem:$0xFA80] =	vst v63  }
0xe5: {  	v1 =	vld [tilespmem:s15+$0x70]  }
0xe6: {  	v2 =	vld [tilespmem:s15+$0x0];
	_ =	sdelay $0x1  }
0xe7: {  	v3 =	vld [tilespmem:s15+$0x10]  }
0xe8: {  	v6 =	vimm.f32 $0.0e+00;
	v12 =	vld [tilespmem:s15+$0x20]  }
0xe9: {  	v8 =	vimm.f32 $0.0e+00;
	v7 =	vimm.f32 $0.0e+00;
	v4 =	vimm.f32 $0.0e+00;
	v10 =	vld [tilespmem:s15+$0x30]  }
0xea: {  	v5 =	vimm.f32 $0.0e+00;
	v9 =	vld [tilespmem:s15+$0x40];
	vm0 =	veq.s32 v1, $0x0;
	vm1 =	veq.s32 v2, $0x0  }
0xeb: {  	v11 =	vld [tilespmem:s15+$0x50];
	v2 =	vimm.f32 $0.0e+00;
	v1 =	vsel vm0, $0x0, v0;
	v14 =	vsel vm1, $0x0, v0  }
0xec: {  	s5 =	simm.s32 $0x400;
	s12 =	simm.s32 $0x80;
	v13 =	vld [tilespmem:s15+$0x60];
	vm0 =	veq.s32 v3, $0x0;
	v3 =	vimm.f32 $0.0e+00;
	v1 =	vadd.f32 v1, v6  }
.LBB2_2:
0xed: {  	p0 =	sne.s32 s5, $0x6200;
	v15 =	vld [tilespmem:s12+$0x70];
	v6 =	vadd.f32 v14, v6;
	v14 =	vsel vm0, $0x0, v0;
	vm0 =	veq.s32 v12, $0x0  }
0xee: {  	v16 =	vld [tilespmem:s12+$0x0];
	v8 =	vadd.f32 v14, v8;
	v12 =	vsel vm0, $0x0, v0;
	vm0 =	veq.s32 v10, $0x0  }
0xef: {  	v17 =	vld [tilespmem:s12+$0x10];
	v7 =	vadd.f32 v12, v7;
	v10 =	vsel vm0, $0x0, v0;
	vm0 =	veq.s32 v9, $0x0  }
.Ltmp0:
0xf0: {  	v12 =	vld [tilespmem:s12+$0x20];
	v4 =	vadd.f32 v10, v4;
	v9 =	vsel vm0, $0x0, v0;
	vm0 =	veq.s32 v11, $0x0;
	(pc) =	sbr.rel @p0 .LBB2_2-.Ltmp0, $4  }
0xf1: {  	v10 =	vld [tilespmem:s12+$0x30];
	v5 =	vadd.f32 v9, v5;
	v11 =	vsel vm0, $0x0, v0;
	vm0 =	veq.s32 v13, $0x0  }
0xf2: {  	v9 =	vld [tilespmem:s12+$0x40];
	vm1 =	veq.s32 v15, $0x0;
	v3 =	vadd.f32 v11, v3;
	v13 =	vsel vm0, $0x0, v0  }
0xf3: {  	vm0 =	veq.s32 v16, $0x0;
	v11 =	vld [tilespmem:s12+$0x50];
	v15 =	vsel vm1, $0x0, v0;
	v2 =	vadd.f32 v13, v2  }
0xf4: {  	v14 =	vsel vm0, $0x0, v0;
	vm0 =	veq.s32 v17, $0x0;
	v13 =	vld [tilespmem:s12+$0x60];
	s12 =	sshra.s32 s5, $0x2;
	s5 =	sadd.s32 $0x200, s5;
	v1 =	vadd.f32 v15, v1  }
0xf5: {  	v38 =	vld [tilespmem:s12+$0x0]  }
0xf6: {  	v6 =	vadd.f32 v14, v6;
	v37 =	vsel vm0, $0x0, v0;
	vm4 =	veq.s32 v12, $0x0;
	v40 =	vld [tilespmem:s12+$0x10]  }
0xf7: {  	v42 =	vld [tilespmem:s12+$0x20];
	v8 =	vadd.f32 v37, v8;
	v39 =	vsel vm4, $0x0, v0;
	vm5 =	veq.s32 v10, $0x0  }
0xf8: {  	v44 =	vld [tilespmem:s12+$0x30];
	v7 =	vadd.f32 v39, v7;
	v41 =	vsel vm5, $0x0, v0;
	vm6 =	veq.s32 v9, $0x0  }
0xf9: {  	v46 =	vld [tilespmem:s12+$0x40];
	v4 =	vadd.f32 v41, v4;
	v43 =	vsel vm6, $0x0, v0;
	vm7 =	veq.s32 v11, $0x0  }
0xfa: {  	v48 =	vld [tilespmem:s12+$0x50];
	v5 =	vadd.f32 v43, v5;
	v45 =	vsel vm7, $0x0, v0;
	vm8 =	veq.s32 v13, $0x0  }
0xfb: {  	v15 =	vld [tilespmem:s12+$0x70];
	v3 =	vadd.f32 v45, v3;
	v47 =	vsel vm8, $0x0, v0;
	vm9 =	veq.s32 v38, $0x0  }
0xfc: {  	v50 =	vld [tilespmem:s12+$0x60];
	vm10 =	veq.s32 v40, $0x0;
	vm11 =	veq.s32 v42, $0x0;
	v49 =	vsel vm9, $0x0, v0  }
0xfd: {  	vm12 =	veq.s32 v44, $0x0;
	v51 =	vsel vm10, $0x0, v0;
	v6 =	vadd.f32 v49, v6  }
0xfe: {  	vm13 =	veq.s32 v46, $0x0;
	v52 =	vsel vm12, $0x0, v0;
	v8 =	vadd.f32 v51, v8  }
0xff: {  	vm14 =	veq.s32 v48, $0x0;
	v9 =	vsel vm11, $0x0, v0;
	v4 =	vadd.f32 v52, v4;
	[tilespmem:$0xFA00] =	vst v6  }
0x100: {  	vm1 =	veq.s32 v15, $0x0;
	v7 =	vadd.f32 v9, v7;
	v6 =	vsel vm13, $0x0, v0;
	[tilespmem:$0xFA10] =	vst v8  }
0x101: {  	vm15 =	veq.s32 v50, $0x0;
	[tilespmem:$0xFA30] =	vst v4;
	v4 =	vsel vm1, $0x0, v0;
	v5 =	vadd.f32 v6, v5  }
0x102: {  	v2 =	vadd.f32 v47, v2;
	[tilespmem:$0xFA20] =	vst v7;
	v6 =	vsel vm14, $0x0, v0;
	v1 =	vadd.f32 v4, v1  }
0x103: {  	v3 =	vadd.f32 v6, v3;
	v6 =	vsel vm15, $0x0, v0;
	[tilespmem:$0xFA40] =	vst v5  }
0x104: {  	v2 =	vadd.f32 v6, v2;
	[tilespmem:$0xFA70] =	vst v1  }
0x105: {  	[tilespmem:$0xFA50] =	vst v3  }
0x106: {  	[tilespmem:$0xFA60] =	vst v2  }
0x107: {  	_ =	swait.ge [sflag:s28], $0x2000  }
0x108: {  	[sflag:s28] =	ssyncset.done $0x0  }
0x109: {  	[sflag:s28] =	ssyncadd.s32 $0xFFFFE000  }
0x10a: {  	_ =	swait.ge [sflag:s30], $0x2000  }
0x10b: {  	[sflag:s30] =	ssyncset.done $0x0  }
0x10c: {  	[sflag:s30] =	ssyncadd.s32 $0xFFFFE000  }
0x10d: {  	_ =	swait.ge [sflag:s0], $0x2000  }
0x10e: {  	[sflag:s0] =	ssyncset.done $0x0  }
0x10f: {  	[sflag:s0] =	ssyncadd.s32 $0xFFFFE000  }
0x110: {  	_ =	swait.ge [sflag:s23], $0x2000  }
0x111: {  	s5 =	simm.s32 $0x0;
	[sflag:s23] =	ssyncset.done $0x0  }
0x112: {  	s12 =	simm.s32 $0x0;
	v1 =	vmov s5;
	[sflag:s23] =	ssyncadd.s32 $0xFFFFE000  }
0x113: {  	v2 =	vld [tilespmem:s12+$0xBA00]  }
0x114: {  	v3 =	vld [tilespmem:s12+$0xBA10]  }
0x115: {  	v4 =	vld [tilespmem:s12+$0x9A00]  }
0x116: {  	v5 =	vld [tilespmem:s12+$0x9A10]  }
0x117: {  	v1 =	vld.idx.msk [tilespmem:v1+s31+$0x0], $0xffff  }
0x118: {  	v6 =	vld [tilespmem:s12+$0x5A00]  }
0x119: {  	v7 =	vld [tilespmem:s12+$0x7A00]  }
0x11a: {  	v53 =	vld [tilespmem:s12+$0x5A10]  }
0x11b: {  	v54 =	vld [tilespmem:s12+$0x7A10]  }
0x11c: {  	v55 =	vld [tilespmem:s12+$0x5A20]  }
0x11d: {  	v56 =	vld [tilespmem:s12+$0x7A20];
	v1 =	vadd.f32 $9.999999710e-10, v1  }
0x11e: {  	v57 =	vld [tilespmem:s12+$0x5A30]  }
0x11f: {  	v58 =	vld [tilespmem:s12+$0x7A30];
	(erf) = vrcp.f32 v1  }
0x120: {  	v59 =	vld [tilespmem:s12+$0x9A30]  }
0x121: {  	v1 =	vld [tilespmem:s12+$0x9A20]  }
0x122: {  	v60 =	vld [tilespmem:s12+$0xBA20]  }
0x123: {  	v61 =	vld [tilespmem:s12+$0xBA30];
	v6 =	vadd.f32 v7, v6;
	v7 =	vadd.f32 v54, v53  }
0x124: {  	v62 =	vadd.f32 v56, v55;
	v63 =	vadd.f32 v58, v57  }
0x125: {  	v4 =	vadd.f32 v4, v6;
	v5 =	vadd.f32 v5, v7  }
0x126: {  	v6 =	vadd.f32 v59, v63;
	v1 =	vadd.f32 v1, v62  }
0x127: {  	v2 =	vadd.f32 v2, v4;
	v4 =	vadd.f32 v3, v5  }
0x128: {  	v6 =	vadd.f32 v61, v6;
	v5 =	vadd.f32 v60, v1;
	v7 =	vpop (erf)  }
0x129: {  	s13 =	simm.s32 $0x1;
	v3 =	vmul.f32 v2, v7;
	v2 =	vmul.f32 v4, v7  }
0x12a: {  	s15 =	simm.s32 $0x40;
	s5 =	simm.s32 $0x200;
	v1 =	vmov s13;
	v5 =	vmul.f32 v5, v7;
	v4 =	vmul.f32 v6, v7  }
.LBB2_4:
0x12b: {  	p0 =	sne.s32 s5, $0x7F00;
	v6 =	vld [tilespmem:s15+$0xBA00];
	[tilespmem:s12+$0xDA00] =	vst v3  }
0x12c: {  	v3 =	vld [tilespmem:s15+$0xBA10];
	[tilespmem:s12+$0xDA10] =	vst v2  }
0x12d: {  	v2 =	vld [tilespmem:s15+$0x9A00];
	[tilespmem:s12+$0xDA20] =	vst v5  }
0x12e: {  	v5 =	vld [tilespmem:s15+$0x9A10];
	[tilespmem:s12+$0xDA30] =	vst v4;
	s12 =	smov.u32 s15  }
0x12f: {  	v1 =	vld.idx.msk [tilespmem:v1+s31+$0x0], $0xffff  }
0x130: {  	v4 =	vld [tilespmem:s12+$0x5A00]  }
0x131: {  	v7 =	vld [tilespmem:s12+$0x7A00]  }
0x132: {  	v8 =	vld [tilespmem:s12+$0x5A10]  }
0x133: {  	v9 =	vld [tilespmem:s12+$0x7A10]  }
0x134: {  	v10 =	vld [tilespmem:s12+$0x5A20]  }
0x135: {  	v1 =	vadd.f32 $9.999999710e-10, v1;
	v11 =	vld [tilespmem:s12+$0x7A20]  }
0x136: {  	v12 =	vld [tilespmem:s12+$0x5A30]  }
0x137: {  	v13 =	vld [tilespmem:s12+$0x7A30];
	(erf) = vrcp.f32 v1  }
0x138: {  	v1 =	vld [tilespmem:s12+$0x9A20]  }
0x139: {  	v14 =	vld [tilespmem:s12+$0x9A30]  }
0x13a: {  	v15 =	vld [tilespmem:s12+$0xBA20]  }
0x13b: {  	v4 =	vadd.f32 v7, v4;
	v7 =	vadd.f32 v9, v8;
	v8 =	vld [tilespmem:s12+$0xBA30]  }
0x13c: {  	v9 =	vadd.f32 v11, v10;
	v10 =	vadd.f32 v13, v12  }
0x13d: {  	v2 =	vadd.f32 v2, v4;
	v4 =	vadd.f32 v5, v7  }
.Ltmp1:
0x13e: {  	v1 =	vadd.f32 v1, v9;
	v5 =	vadd.f32 v14, v10;
	(pc) =	sbr.rel @p0 .LBB2_4-.Ltmp1, $4  }
0x13f: {  	v2 =	vadd.f32 v6, v2;
	v4 =	vadd.f32 v3, v4  }
0x140: {  	v6 =	vadd.f32 v15, v1;
	v7 =	vadd.f32 v8, v5;
	v8 =	vpop (erf)  }
0x141: {  	s13 =	sadd.s32 $0x1, s13;
	v3 =	vmul.f32 v2, v8;
	v2 =	vmul.f32 v4, v8  }
0x142: {  	s15 =	sshra.s32 s5, $0x2;
	s5 =	sadd.s32 $0x100, s5;
	v1 =	vmov s13;
	v5 =	vmul.f32 v6, v8;
	v4 =	vmul.f32 v7, v8  }
0x143: {  	v6 =	vld [tilespmem:s15+$0xBA00];
	[tilespmem:s12+$0xDA00] =	vst v3  }
0x144: {  	v3 =	vld [tilespmem:s15+$0xBA10];
	[tilespmem:s12+$0xDA10] =	vst v2  }
0x145: {  	v2 =	vld [tilespmem:s15+$0x9A00];
	[tilespmem:s12+$0xDA20] =	vst v5  }
0x146: {  	v5 =	vld [tilespmem:s15+$0x9A10];
	[tilespmem:s12+$0xDA30] =	vst v4  }
0x147: {  	v1 =	vld.idx.msk [tilespmem:v1+s31+$0x0], $0xffff;
	_ =	sdelay $0x1  }
0x148: {  	v4 =	vld [tilespmem:s15+$0x5A00]  }
0x149: {  	v7 =	vld [tilespmem:s15+$0x7A00]  }
0x14a: {  	v8 =	vld [tilespmem:s15+$0x5A10]  }
0x14b: {  	v9 =	vld [tilespmem:s15+$0x7A10];
	v1 =	vadd.f32 $9.999999710e-10, v1  }
0x14c: {  	v10 =	vld [tilespmem:s15+$0x5A20]  }
0x14d: {  	v11 =	vld [tilespmem:s15+$0x7A20];
	(erf) = vrcp.f32 v1  }
0x14e: {  	v12 =	vld [tilespmem:s15+$0x7A30]  }
0x14f: {  	v1 =	vld [tilespmem:s15+$0x5A30]  }
0x150: {  	v13 =	vld [tilespmem:s15+$0x9A20]  }
0x151: {  	v14 =	vld [tilespmem:s15+$0x9A30];
	v4 =	vadd.f32 v7, v4  }
0x152: {  	v59 =	vld [tilespmem:s15+$0xBA20];
	v8 =	vadd.f32 v9, v8  }
0x153: {  	v60 =	vld [tilespmem:s15+$0xBA30];
	v10 =	vadd.f32 v11, v10;
	v2 =	vadd.f32 v2, v4  }
0x154: {  	v61 =	vadd.f32 v5, v8;
	v1 =	vadd.f32 v12, v1  }
0x155: {  	v62 =	vadd.f32 v13, v10;
	v2 =	vadd.f32 v6, v2  }
0x156: {  	v3 =	vadd.f32 v3, v61;
	v1 =	vadd.f32 v14, v1;
	v63 =	vpop (erf)  }
0x157: {  	v5 =	vadd.f32 v59, v62;
	v2 =	vmul.f32 v2, v63  }
0x158: {  	v1 =	vadd.f32 v60, v1;
	v3 =	vmul.f32 v3, v63  }
0x159: {  	v5 =	vmul.f32 v5, v63;
	[tilespmem:s15+$0xDA00] =	vst v2  }
0x15a: {  	v1 =	vmul.f32 v1, v63;
	[tilespmem:s15+$0xDA10] =	vst v3  }
0x15b: {  	[tilespmem:s15+$0xDA20] =	vst v5  }
0x15c: {  	[tilespmem:s15+$0xDA30] =	vst v1  }
0x15d: {  	_ =	swait.ge [sflag:s16], $0x2000  }
0x15e: {  	[sflag:s16] =	ssyncset.done $0x0  }
0x15f: {  	[sflag:s16] =	ssyncadd.s32 $0xFFFFE000  }
0x160: {  	_ =	swait.ge [sflag:s17], $0x2000  }
0x161: {  	[sflag:s17] =	ssyncset.done $0x0  }
0x162: {  	[sflag:s17] =	ssyncadd.s32 $0xFFFFE000  }
0x163: {  	[hbm4b:s6+s1] =	stream.strided.scatter [tilespmem:s18], [sflag:$0x8], $0x2000, s25, s1, $0x38;
	[tilespmem:$0xFA80] =	vst v63  }
0x164: {  	_ =	swait.ge [sflag:s29], $0x2000  }
0x165: {  	[sflag:s29] =	ssyncset.done $0x0  }
0x166: {  	s5 =	simm.s32 $0xDA00;
	[sflag:s29] =	ssyncadd.s32 $0xFFFFE000  }
0x167: {  	[hbm4b:s9+s1] =	stream.strided.scatter [tilespmem:s5], [sflag:$0x8], $0x2000, s25, s1, $0x38;
	[tilespmem:$0xFA80] =	vst v63  }
0x168: {  	s3 =	sadd.s32 $0x1, s3;
	_ =	swait.ge [sflag:s29], $0x2000  }
0x169: {  	p0 =	sne.s32 s3, s11;
	[sflag:s29] =	ssyncset.done $0x0  }
.Ltmp2:
0x16a: {  	[sflag:s29] =	ssyncadd.s32 $0xFFFFE000;
	(pc) =	sbr.rel @p0 .LBB2_1-.Ltmp2, $4  }
0x16b: {  	[hbm4b:s10+s1] =	stream.strided.scatter [tilespmem:s19], [sflag:$0x8], $0x2000, s25, s1, $0x38;
	[tilespmem:$0xFA80] =	vst v63  }
0x16c: {  	_ =	swait.ge [sflag:s29], $0x2000  }
0x16d: {  	[sflag:s29] =	ssyncset.done $0x0  }
0x16e: {  	[sflag:s29] =	ssyncadd.s32 $0xFFFFE000  }
0x16f: {  	_ =	sfence.sel $0x180000  }
0x170: {  	[bflag:$0x0] =	sbarrier.arrive $0xFFFF  }
0x171: {  	_ =	strace $0x90000047  }
0x172: {  	s0 =	stileid.u32;
	[bflag:$0x2] =	sbarrier.arrive $0xFFFF  }
0x173: {  	p0 =	sne.s32 s0, $0x0;
	s0 =	rddreg [dreg:$0x4]  }
0x174: {  	s0 =	sadd.s32 @!p0 $0x100000, s0  }
0x175: {  	[sflag:s0] =	ssyncadd.tile.s32 @!p0 $0x1;
	_ =	shalt  }
.Lfunc_end2:
_tile_overlayer_lowered:
.L_overlay_start_2:
0x176: {  	(tag) =	ssettag $0x2  }
0x177: {  	s0 =	rddreg [dreg:$0x0];
	s2 =	stileid.u32  }
0x178: {  	s1 =	rddreg [dreg:$0x1];
	p0 =	sne.s32 s2, $0x0  }
0x179: {  	s3 =	rddreg [dreg:$0x2];
	[bflag:$0x3] =	sbarrier.arrive $0xFFFF;
	s2 =	simm.s32 @!p0 $0x1C08  }
0x17a: {  	[timem:s3], [sflag:s2] =	dma.local @!p0 [hbm:s0], s1  }
0x17b: {  	s0 =	simm.s32 @!p0 $0x8  }
0x17c: {  	_ =	swait.ge @!p0 [sflag:s0], s1  }
0x17d: {  	s1 =	ssub.s32 @!p0 $0x0, s1;
	[sflag:s0] =	ssyncset.done @!p0 $0x0  }
0x17e: {  	[sflag:s0] =	ssyncadd.s32 @!p0 s1  }
0x17f: {  	[bflag:$0x3] =	sbarrier.arrive $0xFFFF  }
0x180: {  	_ =	shalt  }

</sc_bundles>
